<compile_context>
chip_gen: v7x
topology: tpu7x:2x2x1
jax: 0.10.2.dev20260603
libtpu: 0.0.44.dev20260713+nightly
codegen_flags: <defaults>
</compile_context>

<pallas_src>
import functools

import jax
import jax.numpy as jnp
from jax import lax
from jax.experimental import pallas as pl
from jax.experimental.pallas import tpu as pltpu
from jax.experimental.pallas import tpu_sc as plsc

E = 8
H = 1024
I = 2048
BT = 512
IT = 512
NW = 32
CHUNK = 32


def _router_body(x_ref, gw_ref, logits_ref, idx_ref, p_ref):
    x = x_ref[...]
    gw = gw_ref[...]
    logits = lax.dot_general(x, gw, (((1,), (1,)), ((), ())),
                             preferred_element_type=jnp.float32)
    logits_ref[...] = logits
    m = jnp.max(logits, axis=-1, keepdims=True)
    ex = jnp.exp(logits - m)
    p = ex / jnp.sum(ex, axis=-1, keepdims=True)
    lane = lax.broadcasted_iota(jnp.int32, p.shape, 1)
    m1 = jnp.max(p, axis=-1, keepdims=True)
    i1 = jnp.min(jnp.where(p == m1, lane, E), axis=-1, keepdims=True)
    p2m = jnp.where(lane == i1, -1.0, p)
    m2 = jnp.max(p2m, axis=-1, keepdims=True)
    i2 = jnp.min(jnp.where(p2m == m2, lane, E), axis=-1, keepdims=True)
    idx_ref[...] = jnp.concatenate([i1, i2], axis=1)
    p_ref[...] = jnp.concatenate([m1, m2], axis=1)


def _gmm_body(be_ref, xs_ref, gw_ref, uw_ref, dw_ref, ys_ref, acc_ref):
    gidx = pl.program_id(0)
    i = pl.program_id(1)
    nreal = be_ref[be_ref.shape[0] - 1]

    @pl.when(i == 0)
    def _():
        acc_ref[...] = jnp.zeros_like(acc_ref)

    @pl.when(gidx < nreal)
    def _():
        xb = xs_ref[...].astype(jnp.bfloat16)
        g = lax.dot_general(xb, gw_ref[0], (((1,), (1,)), ((), ())),
                            preferred_element_type=jnp.float32)
        u = lax.dot_general(xb, uw_ref[0], (((1,), (1,)), ((), ())),
                            preferred_element_type=jnp.float32)
        h = ((g * jax.nn.sigmoid(g)) * u).astype(jnp.bfloat16)
        acc_ref[...] += lax.dot_general(
            h, dw_ref[0], (((1,), (1,)), ((), ())),
            preferred_element_type=jnp.float32)

    @pl.when(i == pl.num_programs(1) - 1)
    def _():
        ys_ref[...] = acc_ref[...]


def _pairsum_body(g_ref, p_ref, out_ref):
    g = g_ref[...]
    p = p_ref[...]
    out_ref[...] = (p[:, 0][:, None] * g[:, 0, :]
                    + p[:, 1][:, None] * g[:, 1, :])


def _make_sc_scatter(n_tok, n_out):
    nc = n_tok // (NW * CHUNK)
    mesh = plsc.VectorSubcoreMesh(core_axis_name="c", subcore_axis_name="s")

    @functools.partial(
        pl.kernel, mesh=mesh,
        out_type=jax.ShapeDtypeStruct((n_out, H), jnp.float32),
        scratch_types=[
            pltpu.VMEM((nc, CHUNK), jnp.int32),
            pltpu.VMEM((nc, CHUNK), jnp.int32),
            pltpu.VMEM((CHUNK, H), jnp.float32),
            pltpu.VMEM((CHUNK, H), jnp.float32),
            pltpu.SemaphoreType.DMA,
            pltpu.SemaphoreType.DMA,
            pltpu.SemaphoreType.DMA,
            pltpu.SemaphoreType.DMA,
        ],
    )
    def k(x_hbm, pe_hbm, po_hbm, out_hbm, pe_v, po_v, rows_v0, rows_v1,
          ls0, ls1, ss0, ss1):
        wid = lax.axis_index("s") * 2 + lax.axis_index("c")
        pltpu.sync_copy(pe_hbm.at[wid], pe_v)
        pltpu.sync_copy(po_hbm.at[wid], po_v)
        bufs = (rows_v0, rows_v1)
        lsems = (ls0, ls1)
        ssems = (ss0, ss1)
        base = wid * nc * CHUNK
        loads = [None] * nc
        stores = [None] * (2 * nc)
        loads[0] = pltpu.async_copy(
            x_hbm.at[pl.ds(base, CHUNK)], bufs[0], lsems[0])
        for c in range(nc):
            loads[c].wait()
            stores[2 * c] = pltpu.async_copy(
                bufs[c % 2], out_hbm.at[pe_v.at[c]], ssems[c % 2])
            stores[2 * c + 1] = pltpu.async_copy(
                bufs[c % 2], out_hbm.at[po_v.at[c]], ssems[c % 2])
            if c + 1 < nc:
                if c >= 1:
                    stores[2 * c - 2].wait()
                    stores[2 * c - 1].wait()
                loads[c + 1] = pltpu.async_copy(
                    x_hbm.at[pl.ds(base + (c + 1) * CHUNK, CHUNK)],
                    bufs[(c + 1) % 2], lsems[(c + 1) % 2])
        if nc >= 2:
            stores[2 * nc - 4].wait()
            stores[2 * nc - 3].wait()
        stores[2 * nc - 2].wait()
        stores[2 * nc - 1].wait()

    return k


def _make_sc_gather(n_rows):
    nc = n_rows // (NW * CHUNK)
    mesh = plsc.VectorSubcoreMesh(core_axis_name="c", subcore_axis_name="s")

    @functools.partial(
        pl.kernel, mesh=mesh,
        out_type=jax.ShapeDtypeStruct((n_rows, H), jnp.float32),
        scratch_types=[
            pltpu.VMEM((nc, CHUNK), jnp.int32),
            pltpu.VMEM((CHUNK, H), jnp.float32),
            pltpu.VMEM((CHUNK, H), jnp.float32),
            pltpu.SemaphoreType.DMA,
            pltpu.SemaphoreType.DMA,
            pltpu.SemaphoreType.DMA,
            pltpu.SemaphoreType.DMA,
        ],
    )
    def k(src_hbm, idx_hbm, out_hbm, idx_v, rows_v0, rows_v1, gs0, gs1,
          ss0, ss1):
        wid = lax.axis_index("s") * 2 + lax.axis_index("c")
        pltpu.sync_copy(idx_hbm.at[wid], idx_v)
        bufs = (rows_v0, rows_v1)
        gsems = (gs0, gs1)
        ssems = (ss0, ss1)
        gathers = [None] * nc
        stores = [None] * nc
        gathers[0] = pltpu.async_copy(src_hbm.at[idx_v.at[0]], bufs[0],
                                      gsems[0])
        for c in range(nc):
            gathers[c].wait()
            stores[c] = pltpu.async_copy(
                bufs[c % 2],
                out_hbm.at[pl.ds((wid * nc + c) * CHUNK, CHUNK)],
                ssems[c % 2])
            if c + 1 < nc:
                if c >= 1:
                    stores[c - 1].wait()
                gathers[c + 1] = pltpu.async_copy(
                    src_hbm.at[idx_v.at[c + 1]], bufs[(c + 1) % 2],
                    gsems[(c + 1) % 2])
        if nc >= 2:
            stores[nc - 2].wait()
        stores[nc - 1].wait()

    return k


@jax.jit
def _run(x, gate_w, gate_proj_w, up_proj_w, down_proj_w):
    T = x.shape[0]
    A = 2 * T
    A_BUF = A + E * BT
    G = A_BUF // BT
    NT = T // 512
    NI = I // IT

    logits, idx2, p2 = pl.pallas_call(
        _router_body,
        grid=(NT,),
        in_specs=[
            pl.BlockSpec((512, H), lambda t: (t, 0)),
            pl.BlockSpec((E, H), lambda t: (0, 0)),
        ],
        out_specs=[
            pl.BlockSpec((512, E), lambda t: (t, 0)),
            pl.BlockSpec((512, 2), lambda t: (t, 0)),
            pl.BlockSpec((512, 2), lambda t: (t, 0)),
        ],
        out_shape=[
            jax.ShapeDtypeStruct((T, E), jnp.float32),
            jax.ShapeDtypeStruct((T, 2), jnp.int32),
            jax.ShapeDtypeStruct((T, 2), jnp.float32),
        ],
    )(x, gate_w)

    a = idx2.reshape(-1)
    oh = (a[:, None] == jnp.arange(E, dtype=jnp.int32)).astype(jnp.int32)
    cum = jnp.cumsum(oh, axis=0)
    rank = jnp.take_along_axis(cum, a[:, None], axis=1)[:, 0] - 1
    counts = cum[-1]
    nb = (counts + BT - 1) // BT
    cnb = jnp.cumsum(nb)
    blk_start = cnb - nb
    pos = (blk_start[a] * BT + rank).astype(jnp.int32)
    block_expert = jnp.minimum(
        jnp.searchsorted(cnb, jnp.arange(G, dtype=jnp.int32), side="right"),
        E - 1).astype(jnp.int32)
    block_expert = jnp.concatenate(
        [block_expert, cnb[-1:].astype(jnp.int32)])
    pos2 = pos.reshape(T, 2)

    xs = _make_sc_scatter(T, A_BUF)(
        x, pos2[:, 0].reshape(NW, -1, CHUNK),
        pos2[:, 1].reshape(NW, -1, CHUNK))

    ys = pl.pallas_call(
        _gmm_body,
        grid_spec=pltpu.PrefetchScalarGridSpec(
            num_scalar_prefetch=1,
            grid=(G, NI),
            in_specs=[
                pl.BlockSpec((BT, H), lambda g, i, be: (g, 0)),
                pl.BlockSpec((1, IT, H), lambda g, i, be: (be[g], i, 0)),
                pl.BlockSpec((1, IT, H), lambda g, i, be: (be[g], i, 0)),
                pl.BlockSpec((1, H, IT), lambda g, i, be: (be[g], 0, i)),
            ],
            out_specs=pl.BlockSpec((BT, H), lambda g, i, be: (g, 0)),
            scratch_shapes=[pltpu.VMEM((BT, H), jnp.float32)],
        ),
        out_shape=jax.ShapeDtypeStruct((A_BUF, H), jnp.float32),
        compiler_params=pltpu.CompilerParams(
            dimension_semantics=("arbitrary", "arbitrary")),
    )(block_expert, xs, gate_proj_w.astype(jnp.bfloat16),
      up_proj_w.astype(jnp.bfloat16), down_proj_w.astype(jnp.bfloat16))

    g3 = _make_sc_gather(A)(
        ys, pos.reshape(NW, -1, CHUNK)).reshape(T, 2, H)

    final = pl.pallas_call(
        _pairsum_body,
        grid=(NT,),
        in_specs=[
            pl.BlockSpec((512, 2, H), lambda t: (t, 0, 0)),
            pl.BlockSpec((512, 2), lambda t: (t, 0)),
        ],
        out_specs=pl.BlockSpec((512, H), lambda t: (t, 0)),
        out_shape=jax.ShapeDtypeStruct((T, H), jnp.float32),
    )(g3, p2)

    return final, logits


def kernel(hidden_state, gate_w, gate_proj_w, up_proj_w, down_proj_w):
    b, s, h = hidden_state.shape
    x = hidden_state.reshape(-1, h)
    final, logits = _run(x, gate_w, gate_proj_w, up_proj_w, down_proj_w)
    return final.reshape(b, s, h), logits

# --- scband reference (transcript-rebuilt; emitter-appended) ---
"""Pipeline reference for scband-mo-e-23622320128375 (READ-ONLY COPY).

The authoritative reference and input builder live on the scoring server;
editing this copy changes nothing except your own understanding.
"""

import jax, jax.numpy as jnp
import numpy as np

E = 8
TOP_K = 2
H = 1024
I = 2048
B, S = 2, 2048

def setup_inputs(seed: int = 0) -> dict:
    key = jax.random.key(seed)
    ks = jax.random.split(key, 5)
    scale_h = 1.0 / np.sqrt(H)
    scale_i = 1.0 / np.sqrt(I)
    hidden_state = jax.random.normal(ks[0], (B, S, H), dtype=jnp.float32)
    gate_w = jax.random.normal(ks[1], (E, H), dtype=jnp.float32) * scale_h
    gate_proj_w = jax.random.normal(ks[2], (E, I, H), dtype=jnp.float32) * scale_h
    up_proj_w = jax.random.normal(ks[3], (E, I, H), dtype=jnp.float32) * scale_h
    down_proj_w = jax.random.normal(ks[4], (E, H, I), dtype=jnp.float32) * scale_i
    return {"hidden_state": hidden_state, "gate_w": gate_w,
            "gate_proj_w": gate_proj_w, "up_proj_w": up_proj_w,
            "down_proj_w": down_proj_w}

def _expert_mlp(x, gw, uw, dw):
    # MoeMLP: down_proj(silu(gate_proj(x)) * up_proj(x)); all Linear, bias=False
    return (jax.nn.silu(x @ gw.T) * (x @ uw.T)) @ dw.T

def reference(hidden_state, gate_w, gate_proj_w, up_proj_w, down_proj_w):
    b, s, h = hidden_state.shape
    x = hidden_state.reshape(-1, h)  # [T, H]
    router_logits = x @ gate_w.T  # [T, E]
    router_probs = jax.nn.softmax(router_logits, axis=-1)
    top_probs, top_idx = jax.lax.top_k(router_probs, TOP_K)  # [T, k]
    # norm_expert=False: no renormalization
    # per-token per-expert combine weight (0 for unselected experts)
    onehot = jax.nn.one_hot(top_idx, E, dtype=x.dtype)  # [T, k, E]
    weights = jnp.sum(top_probs[..., None] * onehot, axis=1)  # [T, E]
    # compute each expert on all tokens (zero weight -> zero contribution,
    # mathematically identical to torch's gather/index_add dispatch)
    expert_outs = jax.vmap(_expert_mlp, in_axes=(None, 0, 0, 0))(
        x, gate_proj_w, up_proj_w, down_proj_w)  # [E, T, H]
    final = jnp.einsum('te,eth->th', weights, expert_outs)
    final = final.reshape(b, s, h)
    return (final, router_logits)

if __name__ == "__main__":
    import jax
    _d = setup_inputs()
    print(jax.jit(kernel)(*tuple(_d.values())))

</pallas_src>

<mosaic_0001>
#map = affine_map<(d0, d1) -> (0, 0)>
#map1 = affine_map<(d0, d1) -> (0, 0, 0)>
module attributes {stable_mosaic.version = 14 : i64} {
  func.func @k(%arg0: i32, %arg1: i32, %arg2: memref<12288x1024xf32, #tpu.memory_space<hbm>>, %arg3: memref<32x8x32xi32, #tpu.memory_space<hbm>>, %arg4: memref<8192x1024xf32, #tpu.memory_space<hbm>>, %arg5: memref<8x32xi32, #tpu.memory_space<vmem>>, %arg6: memref<32x1024xf32, #tpu.memory_space<vmem>>, %arg7: memref<32x1024xf32, #tpu.memory_space<vmem>>, %arg8: memref<!tpu.dma_semaphore, #tpu.memory_space<semaphore_mem>>, %arg9: memref<!tpu.dma_semaphore, #tpu.memory_space<semaphore_mem>>, %arg10: memref<!tpu.dma_semaphore, #tpu.memory_space<semaphore_mem>>, %arg11: memref<!tpu.dma_semaphore, #tpu.memory_space<semaphore_mem>>) attributes {dimension_semantics = [#tpu.dimension_semantics<core_parallel>, #tpu.dimension_semantics<subcore_parallel>], iteration_bounds = array<i64: 2, 16>, scalar_prefetch = 0 : i64, scratch_operands = 7 : i64, tpu.core_type = #tpu.core_type<sc_vector_subcore>, window_params = [{transform_indices = #map}, {transform_indices = #map1}, {transform_indices = #map}]} {
    %mul3A = arith.constant 2 : i32
    %mul3A_0 = arith.muli %arg1, %mul3A : i32
    %add3A = arith.addi %mul3A_0, %arg0 : i32
    "tpu.region"() ({
      %run_scoped3A = tpu.sem_alloc : memref<!tpu.dma_semaphore, #tpu.memory_space<semaphore_mem>>
      %dma_start3A_223 = arith.constant 0 : i32
      %dma_start3A_224 = arith.constant 0 : i32
      %dma_start3A_225 = tpu.memref_slice %arg3[%add3A, %dma_start3A_223, %dma_start3A_224] : memref<32x8x32xi32, #tpu.memory_space<hbm>> -> memref<1x8x32xi32, #tpu.memory_space<hbm>>
      %dma_start3A_226 = tpu.memref_squeeze %dma_start3A_225 : memref<1x8x32xi32, #tpu.memory_space<hbm>> -> memref<8x32xi32, #tpu.memory_space<hbm>>
      %dma_start3A_227 = arith.constant 0 : i32
      %dma_start3A_228 = arith.constant 0 : i32
      %dma_start3A_229 = tpu.memref_slice %arg3[%add3A, %dma_start3A_227, %dma_start3A_228] : memref<32x8x32xi32, #tpu.memory_space<hbm>> -> memref<1x8x32xi32, #tpu.memory_space<hbm>>
      %dma_start3A_230 = tpu.memref_squeeze %dma_start3A_229 : memref<1x8x32xi32, #tpu.memory_space<hbm>> -> memref<8x32xi32, #tpu.memory_space<hbm>>
      tpu.enqueue_dma source(%dma_start3A_230 : memref<8x32xi32, #tpu.memory_space<hbm>>) target(%arg5 : memref<8x32xi32, #tpu.memory_space<vmem>>) target_semaphore(%run_scoped3A : memref<!tpu.dma_semaphore, #tpu.memory_space<semaphore_mem>>)
      %dma_wait3A_231 = arith.constant 0 : i32
      %dma_wait3A_232 = arith.constant 0 : i32
      %dma_wait3A_233 = tpu.memref_slice %arg3[%add3A, %dma_wait3A_231, %dma_wait3A_232] : memref<32x8x32xi32, #tpu.memory_space<hbm>> -> memref<1x8x32xi32, #tpu.memory_space<hbm>>
      %dma_wait3A_234 = tpu.memref_squeeze %dma_wait3A_233 : memref<1x8x32xi32, #tpu.memory_space<hbm>> -> memref<8x32xi32, #tpu.memory_space<hbm>>
      %dma_wait3A_235 = arith.constant 0 : i32
      %dma_wait3A_236 = arith.constant 0 : i32
      %dma_wait3A_237 = tpu.memref_slice %arg3[%add3A, %dma_wait3A_235, %dma_wait3A_236] : memref<32x8x32xi32, #tpu.memory_space<hbm>> -> memref<1x8x32xi32, #tpu.memory_space<hbm>>
      %dma_wait3A_238 = tpu.memref_squeeze %dma_wait3A_237 : memref<1x8x32xi32, #tpu.memory_space<hbm>> -> memref<8x32xi32, #tpu.memory_space<hbm>>
      tpu.wait_dma2 semaphore(%run_scoped3A : memref<!tpu.dma_semaphore, #tpu.memory_space<semaphore_mem>>) src(%dma_wait3A_238 : memref<8x32xi32, #tpu.memory_space<hbm>>) dst(%arg5 : memref<8x32xi32, #tpu.memory_space<vmem>>)
      tpu.yield
    }) : () -> ()
    %dma_start3A = arith.constant 0 : i32
    %dma_start3A_1 = arith.constant 0 : i32
    %dma_start3A_2 = tpu.memref_slice %arg5[%dma_start3A, %dma_start3A_1] : memref<8x32xi32, #tpu.memory_space<vmem>> -> memref<1x32xi32, #tpu.memory_space<vmem>>
    %dma_start3A_3 = tpu.memref_squeeze %dma_start3A_2 : memref<1x32xi32, #tpu.memory_space<vmem>> -> memref<32xi32, #tpu.memory_space<vmem>>
    %dma_start3A_4 = arith.constant 0 : i32
    %dma_start3A_5 = arith.constant 0 : i32
    %dma_start3A_6 = tpu.memref_slice %arg2[%dma_start3A_4, %dma_start3A_5] : memref<12288x1024xf32, #tpu.memory_space<hbm>> -> memref<12288x1024xf32, #tpu.memory_space<hbm>>
    tpu.enqueue_indirect_dma source(%dma_start3A_6 : memref<12288x1024xf32, #tpu.memory_space<hbm>>) target(%arg6 : memref<32x1024xf32, #tpu.memory_space<vmem>>) offsets(%dma_start3A_3 : memref<32xi32, #tpu.memory_space<vmem>>) semaphore(%arg8 : memref<!tpu.dma_semaphore, #tpu.memory_space<semaphore_mem>>)
    %dma_wait3A = arith.constant 0 : i32
    %dma_wait3A_7 = arith.constant 0 : i32
    %dma_wait3A_8 = tpu.memref_slice %arg5[%dma_wait3A, %dma_wait3A_7] : memref<8x32xi32, #tpu.memory_space<vmem>> -> memref<1x32xi32, #tpu.memory_space<vmem>>
    %dma_wait3A_9 = tpu.memref_squeeze %dma_wait3A_8 : memref<1x32xi32, #tpu.memory_space<vmem>> -> memref<32xi32, #tpu.memory_space<vmem>>
    %dma_wait3A_10 = arith.constant 0 : i32
    %dma_wait3A_11 = arith.constant 0 : i32
    %dma_wait3A_12 = tpu.memref_slice %arg2[%dma_wait3A_10, %dma_wait3A_11] : memref<12288x1024xf32, #tpu.memory_space<hbm>> -> memref<12288x1024xf32, #tpu.memory_space<hbm>>
    tpu.wait_indirect_dma semaphore(%arg8 : memref<!tpu.dma_semaphore, #tpu.memory_space<semaphore_mem>>) src(%dma_wait3A_12 : memref<12288x1024xf32, #tpu.memory_space<hbm>>) dst(%arg6 : memref<32x1024xf32, #tpu.memory_space<vmem>>)
    %mul3A_13 = arith.constant 8 : i32
    %mul3A_14 = arith.muli %add3A, %mul3A_13 : i32
    %add3A_15 = arith.constant 0 : i32
    %add3A_16 = arith.addi %mul3A_14, %add3A_15 : i32
    %mul3A_17 = arith.constant 32 : i32
    %mul3A_18 = arith.muli %add3A_16, %mul3A_17 : i32
    %dma_start3A_19 = arith.constant 0 : i32
    %dma_start3A_20 = tpu.memref_slice %arg4[%mul3A_18, %dma_start3A_19] : memref<8192x1024xf32, #tpu.memory_space<hbm>> -> memref<32x1024xf32, #tpu.memory_space<hbm>>
    %dma_start3A_21 = arith.constant 0 : i32
    %dma_start3A_22 = tpu.memref_slice %arg4[%mul3A_18, %dma_start3A_21] : memref<8192x1024xf32, #tpu.memory_space<hbm>> -> memref<32x1024xf32, #tpu.memory_space<hbm>>
    tpu.enqueue_dma source(%arg6 : memref<32x1024xf32, #tpu.memory_space<vmem>>) target(%dma_start3A_22 : memref<32x1024xf32, #tpu.memory_space<hbm>>) target_semaphore(%arg10 : memref<!tpu.dma_semaphore, #tpu.memory_space<semaphore_mem>>)
    %dma_start3A_23 = arith.constant 1 : i32
    %dma_start3A_24 = arith.constant 0 : i32
    %dma_start3A_25 = tpu.memref_slice %arg5[%dma_start3A_23, %dma_start3A_24] : memref<8x32xi32, #tpu.memory_space<vmem>> -> memref<1x32xi32, #tpu.memory_space<vmem>>
    %dma_start3A_26 = tpu.memref_squeeze %dma_start3A_25 : memref<1x32xi32, #tpu.memory_space<vmem>> -> memref<32xi32, #tpu.memory_space<vmem>>
    %dma_start3A_27 = arith.constant 0 : i32
    %dma_start3A_28 = arith.constant 0 : i32
    %dma_start3A_29 = tpu.memref_slice %arg2[%dma_start3A_27, %dma_start3A_28] : memref<12288x1024xf32, #tpu.memory_space<hbm>> -> memref<12288x1024xf32, #tpu.memory_space<hbm>>
    tpu.enqueue_indirect_dma source(%dma_start3A_29 : memref<12288x1024xf32, #tpu.memory_space<hbm>>) target(%arg7 : memref<32x1024xf32, #tpu.memory_space<vmem>>) offsets(%dma_start3A_26 : memref<32xi32, #tpu.memory_space<vmem>>) semaphore(%arg9 : memref<!tpu.dma_semaphore, #tpu.memory_space<semaphore_mem>>)
    %dma_wait3A_30 = arith.constant 1 : i32
    %dma_wait3A_31 = arith.constant 0 : i32
    %dma_wait3A_32 = tpu.memref_slice %arg5[%dma_wait3A_30, %dma_wait3A_31] : memref<8x32xi32, #tpu.memory_space<vmem>> -> memref<1x32xi32, #tpu.memory_space<vmem>>
    %dma_wait3A_33 = tpu.memref_squeeze %dma_wait3A_32 : memref<1x32xi32, #tpu.memory_space<vmem>> -> memref<32xi32, #tpu.memory_space<vmem>>
    %dma_wait3A_34 = arith.constant 0 : i32
    %dma_wait3A_35 = arith.constant 0 : i32
    %dma_wait3A_36 = tpu.memref_slice %arg2[%dma_wait3A_34, %dma_wait3A_35] : memref<12288x1024xf32, #tpu.memory_space<hbm>> -> memref<12288x1024xf32, #tpu.memory_space<hbm>>
    tpu.wait_indirect_dma semaphore(%arg9 : memref<!tpu.dma_semaphore, #tpu.memory_space<semaphore_mem>>) src(%dma_wait3A_36 : memref<12288x1024xf32, #tpu.memory_space<hbm>>) dst(%arg7 : memref<32x1024xf32, #tpu.memory_space<vmem>>)
    %mul3A_37 = arith.constant 8 : i32
    %mul3A_38 = arith.muli %add3A, %mul3A_37 : i32
    %add3A_39 = arith.constant 1 : i32
    %add3A_40 = arith.addi %mul3A_38, %add3A_39 : i32
    %mul3A_41 = arith.constant 32 : i32
    %mul3A_42 = arith.muli %add3A_40, %mul3A_41 : i32
    %dma_start3A_43 = arith.constant 0 : i32
    %dma_start3A_44 = tpu.memref_slice %arg4[%mul3A_42, %dma_start3A_43] : memref<8192x1024xf32, #tpu.memory_space<hbm>> -> memref<32x1024xf32, #tpu.memory_space<hbm>>
    %dma_start3A_45 = arith.constant 0 : i32
    %dma_start3A_46 = tpu.memref_slice %arg4[%mul3A_42, %dma_start3A_45] : memref<8192x1024xf32, #tpu.memory_space<hbm>> -> memref<32x1024xf32, #tpu.memory_space<hbm>>
    tpu.enqueue_dma source(%arg7 : memref<32x1024xf32, #tpu.memory_space<vmem>>) target(%dma_start3A_46 : memref<32x1024xf32, #tpu.memory_space<hbm>>) target_semaphore(%arg11 : memref<!tpu.dma_semaphore, #tpu.memory_space<semaphore_mem>>)
    %dma_wait3A_47 = arith.constant 0 : i32
    %dma_wait3A_48 = tpu.memref_slice %arg4[%mul3A_18, %dma_wait3A_47] : memref<8192x1024xf32, #tpu.memory_space<hbm>> -> memref<32x1024xf32, #tpu.memory_space<hbm>>
    %dma_wait3A_49 = arith.constant 0 : i32
    %dma_wait3A_50 = tpu.memref_slice %arg4[%mul3A_18, %dma_wait3A_49] : memref<8192x1024xf32, #tpu.memory_space<hbm>> -> memref<32x1024xf32, #tpu.memory_space<hbm>>
    tpu.wait_dma2 semaphore(%arg10 : memref<!tpu.dma_semaphore, #tpu.memory_space<semaphore_mem>>) src(%arg6 : memref<32x1024xf32, #tpu.memory_space<vmem>>) dst(%dma_wait3A_50 : memref<32x1024xf32, #tpu.memory_space<hbm>>)
    %dma_start3A_51 = arith.constant 2 : i32
    %dma_start3A_52 = arith.constant 0 : i32
    %dma_start3A_53 = tpu.memref_slice %arg5[%dma_start3A_51, %dma_start3A_52] : memref<8x32xi32, #tpu.memory_space<vmem>> -> memref<1x32xi32, #tpu.memory_space<vmem>>
    %dma_start3A_54 = tpu.memref_squeeze %dma_start3A_53 : memref<1x32xi32, #tpu.memory_space<vmem>> -> memref<32xi32, #tpu.memory_space<vmem>>
    %dma_start3A_55 = arith.constant 0 : i32
    %dma_start3A_56 = arith.constant 0 : i32
    %dma_start3A_57 = tpu.memref_slice %arg2[%dma_start3A_55, %dma_start3A_56] : memref<12288x1024xf32, #tpu.memory_space<hbm>> -> memref<12288x1024xf32, #tpu.memory_space<hbm>>
    tpu.enqueue_indirect_dma source(%dma_start3A_57 : memref<12288x1024xf32, #tpu.memory_space<hbm>>) target(%arg6 : memref<32x1024xf32, #tpu.memory_space<vmem>>) offsets(%dma_start3A_54 : memref<32xi32, #tpu.memory_space<vmem>>) semaphore(%arg8 : memref<!tpu.dma_semaphore, #tpu.memory_space<semaphore_mem>>)
    %dma_wait3A_58 = arith.constant 2 : i32
    %dma_wait3A_59 = arith.constant 0 : i32
    %dma_wait3A_60 = tpu.memref_slice %arg5[%dma_wait3A_58, %dma_wait3A_59] : memref<8x32xi32, #tpu.memory_space<vmem>> -> memref<1x32xi32, #tpu.memory_space<vmem>>
    %dma_wait3A_61 = tpu.memref_squeeze %dma_wait3A_60 : memref<1x32xi32, #tpu.memory_space<vmem>> -> memref<32xi32, #tpu.memory_space<vmem>>
    %dma_wait3A_62 = arith.constant 0 : i32
    %dma_wait3A_63 = arith.constant 0 : i32
    %dma_wait3A_64 = tpu.memref_slice %arg2[%dma_wait3A_62, %dma_wait3A_63] : memref<12288x1024xf32, #tpu.memory_space<hbm>> -> memref<12288x1024xf32, #tpu.memory_space<hbm>>
    tpu.wait_indirect_dma semaphore(%arg8 : memref<!tpu.dma_semaphore, #tpu.memory_space<semaphore_mem>>) src(%dma_wait3A_64 : memref<12288x1024xf32, #tpu.memory_space<hbm>>) dst(%arg6 : memref<32x1024xf32, #tpu.memory_space<vmem>>)
    %mul3A_65 = arith.constant 8 : i32
    %mul3A_66 = arith.muli %add3A, %mul3A_65 : i32
    %add3A_67 = arith.constant 2 : i32
    %add3A_68 = arith.addi %mul3A_66, %add3A_67 : i32
    %mul3A_69 = arith.constant 32 : i32
    %mul3A_70 = arith.muli %add3A_68, %mul3A_69 : i32
    %dma_start3A_71 = arith.constant 0 : i32
    %dma_start3A_72 = tpu.memref_slice %arg4[%mul3A_70, %dma_start3A_71] : memref<8192x1024xf32, #tpu.memory_space<hbm>> -> memref<32x1024xf32, #tpu.memory_space<hbm>>
    %dma_start3A_73 = arith.constant 0 : i32
    %dma_start3A_74 = tpu.memref_slice %arg4[%mul3A_70, %dma_start3A_73] : memref<8192x1024xf32, #tpu.memory_space<hbm>> -> memref<32x1024xf32, #tpu.memory_space<hbm>>
    tpu.enqueue_dma source(%arg6 : memref<32x1024xf32, #tpu.memory_space<vmem>>) target(%dma_start3A_74 : memref<32x1024xf32, #tpu.memory_space<hbm>>) target_semaphore(%arg10 : memref<!tpu.dma_semaphore, #tpu.memory_space<semaphore_mem>>)
    %dma_wait3A_75 = arith.constant 0 : i32
    %dma_wait3A_76 = tpu.memref_slice %arg4[%mul3A_42, %dma_wait3A_75] : memref<8192x1024xf32, #tpu.memory_space<hbm>> -> memref<32x1024xf32, #tpu.memory_space<hbm>>
    %dma_wait3A_77 = arith.constant 0 : i32
    %dma_wait3A_78 = tpu.memref_slice %arg4[%mul3A_42, %dma_wait3A_77] : memref<8192x1024xf32, #tpu.memory_space<hbm>> -> memref<32x1024xf32, #tpu.memory_space<hbm>>
    tpu.wait_dma2 semaphore(%arg11 : memref<!tpu.dma_semaphore, #tpu.memory_space<semaphore_mem>>) src(%arg7 : memref<32x1024xf32, #tpu.memory_space<vmem>>) dst(%dma_wait3A_78 : memref<32x1024xf32, #tpu.memory_space<hbm>>)
    %dma_start3A_79 = arith.constant 3 : i32
    %dma_start3A_80 = arith.constant 0 : i32
    %dma_start3A_81 = tpu.memref_slice %arg5[%dma_start3A_79, %dma_start3A_80] : memref<8x32xi32, #tpu.memory_space<vmem>> -> memref<1x32xi32, #tpu.memory_space<vmem>>
    %dma_start3A_82 = tpu.memref_squeeze %dma_start3A_81 : memref<1x32xi32, #tpu.memory_space<vmem>> -> memref<32xi32, #tpu.memory_space<vmem>>
    %dma_start3A_83 = arith.constant 0 : i32
    %dma_start3A_84 = arith.constant 0 : i32
    %dma_start3A_85 = tpu.memref_slice %arg2[%dma_start3A_83, %dma_start3A_84] : memref<12288x1024xf32, #tpu.memory_space<hbm>> -> memref<12288x1024xf32, #tpu.memory_space<hbm>>
    tpu.enqueue_indirect_dma source(%dma_start3A_85 : memref<12288x1024xf32, #tpu.memory_space<hbm>>) target(%arg7 : memref<32x1024xf32, #tpu.memory_space<vmem>>) offsets(%dma_start3A_82 : memref<32xi32, #tpu.memory_space<vmem>>) semaphore(%arg9 : memref<!tpu.dma_semaphore, #tpu.memory_space<semaphore_mem>>)
    %dma_wait3A_86 = arith.constant 3 : i32
    %dma_wait3A_87 = arith.constant 0 : i32
    %dma_wait3A_88 = tpu.memref_slice %arg5[%dma_wait3A_86, %dma_wait3A_87] : memref<8x32xi32, #tpu.memory_space<vmem>> -> memref<1x32xi32, #tpu.memory_space<vmem>>
    %dma_wait3A_89 = tpu.memref_squeeze %dma_wait3A_88 : memref<1x32xi32, #tpu.memory_space<vmem>> -> memref<32xi32, #tpu.memory_space<vmem>>
    %dma_wait3A_90 = arith.constant 0 : i32
    %dma_wait3A_91 = arith.constant 0 : i32
    %dma_wait3A_92 = tpu.memref_slice %arg2[%dma_wait3A_90, %dma_wait3A_91] : memref<12288x1024xf32, #tpu.memory_space<hbm>> -> memref<12288x1024xf32, #tpu.memory_space<hbm>>
    tpu.wait_indirect_dma semaphore(%arg9 : memref<!tpu.dma_semaphore, #tpu.memory_space<semaphore_mem>>) src(%dma_wait3A_92 : memref<12288x1024xf32, #tpu.memory_space<hbm>>) dst(%arg7 : memref<32x1024xf32, #tpu.memory_space<vmem>>)
    %mul3A_93 = arith.constant 8 : i32
    %mul3A_94 = arith.muli %add3A, %mul3A_93 : i32
    %add3A_95 = arith.constant 3 : i32
    %add3A_96 = arith.addi %mul3A_94, %add3A_95 : i32
    %mul3A_97 = arith.constant 32 : i32
    %mul3A_98 = arith.muli %add3A_96, %mul3A_97 : i32
    %dma_start3A_99 = arith.constant 0 : i32
    %dma_start3A_100 = tpu.memref_slice %arg4[%mul3A_98, %dma_start3A_99] : memref<8192x1024xf32, #tpu.memory_space<hbm>> -> memref<32x1024xf32, #tpu.memory_space<hbm>>
    %dma_start3A_101 = arith.constant 0 : i32
    %dma_start3A_102 = tpu.memref_slice %arg4[%mul3A_98, %dma_start3A_101] : memref<8192x1024xf32, #tpu.memory_space<hbm>> -> memref<32x1024xf32, #tpu.memory_space<hbm>>
    tpu.enqueue_dma source(%arg7 : memref<32x1024xf32, #tpu.memory_space<vmem>>) target(%dma_start3A_102 : memref<32x1024xf32, #tpu.memory_space<hbm>>) target_semaphore(%arg11 : memref<!tpu.dma_semaphore, #tpu.memory_space<semaphore_mem>>)
    %dma_wait3A_103 = arith.constant 0 : i32
    %dma_wait3A_104 = tpu.memref_slice %arg4[%mul3A_70, %dma_wait3A_103] : memref<8192x1024xf32, #tpu.memory_space<hbm>> -> memref<32x1024xf32, #tpu.memory_space<hbm>>
    %dma_wait3A_105 = arith.constant 0 : i32
    %dma_wait3A_106 = tpu.memref_slice %arg4[%mul3A_70, %dma_wait3A_105] : memref<8192x1024xf32, #tpu.memory_space<hbm>> -> memref<32x1024xf32, #tpu.memory_space<hbm>>
    tpu.wait_dma2 semaphore(%arg10 : memref<!tpu.dma_semaphore, #tpu.memory_space<semaphore_mem>>) src(%arg6 : memref<32x1024xf32, #tpu.memory_space<vmem>>) dst(%dma_wait3A_106 : memref<32x1024xf32, #tpu.memory_space<hbm>>)
    %dma_start3A_107 = arith.constant 4 : i32
    %dma_start3A_108 = arith.constant 0 : i32
    %dma_start3A_109 = tpu.memref_slice %arg5[%dma_start3A_107, %dma_start3A_108] : memref<8x32xi32, #tpu.memory_space<vmem>> -> memref<1x32xi32, #tpu.memory_space<vmem>>
    %dma_start3A_110 = tpu.memref_squeeze %dma_start3A_109 : memref<1x32xi32, #tpu.memory_space<vmem>> -> memref<32xi32, #tpu.memory_space<vmem>>
    %dma_start3A_111 = arith.constant 0 : i32
    %dma_start3A_112 = arith.constant 0 : i32
    %dma_start3A_113 = tpu.memref_slice %arg2[%dma_start3A_111, %dma_start3A_112] : memref<12288x1024xf32, #tpu.memory_space<hbm>> -> memref<12288x1024xf32, #tpu.memory_space<hbm>>
    tpu.enqueue_indirect_dma source(%dma_start3A_113 : memref<12288x1024xf32, #tpu.memory_space<hbm>>) target(%arg6 : memref<32x1024xf32, #tpu.memory_space<vmem>>) offsets(%dma_start3A_110 : memref<32xi32, #tpu.memory_space<vmem>>) semaphore(%arg8 : memref<!tpu.dma_semaphore, #tpu.memory_space<semaphore_mem>>)
    %dma_wait3A_114 = arith.constant 4 : i32
    %dma_wait3A_115 = arith.constant 0 : i32
    %dma_wait3A_116 = tpu.memref_slice %arg5[%dma_wait3A_114, %dma_wait3A_115] : memref<8x32xi32, #tpu.memory_space<vmem>> -> memref<1x32xi32, #tpu.memory_space<vmem>>
    %dma_wait3A_117 = tpu.memref_squeeze %dma_wait3A_116 : memref<1x32xi32, #tpu.memory_space<vmem>> -> memref<32xi32, #tpu.memory_space<vmem>>
    %dma_wait3A_118 = arith.constant 0 : i32
    %dma_wait3A_119 = arith.constant 0 : i32
    %dma_wait3A_120 = tpu.memref_slice %arg2[%dma_wait3A_118, %dma_wait3A_119] : memref<12288x1024xf32, #tpu.memory_space<hbm>> -> memref<12288x1024xf32, #tpu.memory_space<hbm>>
    tpu.wait_indirect_dma semaphore(%arg8 : memref<!tpu.dma_semaphore, #tpu.memory_space<semaphore_mem>>) src(%dma_wait3A_120 : memref<12288x1024xf32, #tpu.memory_space<hbm>>) dst(%arg6 : memref<32x1024xf32, #tpu.memory_space<vmem>>)
    %mul3A_121 = arith.constant 8 : i32
    %mul3A_122 = arith.muli %add3A, %mul3A_121 : i32
    %add3A_123 = arith.constant 4 : i32
    %add3A_124 = arith.addi %mul3A_122, %add3A_123 : i32
    %mul3A_125 = arith.constant 32 : i32
    %mul3A_126 = arith.muli %add3A_124, %mul3A_125 : i32
    %dma_start3A_127 = arith.constant 0 : i32
    %dma_start3A_128 = tpu.memref_slice %arg4[%mul3A_126, %dma_start3A_127] : memref<8192x1024xf32, #tpu.memory_space<hbm>> -> memref<32x1024xf32, #tpu.memory_space<hbm>>
    %dma_start3A_129 = arith.constant 0 : i32
    %dma_start3A_130 = tpu.memref_slice %arg4[%mul3A_126, %dma_start3A_129] : memref<8192x1024xf32, #tpu.memory_space<hbm>> -> memref<32x1024xf32, #tpu.memory_space<hbm>>
    tpu.enqueue_dma source(%arg6 : memref<32x1024xf32, #tpu.memory_space<vmem>>) target(%dma_start3A_130 : memref<32x1024xf32, #tpu.memory_space<hbm>>) target_semaphore(%arg10 : memref<!tpu.dma_semaphore, #tpu.memory_space<semaphore_mem>>)
    %dma_wait3A_131 = arith.constant 0 : i32
    %dma_wait3A_132 = tpu.memref_slice %arg4[%mul3A_98, %dma_wait3A_131] : memref<8192x1024xf32, #tpu.memory_space<hbm>> -> memref<32x1024xf32, #tpu.memory_space<hbm>>
    %dma_wait3A_133 = arith.constant 0 : i32
    %dma_wait3A_134 = tpu.memref_slice %arg4[%mul3A_98, %dma_wait3A_133] : memref<8192x1024xf32, #tpu.memory_space<hbm>> -> memref<32x1024xf32, #tpu.memory_space<hbm>>
    tpu.wait_dma2 semaphore(%arg11 : memref<!tpu.dma_semaphore, #tpu.memory_space<semaphore_mem>>) src(%arg7 : memref<32x1024xf32, #tpu.memory_space<vmem>>) dst(%dma_wait3A_134 : memref<32x1024xf32, #tpu.memory_space<hbm>>)
    %dma_start3A_135 = arith.constant 5 : i32
    %dma_start3A_136 = arith.constant 0 : i32
    %dma_start3A_137 = tpu.memref_slice %arg5[%dma_start3A_135, %dma_start3A_136] : memref<8x32xi32, #tpu.memory_space<vmem>> -> memref<1x32xi32, #tpu.memory_space<vmem>>
    %dma_start3A_138 = tpu.memref_squeeze %dma_start3A_137 : memref<1x32xi32, #tpu.memory_space<vmem>> -> memref<32xi32, #tpu.memory_space<vmem>>
    %dma_start3A_139 = arith.constant 0 : i32
    %dma_start3A_140 = arith.constant 0 : i32
    %dma_start3A_141 = tpu.memref_slice %arg2[%dma_start3A_139, %dma_start3A_140] : memref<12288x1024xf32, #tpu.memory_space<hbm>> -> memref<12288x1024xf32, #tpu.memory_space<hbm>>
    tpu.enqueue_indirect_dma source(%dma_start3A_141 : memref<12288x1024xf32, #tpu.memory_space<hbm>>) target(%arg7 : memref<32x1024xf32, #tpu.memory_space<vmem>>) offsets(%dma_start3A_138 : memref<32xi32, #tpu.memory_space<vmem>>) semaphore(%arg9 : memref<!tpu.dma_semaphore, #tpu.memory_space<semaphore_mem>>)
    %dma_wait3A_142 = arith.constant 5 : i32
    %dma_wait3A_143 = arith.constant 0 : i32
    %dma_wait3A_144 = tpu.memref_slice %arg5[%dma_wait3A_142, %dma_wait3A_143] : memref<8x32xi32, #tpu.memory_space<vmem>> -> memref<1x32xi32, #tpu.memory_space<vmem>>
    %dma_wait3A_145 = tpu.memref_squeeze %dma_wait3A_144 : memref<1x32xi32, #tpu.memory_space<vmem>> -> memref<32xi32, #tpu.memory_space<vmem>>
    %dma_wait3A_146 = arith.constant 0 : i32
    %dma_wait3A_147 = arith.constant 0 : i32
    %dma_wait3A_148 = tpu.memref_slice %arg2[%dma_wait3A_146, %dma_wait3A_147] : memref<12288x1024xf32, #tpu.memory_space<hbm>> -> memref<12288x1024xf32, #tpu.memory_space<hbm>>
    tpu.wait_indirect_dma semaphore(%arg9 : memref<!tpu.dma_semaphore, #tpu.memory_space<semaphore_mem>>) src(%dma_wait3A_148 : memref<12288x1024xf32, #tpu.memory_space<hbm>>) dst(%arg7 : memref<32x1024xf32, #tpu.memory_space<vmem>>)
    %mul3A_149 = arith.constant 8 : i32
    %mul3A_150 = arith.muli %add3A, %mul3A_149 : i32
    %add3A_151 = arith.constant 5 : i32
    %add3A_152 = arith.addi %mul3A_150, %add3A_151 : i32
    %mul3A_153 = arith.constant 32 : i32
    %mul3A_154 = arith.muli %add3A_152, %mul3A_153 : i32
    %dma_start3A_155 = arith.constant 0 : i32
    %dma_start3A_156 = tpu.memref_slice %arg4[%mul3A_154, %dma_start3A_155] : memref<8192x1024xf32, #tpu.memory_space<hbm>> -> memref<32x1024xf32, #tpu.memory_space<hbm>>
    %dma_start3A_157 = arith.constant 0 : i32
    %dma_start3A_158 = tpu.memref_slice %arg4[%mul3A_154, %dma_start3A_157] : memref<8192x1024xf32, #tpu.memory_space<hbm>> -> memref<32x1024xf32, #tpu.memory_space<hbm>>
    tpu.enqueue_dma source(%arg7 : memref<32x1024xf32, #tpu.memory_space<vmem>>) target(%dma_start3A_158 : memref<32x1024xf32, #tpu.memory_space<hbm>>) target_semaphore(%arg11 : memref<!tpu.dma_semaphore, #tpu.memory_space<semaphore_mem>>)
    %dma_wait3A_159 = arith.constant 0 : i32
    %dma_wait3A_160 = tpu.memref_slice %arg4[%mul3A_126, %dma_wait3A_159] : memref<8192x1024xf32, #tpu.memory_space<hbm>> -> memref<32x1024xf32, #tpu.memory_space<hbm>>
    %dma_wait3A_161 = arith.constant 0 : i32
    %dma_wait3A_162 = tpu.memref_slice %arg4[%mul3A_126, %dma_wait3A_161] : memref<8192x1024xf32, #tpu.memory_space<hbm>> -> memref<32x1024xf32, #tpu.memory_space<hbm>>
    tpu.wait_dma2 semaphore(%arg10 : memref<!tpu.dma_semaphore, #tpu.memory_space<semaphore_mem>>) src(%arg6 : memref<32x1024xf32, #tpu.memory_space<vmem>>) dst(%dma_wait3A_162 : memref<32x1024xf32, #tpu.memory_space<hbm>>)
    %dma_start3A_163 = arith.constant 6 : i32
    %dma_start3A_164 = arith.constant 0 : i32
    %dma_start3A_165 = tpu.memref_slice %arg5[%dma_start3A_163, %dma_start3A_164] : memref<8x32xi32, #tpu.memory_space<vmem>> -> memref<1x32xi32, #tpu.memory_space<vmem>>
    %dma_start3A_166 = tpu.memref_squeeze %dma_start3A_165 : memref<1x32xi32, #tpu.memory_space<vmem>> -> memref<32xi32, #tpu.memory_space<vmem>>
    %dma_start3A_167 = arith.constant 0 : i32
    %dma_start3A_168 = arith.constant 0 : i32
    %dma_start3A_169 = tpu.memref_slice %arg2[%dma_start3A_167, %dma_start3A_168] : memref<12288x1024xf32, #tpu.memory_space<hbm>> -> memref<12288x1024xf32, #tpu.memory_space<hbm>>
    tpu.enqueue_indirect_dma source(%dma_start3A_169 : memref<12288x1024xf32, #tpu.memory_space<hbm>>) target(%arg6 : memref<32x1024xf32, #tpu.memory_space<vmem>>) offsets(%dma_start3A_166 : memref<32xi32, #tpu.memory_space<vmem>>) semaphore(%arg8 : memref<!tpu.dma_semaphore, #tpu.memory_space<semaphore_mem>>)
    %dma_wait3A_170 = arith.constant 6 : i32
    %dma_wait3A_171 = arith.constant 0 : i32
    %dma_wait3A_172 = tpu.memref_slice %arg5[%dma_wait3A_170, %dma_wait3A_171] : memref<8x32xi32, #tpu.memory_space<vmem>> -> memref<1x32xi32, #tpu.memory_space<vmem>>
    %dma_wait3A_173 = tpu.memref_squeeze %dma_wait3A_172 : memref<1x32xi32, #tpu.memory_space<vmem>> -> memref<32xi32, #tpu.memory_space<vmem>>
    %dma_wait3A_174 = arith.constant 0 : i32
    %dma_wait3A_175 = arith.constant 0 : i32
    %dma_wait3A_176 = tpu.memref_slice %arg2[%dma_wait3A_174, %dma_wait3A_175] : memref<12288x1024xf32, #tpu.memory_space<hbm>> -> memref<12288x1024xf32, #tpu.memory_space<hbm>>
    tpu.wait_indirect_dma semaphore(%arg8 : memref<!tpu.dma_semaphore, #tpu.memory_space<semaphore_mem>>) src(%dma_wait3A_176 : memref<12288x1024xf32, #tpu.memory_space<hbm>>) dst(%arg6 : memref<32x1024xf32, #tpu.memory_space<vmem>>)
    %mul3A_177 = arith.constant 8 : i32
    %mul3A_178 = arith.muli %add3A, %mul3A_177 : i32
    %add3A_179 = arith.constant 6 : i32
    %add3A_180 = arith.addi %mul3A_178, %add3A_179 : i32
    %mul3A_181 = arith.constant 32 : i32
    %mul3A_182 = arith.muli %add3A_180, %mul3A_181 : i32
    %dma_start3A_183 = arith.constant 0 : i32
    %dma_start3A_184 = tpu.memref_slice %arg4[%mul3A_182, %dma_start3A_183] : memref<8192x1024xf32, #tpu.memory_space<hbm>> -> memref<32x1024xf32, #tpu.memory_space<hbm>>
    %dma_start3A_185 = arith.constant 0 : i32
    %dma_start3A_186 = tpu.memref_slice %arg4[%mul3A_182, %dma_start3A_185] : memref<8192x1024xf32, #tpu.memory_space<hbm>> -> memref<32x1024xf32, #tpu.memory_space<hbm>>
    tpu.enqueue_dma source(%arg6 : memref<32x1024xf32, #tpu.memory_space<vmem>>) target(%dma_start3A_186 : memref<32x1024xf32, #tpu.memory_space<hbm>>) target_semaphore(%arg10 : memref<!tpu.dma_semaphore, #tpu.memory_space<semaphore_mem>>)
    %dma_wait3A_187 = arith.constant 0 : i32
    %dma_wait3A_188 = tpu.memref_slice %arg4[%mul3A_154, %dma_wait3A_187] : memref<8192x1024xf32, #tpu.memory_space<hbm>> -> memref<32x1024xf32, #tpu.memory_space<hbm>>
    %dma_wait3A_189 = arith.constant 0 : i32
    %dma_wait3A_190 = tpu.memref_slice %arg4[%mul3A_154, %dma_wait3A_189] : memref<8192x1024xf32, #tpu.memory_space<hbm>> -> memref<32x1024xf32, #tpu.memory_space<hbm>>
    tpu.wait_dma2 semaphore(%arg11 : memref<!tpu.dma_semaphore, #tpu.memory_space<semaphore_mem>>) src(%arg7 : memref<32x1024xf32, #tpu.memory_space<vmem>>) dst(%dma_wait3A_190 : memref<32x1024xf32, #tpu.memory_space<hbm>>)
    %dma_start3A_191 = arith.constant 7 : i32
    %dma_start3A_192 = arith.constant 0 : i32
    %dma_start3A_193 = tpu.memref_slice %arg5[%dma_start3A_191, %dma_start3A_192] : memref<8x32xi32, #tpu.memory_space<vmem>> -> memref<1x32xi32, #tpu.memory_space<vmem>>
    %dma_start3A_194 = tpu.memref_squeeze %dma_start3A_193 : memref<1x32xi32, #tpu.memory_space<vmem>> -> memref<32xi32, #tpu.memory_space<vmem>>
    %dma_start3A_195 = arith.constant 0 : i32
    %dma_start3A_196 = arith.constant 0 : i32
    %dma_start3A_197 = tpu.memref_slice %arg2[%dma_start3A_195, %dma_start3A_196] : memref<12288x1024xf32, #tpu.memory_space<hbm>> -> memref<12288x1024xf32, #tpu.memory_space<hbm>>
    tpu.enqueue_indirect_dma source(%dma_start3A_197 : memref<12288x1024xf32, #tpu.memory_space<hbm>>) target(%arg7 : memref<32x1024xf32, #tpu.memory_space<vmem>>) offsets(%dma_start3A_194 : memref<32xi32, #tpu.memory_space<vmem>>) semaphore(%arg9 : memref<!tpu.dma_semaphore, #tpu.memory_space<semaphore_mem>>)
    %dma_wait3A_198 = arith.constant 7 : i32
    %dma_wait3A_199 = arith.constant 0 : i32
    %dma_wait3A_200 = tpu.memref_slice %arg5[%dma_wait3A_198, %dma_wait3A_199] : memref<8x32xi32, #tpu.memory_space<vmem>> -> memref<1x32xi32, #tpu.memory_space<vmem>>
    %dma_wait3A_201 = tpu.memref_squeeze %dma_wait3A_200 : memref<1x32xi32, #tpu.memory_space<vmem>> -> memref<32xi32, #tpu.memory_space<vmem>>
    %dma_wait3A_202 = arith.constant 0 : i32
    %dma_wait3A_203 = arith.constant 0 : i32
    %dma_wait3A_204 = tpu.memref_slice %arg2[%dma_wait3A_202, %dma_wait3A_203] : memref<12288x1024xf32, #tpu.memory_space<hbm>> -> memref<12288x1024xf32, #tpu.memory_space<hbm>>
    tpu.wait_indirect_dma semaphore(%arg9 : memref<!tpu.dma_semaphore, #tpu.memory_space<semaphore_mem>>) src(%dma_wait3A_204 : memref<12288x1024xf32, #tpu.memory_space<hbm>>) dst(%arg7 : memref<32x1024xf32, #tpu.memory_space<vmem>>)
    %mul3A_205 = arith.constant 8 : i32
    %mul3A_206 = arith.muli %add3A, %mul3A_205 : i32
    %add3A_207 = arith.constant 7 : i32
    %add3A_208 = arith.addi %mul3A_206, %add3A_207 : i32
    %mul3A_209 = arith.constant 32 : i32
    %mul3A_210 = arith.muli %add3A_208, %mul3A_209 : i32
    %dma_start3A_211 = arith.constant 0 : i32
    %dma_start3A_212 = tpu.memref_slice %arg4[%mul3A_210, %dma_start3A_211] : memref<8192x1024xf32, #tpu.memory_space<hbm>> -> memref<32x1024xf32, #tpu.memory_space<hbm>>
    %dma_start3A_213 = arith.constant 0 : i32
    %dma_start3A_214 = tpu.memref_slice %arg4[%mul3A_210, %dma_start3A_213] : memref<8192x1024xf32, #tpu.memory_space<hbm>> -> memref<32x1024xf32, #tpu.memory_space<hbm>>
    tpu.enqueue_dma source(%arg7 : memref<32x1024xf32, #tpu.memory_space<vmem>>) target(%dma_start3A_214 : memref<32x1024xf32, #tpu.memory_space<hbm>>) target_semaphore(%arg11 : memref<!tpu.dma_semaphore, #tpu.memory_space<semaphore_mem>>)
    %dma_wait3A_215 = arith.constant 0 : i32
    %dma_wait3A_216 = tpu.memref_slice %arg4[%mul3A_182, %dma_wait3A_215] : memref<8192x1024xf32, #tpu.memory_space<hbm>> -> memref<32x1024xf32, #tpu.memory_space<hbm>>
    %dma_wait3A_217 = arith.constant 0 : i32
    %dma_wait3A_218 = tpu.memref_slice %arg4[%mul3A_182, %dma_wait3A_217] : memref<8192x1024xf32, #tpu.memory_space<hbm>> -> memref<32x1024xf32, #tpu.memory_space<hbm>>
    tpu.wait_dma2 semaphore(%arg10 : memref<!tpu.dma_semaphore, #tpu.memory_space<semaphore_mem>>) src(%arg6 : memref<32x1024xf32, #tpu.memory_space<vmem>>) dst(%dma_wait3A_218 : memref<32x1024xf32, #tpu.memory_space<hbm>>)
    %dma_wait3A_219 = arith.constant 0 : i32
    %dma_wait3A_220 = tpu.memref_slice %arg4[%mul3A_210, %dma_wait3A_219] : memref<8192x1024xf32, #tpu.memory_space<hbm>> -> memref<32x1024xf32, #tpu.memory_space<hbm>>
    %dma_wait3A_221 = arith.constant 0 : i32
    %dma_wait3A_222 = tpu.memref_slice %arg4[%mul3A_210, %dma_wait3A_221] : memref<8192x1024xf32, #tpu.memory_space<hbm>> -> memref<32x1024xf32, #tpu.memory_space<hbm>>
    tpu.wait_dma2 semaphore(%arg11 : memref<!tpu.dma_semaphore, #tpu.memory_space<semaphore_mem>>) src(%arg7 : memref<32x1024xf32, #tpu.memory_space<vmem>>) dst(%dma_wait3A_222 : memref<32x1024xf32, #tpu.memory_space<hbm>>)
    return
  }
}

#map = affine_map<(d0, d1) -> (0, 0)>
#map1 = affine_map<(d0, d1) -> (0, 0, 0)>
module attributes {stable_mosaic.version = 14 : i64} {
  func.func @k(%arg0: i32, %arg1: i32, %arg2: memref<4096x1024xf32, #tpu.memory_space<hbm>>, %arg3: memref<32x4x32xi32, #tpu.memory_space<hbm>>, %arg4: memref<32x4x32xi32, #tpu.memory_space<hbm>>, %arg5: memref<12288x1024xf32, #tpu.memory_space<hbm>>, %arg6: memref<4x32xi32, #tpu.memory_space<vmem>>, %arg7: memref<4x32xi32, #tpu.memory_space<vmem>>, %arg8: memref<32x1024xf32, #tpu.memory_space<vmem>>, %arg9: memref<32x1024xf32, #tpu.memory_space<vmem>>, %arg10: memref<!tpu.dma_semaphore, #tpu.memory_space<semaphore_mem>>, %arg11: memref<!tpu.dma_semaphore, #tpu.memory_space<semaphore_mem>>, %arg12: memref<!tpu.dma_semaphore, #tpu.memory_space<semaphore_mem>>, %arg13: memref<!tpu.dma_semaphore, #tpu.memory_space<semaphore_mem>>) attributes {dimension_semantics = [#tpu.dimension_semantics<core_parallel>, #tpu.dimension_semantics<subcore_parallel>], iteration_bounds = array<i64: 2, 16>, scalar_prefetch = 0 : i64, scratch_operands = 8 : i64, tpu.core_type = #tpu.core_type<sc_vector_subcore>, window_params = [{transform_indices = #map}, {transform_indices = #map1}, {transform_indices = #map1}, {transform_indices = #map}]} {
    %mul3A = arith.constant 2 : i32
    %mul3A_0 = arith.muli %arg1, %mul3A : i32
    %add3A = arith.addi %mul3A_0, %arg0 : i32
    "tpu.region"() ({
      %run_scoped3A = tpu.sem_alloc : memref<!tpu.dma_semaphore, #tpu.memory_space<semaphore_mem>>
      %dma_start3A_153 = arith.constant 0 : i32
      %dma_start3A_154 = arith.constant 0 : i32
      %dma_start3A_155 = tpu.memref_slice %arg3[%add3A, %dma_start3A_153, %dma_start3A_154] : memref<32x4x32xi32, #tpu.memory_space<hbm>> -> memref<1x4x32xi32, #tpu.memory_space<hbm>>
      %dma_start3A_156 = tpu.memref_squeeze %dma_start3A_155 : memref<1x4x32xi32, #tpu.memory_space<hbm>> -> memref<4x32xi32, #tpu.memory_space<hbm>>
      %dma_start3A_157 = arith.constant 0 : i32
      %dma_start3A_158 = arith.constant 0 : i32
      %dma_start3A_159 = tpu.memref_slice %arg3[%add3A, %dma_start3A_157, %dma_start3A_158] : memref<32x4x32xi32, #tpu.memory_space<hbm>> -> memref<1x4x32xi32, #tpu.memory_space<hbm>>
      %dma_start3A_160 = tpu.memref_squeeze %dma_start3A_159 : memref<1x4x32xi32, #tpu.memory_space<hbm>> -> memref<4x32xi32, #tpu.memory_space<hbm>>
      tpu.enqueue_dma source(%dma_start3A_160 : memref<4x32xi32, #tpu.memory_space<hbm>>) target(%arg6 : memref<4x32xi32, #tpu.memory_space<vmem>>) target_semaphore(%run_scoped3A : memref<!tpu.dma_semaphore, #tpu.memory_space<semaphore_mem>>)
      %dma_wait3A_161 = arith.constant 0 : i32
      %dma_wait3A_162 = arith.constant 0 : i32
      %dma_wait3A_163 = tpu.memref_slice %arg3[%add3A, %dma_wait3A_161, %dma_wait3A_162] : memref<32x4x32xi32, #tpu.memory_space<hbm>> -> memref<1x4x32xi32, #tpu.memory_space<hbm>>
      %dma_wait3A_164 = tpu.memref_squeeze %dma_wait3A_163 : memref<1x4x32xi32, #tpu.memory_space<hbm>> -> memref<4x32xi32, #tpu.memory_space<hbm>>
      %dma_wait3A_165 = arith.constant 0 : i32
      %dma_wait3A_166 = arith.constant 0 : i32
      %dma_wait3A_167 = tpu.memref_slice %arg3[%add3A, %dma_wait3A_165, %dma_wait3A_166] : memref<32x4x32xi32, #tpu.memory_space<hbm>> -> memref<1x4x32xi32, #tpu.memory_space<hbm>>
      %dma_wait3A_168 = tpu.memref_squeeze %dma_wait3A_167 : memref<1x4x32xi32, #tpu.memory_space<hbm>> -> memref<4x32xi32, #tpu.memory_space<hbm>>
      tpu.wait_dma2 semaphore(%run_scoped3A : memref<!tpu.dma_semaphore, #tpu.memory_space<semaphore_mem>>) src(%dma_wait3A_168 : memref<4x32xi32, #tpu.memory_space<hbm>>) dst(%arg6 : memref<4x32xi32, #tpu.memory_space<vmem>>)
      tpu.yield
    }) : () -> ()
    "tpu.region"() ({
      %run_scoped3A = tpu.sem_alloc : memref<!tpu.dma_semaphore, #tpu.memory_space<semaphore_mem>>
      %dma_start3A_153 = arith.constant 0 : i32
      %dma_start3A_154 = arith.constant 0 : i32
      %dma_start3A_155 = tpu.memref_slice %arg4[%add3A, %dma_start3A_153, %dma_start3A_154] : memref<32x4x32xi32, #tpu.memory_space<hbm>> -> memref<1x4x32xi32, #tpu.memory_space<hbm>>
      %dma_start3A_156 = tpu.memref_squeeze %dma_start3A_155 : memref<1x4x32xi32, #tpu.memory_space<hbm>> -> memref<4x32xi32, #tpu.memory_space<hbm>>
      %dma_start3A_157 = arith.constant 0 : i32
      %dma_start3A_158 = arith.constant 0 : i32
      %dma_start3A_159 = tpu.memref_slice %arg4[%add3A, %dma_start3A_157, %dma_start3A_158] : memref<32x4x32xi32, #tpu.memory_space<hbm>> -> memref<1x4x32xi32, #tpu.memory_space<hbm>>
      %dma_start3A_160 = tpu.memref_squeeze %dma_start3A_159 : memref<1x4x32xi32, #tpu.memory_space<hbm>> -> memref<4x32xi32, #tpu.memory_space<hbm>>
      tpu.enqueue_dma source(%dma_start3A_160 : memref<4x32xi32, #tpu.memory_space<hbm>>) target(%arg7 : memref<4x32xi32, #tpu.memory_space<vmem>>) target_semaphore(%run_scoped3A : memref<!tpu.dma_semaphore, #tpu.memory_space<semaphore_mem>>)
      %dma_wait3A_161 = arith.constant 0 : i32
      %dma_wait3A_162 = arith.constant 0 : i32
      %dma_wait3A_163 = tpu.memref_slice %arg4[%add3A, %dma_wait3A_161, %dma_wait3A_162] : memref<32x4x32xi32, #tpu.memory_space<hbm>> -> memref<1x4x32xi32, #tpu.memory_space<hbm>>
      %dma_wait3A_164 = tpu.memref_squeeze %dma_wait3A_163 : memref<1x4x32xi32, #tpu.memory_space<hbm>> -> memref<4x32xi32, #tpu.memory_space<hbm>>
      %dma_wait3A_165 = arith.constant 0 : i32
      %dma_wait3A_166 = arith.constant 0 : i32
      %dma_wait3A_167 = tpu.memref_slice %arg4[%add3A, %dma_wait3A_165, %dma_wait3A_166] : memref<32x4x32xi32, #tpu.memory_space<hbm>> -> memref<1x4x32xi32, #tpu.memory_space<hbm>>
      %dma_wait3A_168 = tpu.memref_squeeze %dma_wait3A_167 : memref<1x4x32xi32, #tpu.memory_space<hbm>> -> memref<4x32xi32, #tpu.memory_space<hbm>>
      tpu.wait_dma2 semaphore(%run_scoped3A : memref<!tpu.dma_semaphore, #tpu.memory_space<semaphore_mem>>) src(%dma_wait3A_168 : memref<4x32xi32, #tpu.memory_space<hbm>>) dst(%arg7 : memref<4x32xi32, #tpu.memory_space<vmem>>)
      tpu.yield
    }) : () -> ()
    %mul3A_1 = arith.constant 4 : i32
    %mul3A_2 = arith.muli %add3A, %mul3A_1 : i32
    %mul3A_3 = arith.constant 32 : i32
    %mul3A_4 = arith.muli %mul3A_2, %mul3A_3 : i32
    %dma_start3A = arith.constant 0 : i32
    %dma_start3A_5 = tpu.memref_slice %arg2[%mul3A_4, %dma_start3A] : memref<4096x1024xf32, #tpu.memory_space<hbm>> -> memref<32x1024xf32, #tpu.memory_space<hbm>>
    %dma_start3A_6 = arith.constant 0 : i32
    %dma_start3A_7 = tpu.memref_slice %arg2[%mul3A_4, %dma_start3A_6] : memref<4096x1024xf32, #tpu.memory_space<hbm>> -> memref<32x1024xf32, #tpu.memory_space<hbm>>
    tpu.enqueue_dma source(%dma_start3A_7 : memref<32x1024xf32, #tpu.memory_space<hbm>>) target(%arg8 : memref<32x1024xf32, #tpu.memory_space<vmem>>) target_semaphore(%arg10 : memref<!tpu.dma_semaphore, #tpu.memory_space<semaphore_mem>>)
    %dma_wait3A = arith.constant 0 : i32
    %dma_wait3A_8 = tpu.memref_slice %arg2[%mul3A_4, %dma_wait3A] : memref<4096x1024xf32, #tpu.memory_space<hbm>> -> memref<32x1024xf32, #tpu.memory_space<hbm>>
    %dma_wait3A_9 = arith.constant 0 : i32
    %dma_wait3A_10 = tpu.memref_slice %arg2[%mul3A_4, %dma_wait3A_9] : memref<4096x1024xf32, #tpu.memory_space<hbm>> -> memref<32x1024xf32, #tpu.memory_space<hbm>>
    tpu.wait_dma2 semaphore(%arg10 : memref<!tpu.dma_semaphore, #tpu.memory_space<semaphore_mem>>) src(%dma_wait3A_10 : memref<32x1024xf32, #tpu.memory_space<hbm>>) dst(%arg8 : memref<32x1024xf32, #tpu.memory_space<vmem>>)
    %dma_start3A_11 = arith.constant 0 : i32
    %dma_start3A_12 = arith.constant 0 : i32
    %dma_start3A_13 = tpu.memref_slice %arg6[%dma_start3A_11, %dma_start3A_12] : memref<4x32xi32, #tpu.memory_space<vmem>> -> memref<1x32xi32, #tpu.memory_space<vmem>>
    %dma_start3A_14 = tpu.memref_squeeze %dma_start3A_13 : memref<1x32xi32, #tpu.memory_space<vmem>> -> memref<32xi32, #tpu.memory_space<vmem>>
    %dma_start3A_15 = arith.constant 0 : i32
    %dma_start3A_16 = arith.constant 0 : i32
    %dma_start3A_17 = tpu.memref_slice %arg5[%dma_start3A_15, %dma_start3A_16] : memref<12288x1024xf32, #tpu.memory_space<hbm>> -> memref<12288x1024xf32, #tpu.memory_space<hbm>>
    tpu.enqueue_indirect_dma source(%arg8 : memref<32x1024xf32, #tpu.memory_space<vmem>>) target(%dma_start3A_17 : memref<12288x1024xf32, #tpu.memory_space<hbm>>) offsets(%dma_start3A_14 : memref<32xi32, #tpu.memory_space<vmem>>) semaphore(%arg12 : memref<!tpu.dma_semaphore, #tpu.memory_space<semaphore_mem>>)
    %dma_start3A_18 = arith.constant 0 : i32
    %dma_start3A_19 = arith.constant 0 : i32
    %dma_start3A_20 = tpu.memref_slice %arg7[%dma_start3A_18, %dma_start3A_19] : memref<4x32xi32, #tpu.memory_space<vmem>> -> memref<1x32xi32, #tpu.memory_space<vmem>>
    %dma_start3A_21 = tpu.memref_squeeze %dma_start3A_20 : memref<1x32xi32, #tpu.memory_space<vmem>> -> memref<32xi32, #tpu.memory_space<vmem>>
    %dma_start3A_22 = arith.constant 0 : i32
    %dma_start3A_23 = arith.constant 0 : i32
    %dma_start3A_24 = tpu.memref_slice %arg5[%dma_start3A_22, %dma_start3A_23] : memref<12288x1024xf32, #tpu.memory_space<hbm>> -> memref<12288x1024xf32, #tpu.memory_space<hbm>>
    tpu.enqueue_indirect_dma source(%arg8 : memref<32x1024xf32, #tpu.memory_space<vmem>>) target(%dma_start3A_24 : memref<12288x1024xf32, #tpu.memory_space<hbm>>) offsets(%dma_start3A_21 : memref<32xi32, #tpu.memory_space<vmem>>) semaphore(%arg12 : memref<!tpu.dma_semaphore, #tpu.memory_space<semaphore_mem>>)
    %add3A_25 = arith.constant 32 : i32
    %add3A_26 = arith.addi %mul3A_4, %add3A_25 : i32
    %dma_start3A_27 = arith.constant 0 : i32
    %dma_start3A_28 = tpu.memref_slice %arg2[%add3A_26, %dma_start3A_27] : memref<4096x1024xf32, #tpu.memory_space<hbm>> -> memref<32x1024xf32, #tpu.memory_space<hbm>>
    %dma_start3A_29 = arith.constant 0 : i32
    %dma_start3A_30 = tpu.memref_slice %arg2[%add3A_26, %dma_start3A_29] : memref<4096x1024xf32, #tpu.memory_space<hbm>> -> memref<32x1024xf32, #tpu.memory_space<hbm>>
    tpu.enqueue_dma source(%dma_start3A_30 : memref<32x1024xf32, #tpu.memory_space<hbm>>) target(%arg9 : memref<32x1024xf32, #tpu.memory_space<vmem>>) target_semaphore(%arg11 : memref<!tpu.dma_semaphore, #tpu.memory_space<semaphore_mem>>)
    %dma_wait3A_31 = arith.constant 0 : i32
    %dma_wait3A_32 = tpu.memref_slice %arg2[%add3A_26, %dma_wait3A_31] : memref<4096x1024xf32, #tpu.memory_space<hbm>> -> memref<32x1024xf32, #tpu.memory_space<hbm>>
    %dma_wait3A_33 = arith.constant 0 : i32
    %dma_wait3A_34 = tpu.memref_slice %arg2[%add3A_26, %dma_wait3A_33] : memref<4096x1024xf32, #tpu.memory_space<hbm>> -> memref<32x1024xf32, #tpu.memory_space<hbm>>
    tpu.wait_dma2 semaphore(%arg11 : memref<!tpu.dma_semaphore, #tpu.memory_space<semaphore_mem>>) src(%dma_wait3A_34 : memref<32x1024xf32, #tpu.memory_space<hbm>>) dst(%arg9 : memref<32x1024xf32, #tpu.memory_space<vmem>>)
    %dma_start3A_35 = arith.constant 1 : i32
    %dma_start3A_36 = arith.constant 0 : i32
    %dma_start3A_37 = tpu.memref_slice %arg6[%dma_start3A_35, %dma_start3A_36] : memref<4x32xi32, #tpu.memory_space<vmem>> -> memref<1x32xi32, #tpu.memory_space<vmem>>
    %dma_start3A_38 = tpu.memref_squeeze %dma_start3A_37 : memref<1x32xi32, #tpu.memory_space<vmem>> -> memref<32xi32, #tpu.memory_space<vmem>>
    %dma_start3A_39 = arith.constant 0 : i32
    %dma_start3A_40 = arith.constant 0 : i32
    %dma_start3A_41 = tpu.memref_slice %arg5[%dma_start3A_39, %dma_start3A_40] : memref<12288x1024xf32, #tpu.memory_space<hbm>> -> memref<12288x1024xf32, #tpu.memory_space<hbm>>
    tpu.enqueue_indirect_dma source(%arg9 : memref<32x1024xf32, #tpu.memory_space<vmem>>) target(%dma_start3A_41 : memref<12288x1024xf32, #tpu.memory_space<hbm>>) offsets(%dma_start3A_38 : memref<32xi32, #tpu.memory_space<vmem>>) semaphore(%arg13 : memref<!tpu.dma_semaphore, #tpu.memory_space<semaphore_mem>>)
    %dma_start3A_42 = arith.constant 1 : i32
    %dma_start3A_43 = arith.constant 0 : i32
    %dma_start3A_44 = tpu.memref_slice %arg7[%dma_start3A_42, %dma_start3A_43] : memref<4x32xi32, #tpu.memory_space<vmem>> -> memref<1x32xi32, #tpu.memory_space<vmem>>
    %dma_start3A_45 = tpu.memref_squeeze %dma_start3A_44 : memref<1x32xi32, #tpu.memory_space<vmem>> -> memref<32xi32, #tpu.memory_space<vmem>>
    %dma_start3A_46 = arith.constant 0 : i32
    %dma_start3A_47 = arith.constant 0 : i32
    %dma_start3A_48 = tpu.memref_slice %arg5[%dma_start3A_46, %dma_start3A_47] : memref<12288x1024xf32, #tpu.memory_space<hbm>> -> memref<12288x1024xf32, #tpu.memory_space<hbm>>
    tpu.enqueue_indirect_dma source(%arg9 : memref<32x1024xf32, #tpu.memory_space<vmem>>) target(%dma_start3A_48 : memref<12288x1024xf32, #tpu.memory_space<hbm>>) offsets(%dma_start3A_45 : memref<32xi32, #tpu.memory_space<vmem>>) semaphore(%arg13 : memref<!tpu.dma_semaphore, #tpu.memory_space<semaphore_mem>>)
    %dma_wait3A_49 = arith.constant 0 : i32
    %dma_wait3A_50 = arith.constant 0 : i32
    %dma_wait3A_51 = tpu.memref_slice %arg6[%dma_wait3A_49, %dma_wait3A_50] : memref<4x32xi32, #tpu.memory_space<vmem>> -> memref<1x32xi32, #tpu.memory_space<vmem>>
    %dma_wait3A_52 = tpu.memref_squeeze %dma_wait3A_51 : memref<1x32xi32, #tpu.memory_space<vmem>> -> memref<32xi32, #tpu.memory_space<vmem>>
    %dma_wait3A_53 = arith.constant 0 : i32
    %dma_wait3A_54 = arith.constant 0 : i32
    %dma_wait3A_55 = tpu.memref_slice %arg5[%dma_wait3A_53, %dma_wait3A_54] : memref<12288x1024xf32, #tpu.memory_space<hbm>> -> memref<12288x1024xf32, #tpu.memory_space<hbm>>
    tpu.wait_indirect_dma semaphore(%arg12 : memref<!tpu.dma_semaphore, #tpu.memory_space<semaphore_mem>>) src(%arg8 : memref<32x1024xf32, #tpu.memory_space<vmem>>) dst(%dma_wait3A_55 : memref<12288x1024xf32, #tpu.memory_space<hbm>>)
    %dma_wait3A_56 = arith.constant 0 : i32
    %dma_wait3A_57 = arith.constant 0 : i32
    %dma_wait3A_58 = tpu.memref_slice %arg7[%dma_wait3A_56, %dma_wait3A_57] : memref<4x32xi32, #tpu.memory_space<vmem>> -> memref<1x32xi32, #tpu.memory_space<vmem>>
    %dma_wait3A_59 = tpu.memref_squeeze %dma_wait3A_58 : memref<1x32xi32, #tpu.memory_space<vmem>> -> memref<32xi32, #tpu.memory_space<vmem>>
    %dma_wait3A_60 = arith.constant 0 : i32
    %dma_wait3A_61 = arith.constant 0 : i32
    %dma_wait3A_62 = tpu.memref_slice %arg5[%dma_wait3A_60, %dma_wait3A_61] : memref<12288x1024xf32, #tpu.memory_space<hbm>> -> memref<12288x1024xf32, #tpu.memory_space<hbm>>
    tpu.wait_indirect_dma semaphore(%arg12 : memref<!tpu.dma_semaphore, #tpu.memory_space<semaphore_mem>>) src(%arg8 : memref<32x1024xf32, #tpu.memory_space<vmem>>) dst(%dma_wait3A_62 : memref<12288x1024xf32, #tpu.memory_space<hbm>>)
    %add3A_63 = arith.constant 64 : i32
    %add3A_64 = arith.addi %mul3A_4, %add3A_63 : i32
    %dma_start3A_65 = arith.constant 0 : i32
    %dma_start3A_66 = tpu.memref_slice %arg2[%add3A_64, %dma_start3A_65] : memref<4096x1024xf32, #tpu.memory_space<hbm>> -> memref<32x1024xf32, #tpu.memory_space<hbm>>
    %dma_start3A_67 = arith.constant 0 : i32
    %dma_start3A_68 = tpu.memref_slice %arg2[%add3A_64, %dma_start3A_67] : memref<4096x1024xf32, #tpu.memory_space<hbm>> -> memref<32x1024xf32, #tpu.memory_space<hbm>>
    tpu.enqueue_dma source(%dma_start3A_68 : memref<32x1024xf32, #tpu.memory_space<hbm>>) target(%arg8 : memref<32x1024xf32, #tpu.memory_space<vmem>>) target_semaphore(%arg10 : memref<!tpu.dma_semaphore, #tpu.memory_space<semaphore_mem>>)
    %dma_wait3A_69 = arith.constant 0 : i32
    %dma_wait3A_70 = tpu.memref_slice %arg2[%add3A_64, %dma_wait3A_69] : memref<4096x1024xf32, #tpu.memory_space<hbm>> -> memref<32x1024xf32, #tpu.memory_space<hbm>>
    %dma_wait3A_71 = arith.constant 0 : i32
    %dma_wait3A_72 = tpu.memref_slice %arg2[%add3A_64, %dma_wait3A_71] : memref<4096x1024xf32, #tpu.memory_space<hbm>> -> memref<32x1024xf32, #tpu.memory_space<hbm>>
    tpu.wait_dma2 semaphore(%arg10 : memref<!tpu.dma_semaphore, #tpu.memory_space<semaphore_mem>>) src(%dma_wait3A_72 : memref<32x1024xf32, #tpu.memory_space<hbm>>) dst(%arg8 : memref<32x1024xf32, #tpu.memory_space<vmem>>)
    %dma_start3A_73 = arith.constant 2 : i32
    %dma_start3A_74 = arith.constant 0 : i32
    %dma_start3A_75 = tpu.memref_slice %arg6[%dma_start3A_73, %dma_start3A_74] : memref<4x32xi32, #tpu.memory_space<vmem>> -> memref<1x32xi32, #tpu.memory_space<vmem>>
    %dma_start3A_76 = tpu.memref_squeeze %dma_start3A_75 : memref<1x32xi32, #tpu.memory_space<vmem>> -> memref<32xi32, #tpu.memory_space<vmem>>
    %dma_start3A_77 = arith.constant 0 : i32
    %dma_start3A_78 = arith.constant 0 : i32
    %dma_start3A_79 = tpu.memref_slice %arg5[%dma_start3A_77, %dma_start3A_78] : memref<12288x1024xf32, #tpu.memory_space<hbm>> -> memref<12288x1024xf32, #tpu.memory_space<hbm>>
    tpu.enqueue_indirect_dma source(%arg8 : memref<32x1024xf32, #tpu.memory_space<vmem>>) target(%dma_start3A_79 : memref<12288x1024xf32, #tpu.memory_space<hbm>>) offsets(%dma_start3A_76 : memref<32xi32, #tpu.memory_space<vmem>>) semaphore(%arg12 : memref<!tpu.dma_semaphore, #tpu.memory_space<semaphore_mem>>)
    %dma_start3A_80 = arith.constant 2 : i32
    %dma_start3A_81 = arith.constant 0 : i32
    %dma_start3A_82 = tpu.memref_slice %arg7[%dma_start3A_80, %dma_start3A_81] : memref<4x32xi32, #tpu.memory_space<vmem>> -> memref<1x32xi32, #tpu.memory_space<vmem>>
    %dma_start3A_83 = tpu.memref_squeeze %dma_start3A_82 : memref<1x32xi32, #tpu.memory_space<vmem>> -> memref<32xi32, #tpu.memory_space<vmem>>
    %dma_start3A_84 = arith.constant 0 : i32
    %dma_start3A_85 = arith.constant 0 : i32
    %dma_start3A_86 = tpu.memref_slice %arg5[%dma_start3A_84, %dma_start3A_85] : memref<12288x1024xf32, #tpu.memory_space<hbm>> -> memref<12288x1024xf32, #tpu.memory_space<hbm>>
    tpu.enqueue_indirect_dma source(%arg8 : memref<32x1024xf32, #tpu.memory_space<vmem>>) target(%dma_start3A_86 : memref<12288x1024xf32, #tpu.memory_space<hbm>>) offsets(%dma_start3A_83 : memref<32xi32, #tpu.memory_space<vmem>>) semaphore(%arg12 : memref<!tpu.dma_semaphore, #tpu.memory_space<semaphore_mem>>)
    %dma_wait3A_87 = arith.constant 1 : i32
    %dma_wait3A_88 = arith.constant 0 : i32
    %dma_wait3A_89 = tpu.memref_slice %arg6[%dma_wait3A_87, %dma_wait3A_88] : memref<4x32xi32, #tpu.memory_space<vmem>> -> memref<1x32xi32, #tpu.memory_space<vmem>>
    %dma_wait3A_90 = tpu.memref_squeeze %dma_wait3A_89 : memref<1x32xi32, #tpu.memory_space<vmem>> -> memref<32xi32, #tpu.memory_space<vmem>>
    %dma_wait3A_91 = arith.constant 0 : i32
    %dma_wait3A_92 = arith.constant 0 : i32
    %dma_wait3A_93 = tpu.memref_slice %arg5[%dma_wait3A_91, %dma_wait3A_92] : memref<12288x1024xf32, #tpu.memory_space<hbm>> -> memref<12288x1024xf32, #tpu.memory_space<hbm>>
    tpu.wait_indirect_dma semaphore(%arg13 : memref<!tpu.dma_semaphore, #tpu.memory_space<semaphore_mem>>) src(%arg9 : memref<32x1024xf32, #tpu.memory_space<vmem>>) dst(%dma_wait3A_93 : memref<12288x1024xf32, #tpu.memory_space<hbm>>)
    %dma_wait3A_94 = arith.constant 1 : i32
    %dma_wait3A_95 = arith.constant 0 : i32
    %dma_wait3A_96 = tpu.memref_slice %arg7[%dma_wait3A_94, %dma_wait3A_95] : memref<4x32xi32, #tpu.memory_space<vmem>> -> memref<1x32xi32, #tpu.memory_space<vmem>>
    %dma_wait3A_97 = tpu.memref_squeeze %dma_wait3A_96 : memref<1x32xi32, #tpu.memory_space<vmem>> -> memref<32xi32, #tpu.memory_space<vmem>>
    %dma_wait3A_98 = arith.constant 0 : i32
    %dma_wait3A_99 = arith.constant 0 : i32
    %dma_wait3A_100 = tpu.memref_slice %arg5[%dma_wait3A_98, %dma_wait3A_99] : memref<12288x1024xf32, #tpu.memory_space<hbm>> -> memref<12288x1024xf32, #tpu.memory_space<hbm>>
    tpu.wait_indirect_dma semaphore(%arg13 : memref<!tpu.dma_semaphore, #tpu.memory_space<semaphore_mem>>) src(%arg9 : memref<32x1024xf32, #tpu.memory_space<vmem>>) dst(%dma_wait3A_100 : memref<12288x1024xf32, #tpu.memory_space<hbm>>)
    %add3A_101 = arith.constant 96 : i32
    %add3A_102 = arith.addi %mul3A_4, %add3A_101 : i32
    %dma_start3A_103 = arith.constant 0 : i32
    %dma_start3A_104 = tpu.memref_slice %arg2[%add3A_102, %dma_start3A_103] : memref<4096x1024xf32, #tpu.memory_space<hbm>> -> memref<32x1024xf32, #tpu.memory_space<hbm>>
    %dma_start3A_105 = arith.constant 0 : i32
    %dma_start3A_106 = tpu.memref_slice %arg2[%add3A_102, %dma_start3A_105] : memref<4096x1024xf32, #tpu.memory_space<hbm>> -> memref<32x1024xf32, #tpu.memory_space<hbm>>
    tpu.enqueue_dma source(%dma_start3A_106 : memref<32x1024xf32, #tpu.memory_space<hbm>>) target(%arg9 : memref<32x1024xf32, #tpu.memory_space<vmem>>) target_semaphore(%arg11 : memref<!tpu.dma_semaphore, #tpu.memory_space<semaphore_mem>>)
    %dma_wait3A_107 = arith.constant 0 : i32
    %dma_wait3A_108 = tpu.memref_slice %arg2[%add3A_102, %dma_wait3A_107] : memref<4096x1024xf32, #tpu.memory_space<hbm>> -> memref<32x1024xf32, #tpu.memory_space<hbm>>
    %dma_wait3A_109 = arith.constant 0 : i32
    %dma_wait3A_110 = tpu.memref_slice %arg2[%add3A_102, %dma_wait3A_109] : memref<4096x1024xf32, #tpu.memory_space<hbm>> -> memref<32x1024xf32, #tpu.memory_space<hbm>>
    tpu.wait_dma2 semaphore(%arg11 : memref<!tpu.dma_semaphore, #tpu.memory_space<semaphore_mem>>) src(%dma_wait3A_110 : memref<32x1024xf32, #tpu.memory_space<hbm>>) dst(%arg9 : memref<32x1024xf32, #tpu.memory_space<vmem>>)
    %dma_start3A_111 = arith.constant 3 : i32
    %dma_start3A_112 = arith.constant 0 : i32
    %dma_start3A_113 = tpu.memref_slice %arg6[%dma_start3A_111, %dma_start3A_112] : memref<4x32xi32, #tpu.memory_space<vmem>> -> memref<1x32xi32, #tpu.memory_space<vmem>>
    %dma_start3A_114 = tpu.memref_squeeze %dma_start3A_113 : memref<1x32xi32, #tpu.memory_space<vmem>> -> memref<32xi32, #tpu.memory_space<vmem>>
    %dma_start3A_115 = arith.constant 0 : i32
    %dma_start3A_116 = arith.constant 0 : i32
    %dma_start3A_117 = tpu.memref_slice %arg5[%dma_start3A_115, %dma_start3A_116] : memref<12288x1024xf32, #tpu.memory_space<hbm>> -> memref<12288x1024xf32, #tpu.memory_space<hbm>>
    tpu.enqueue_indirect_dma source(%arg9 : memref<32x1024xf32, #tpu.memory_space<vmem>>) target(%dma_start3A_117 : memref<12288x1024xf32, #tpu.memory_space<hbm>>) offsets(%dma_start3A_114 : memref<32xi32, #tpu.memory_space<vmem>>) semaphore(%arg13 : memref<!tpu.dma_semaphore, #tpu.memory_space<semaphore_mem>>)
    %dma_start3A_118 = arith.constant 3 : i32
    %dma_start3A_119 = arith.constant 0 : i32
    %dma_start3A_120 = tpu.memref_slice %arg7[%dma_start3A_118, %dma_start3A_119] : memref<4x32xi32, #tpu.memory_space<vmem>> -> memref<1x32xi32, #tpu.memory_space<vmem>>
    %dma_start3A_121 = tpu.memref_squeeze %dma_start3A_120 : memref<1x32xi32, #tpu.memory_space<vmem>> -> memref<32xi32, #tpu.memory_space<vmem>>
    %dma_start3A_122 = arith.constant 0 : i32
    %dma_start3A_123 = arith.constant 0 : i32
    %dma_start3A_124 = tpu.memref_slice %arg5[%dma_start3A_122, %dma_start3A_123] : memref<12288x1024xf32, #tpu.memory_space<hbm>> -> memref<12288x1024xf32, #tpu.memory_space<hbm>>
    tpu.enqueue_indirect_dma source(%arg9 : memref<32x1024xf32, #tpu.memory_space<vmem>>) target(%dma_start3A_124 : memref<12288x1024xf32, #tpu.memory_space<hbm>>) offsets(%dma_start3A_121 : memref<32xi32, #tpu.memory_space<vmem>>) semaphore(%arg13 : memref<!tpu.dma_semaphore, #tpu.memory_space<semaphore_mem>>)
    %dma_wait3A_125 = arith.constant 2 : i32
    %dma_wait3A_126 = arith.constant 0 : i32
    %dma_wait3A_127 = tpu.memref_slice %arg6[%dma_wait3A_125, %dma_wait3A_126] : memref<4x32xi32, #tpu.memory_space<vmem>> -> memref<1x32xi32, #tpu.memory_space<vmem>>
    %dma_wait3A_128 = tpu.memref_squeeze %dma_wait3A_127 : memref<1x32xi32, #tpu.memory_space<vmem>> -> memref<32xi32, #tpu.memory_space<vmem>>
    %dma_wait3A_129 = arith.constant 0 : i32
    %dma_wait3A_130 = arith.constant 0 : i32
    %dma_wait3A_131 = tpu.memref_slice %arg5[%dma_wait3A_129, %dma_wait3A_130] : memref<12288x1024xf32, #tpu.memory_space<hbm>> -> memref<12288x1024xf32, #tpu.memory_space<hbm>>
    tpu.wait_indirect_dma semaphore(%arg12 : memref<!tpu.dma_semaphore, #tpu.memory_space<semaphore_mem>>) src(%arg8 : memref<32x1024xf32, #tpu.memory_space<vmem>>) dst(%dma_wait3A_131 : memref<12288x1024xf32, #tpu.memory_space<hbm>>)
    %dma_wait3A_132 = arith.constant 2 : i32
    %dma_wait3A_133 = arith.constant 0 : i32
    %dma_wait3A_134 = tpu.memref_slice %arg7[%dma_wait3A_132, %dma_wait3A_133] : memref<4x32xi32, #tpu.memory_space<vmem>> -> memref<1x32xi32, #tpu.memory_space<vmem>>
    %dma_wait3A_135 = tpu.memref_squeeze %dma_wait3A_134 : memref<1x32xi32, #tpu.memory_space<vmem>> -> memref<32xi32, #tpu.memory_space<vmem>>
    %dma_wait3A_136 = arith.constant 0 : i32
    %dma_wait3A_137 = arith.constant 0 : i32
    %dma_wait3A_138 = tpu.memref_slice %arg5[%dma_wait3A_136, %dma_wait3A_137] : memref<12288x1024xf32, #tpu.memory_space<hbm>> -> memref<12288x1024xf32, #tpu.memory_space<hbm>>
    tpu.wait_indirect_dma semaphore(%arg12 : memref<!tpu.dma_semaphore, #tpu.memory_space<semaphore_mem>>) src(%arg8 : memref<32x1024xf32, #tpu.memory_space<vmem>>) dst(%dma_wait3A_138 : memref<12288x1024xf32, #tpu.memory_space<hbm>>)
    %dma_wait3A_139 = arith.constant 3 : i32
    %dma_wait3A_140 = arith.constant 0 : i32
    %dma_wait3A_141 = tpu.memref_slice %arg6[%dma_wait3A_139, %dma_wait3A_140] : memref<4x32xi32, #tpu.memory_space<vmem>> -> memref<1x32xi32, #tpu.memory_space<vmem>>
    %dma_wait3A_142 = tpu.memref_squeeze %dma_wait3A_141 : memref<1x32xi32, #tpu.memory_space<vmem>> -> memref<32xi32, #tpu.memory_space<vmem>>
    %dma_wait3A_143 = arith.constant 0 : i32
    %dma_wait3A_144 = arith.constant 0 : i32
    %dma_wait3A_145 = tpu.memref_slice %arg5[%dma_wait3A_143, %dma_wait3A_144] : memref<12288x1024xf32, #tpu.memory_space<hbm>> -> memref<12288x1024xf32, #tpu.memory_space<hbm>>
    tpu.wait_indirect_dma semaphore(%arg13 : memref<!tpu.dma_semaphore, #tpu.memory_space<semaphore_mem>>) src(%arg9 : memref<32x1024xf32, #tpu.memory_space<vmem>>) dst(%dma_wait3A_145 : memref<12288x1024xf32, #tpu.memory_space<hbm>>)
    %dma_wait3A_146 = arith.constant 3 : i32
    %dma_wait3A_147 = arith.constant 0 : i32
    %dma_wait3A_148 = tpu.memref_slice %arg7[%dma_wait3A_146, %dma_wait3A_147] : memref<4x32xi32, #tpu.memory_space<vmem>> -> memref<1x32xi32, #tpu.memory_space<vmem>>
    %dma_wait3A_149 = tpu.memref_squeeze %dma_wait3A_148 : memref<1x32xi32, #tpu.memory_space<vmem>> -> memref<32xi32, #tpu.memory_space<vmem>>
    %dma_wait3A_150 = arith.constant 0 : i32
    %dma_wait3A_151 = arith.constant 0 : i32
    %dma_wait3A_152 = tpu.memref_slice %arg5[%dma_wait3A_150, %dma_wait3A_151] : memref<12288x1024xf32, #tpu.memory_space<hbm>> -> memref<12288x1024xf32, #tpu.memory_space<hbm>>
    tpu.wait_indirect_dma semaphore(%arg13 : memref<!tpu.dma_semaphore, #tpu.memory_space<semaphore_mem>>) src(%arg9 : memref<32x1024xf32, #tpu.memory_space<vmem>>) dst(%dma_wait3A_152 : memref<12288x1024xf32, #tpu.memory_space<hbm>>)
    return
  }
}

module attributes {stable_mosaic.version = 14 : i64} {
  func.func @_router_body(%arg0: i32, %arg1: memref<512x1024xf32, #tpu.memory_space<vmem>>, %arg2: memref<8x1024xf32, #tpu.memory_space<vmem>>, %arg3: memref<512x8xf32, #tpu.memory_space<vmem>>, %arg4: memref<512x2xi32, #tpu.memory_space<vmem>>, %arg5: memref<512x2xf32, #tpu.memory_space<vmem>>) attributes {dimension_semantics = [#tpu.dimension_semantics<arbitrary>], iteration_bounds = array<i64: 8>, scalar_prefetch = 0 : i64, scratch_operands = 0 : i64, tpu.core_type = #tpu.core_type<tc>, window_params = [{transform_indices = @transform_0, window_bounds = array<i64: 512, 1024>}, {pipeline_mode = #tpu.pipeline_mode<synchronous>, transform_indices = @transform_1, window_bounds = array<i64: 8, 1024>}, {transform_indices = @transform_2, window_bounds = array<i64: 512, 8>}, {transform_indices = @transform_3, window_bounds = array<i64: 512, 2>}, {transform_indices = @transform_4, window_bounds = array<i64: 512, 2>}]} {
    %get3A = arith.constant 0 : index
    %get3A_0 = arith.constant 0 : index
    %get3A_1 = vector.load %arg1[%get3A, %get3A_0] : memref<512x1024xf32, #tpu.memory_space<vmem>>, vector<512x1024xf32>
    %get3A_2 = arith.constant 0 : index
    %get3A_3 = arith.constant 0 : index
    %get3A_4 = vector.load %arg2[%get3A_2, %get3A_3] : memref<8x1024xf32, #tpu.memory_space<vmem>>, vector<8x1024xf32>
    %dot_general3A = arith.constant dense<0.000000e+00> : vector<512x8xf32>
    %dot_general3A_5 = tpu.matmul %get3A_1, %get3A_4, %dot_general3A {dimension_numbers = #tpu.dot_dimension_numbers<[1], [1], [0], [0], [0, 0, 1, 0], [], []>, transpose_lhs_hint = false} : vector<512x1024xf32>, vector<8x1024xf32>, vector<512x8xf32> -> vector<512x8xf32>
    %swap3A = arith.constant 0 : index
    %swap3A_6 = arith.constant 0 : index
    %swap3A_7 = vector.load %arg3[%swap3A, %swap3A_6] : memref<512x8xf32, #tpu.memory_space<vmem>>, vector<512x8xf32>
    tpu.vector_store %arg3[%swap3A, %swap3A_6], %dot_general3A_5 {strides = array<i32>} : memref<512x8xf32, #tpu.memory_space<vmem>>, vector<512x8xf32>,
    %reduce_max3A = arith.constant dense<0xFF800000> : vector<512xf32>
    %reduce_max3A_8 = vector.multi_reduction <maximumf>, %dot_general3A_5, %reduce_max3A [1] : vector<512x8xf32> to vector<512xf32>
    %broadcast_in_dim3A = vector.shape_cast %reduce_max3A_8 : vector<512xf32> to vector<512x1xf32>
    %sub3A = vector.broadcast %broadcast_in_dim3A : vector<512x1xf32> to vector<512x8xf32>
    %sub3A_9 = arith.subf %dot_general3A_5, %sub3A : vector<512x8xf32>
    %exp3A = math.exp %sub3A_9 : vector<512x8xf32>
    %reduce_sum3A = arith.constant dense<0.000000e+00> : vector<512xf32>
    %reduce_sum3A_10 = vector.multi_reduction <add>, %exp3A, %reduce_sum3A [1] : vector<512x8xf32> to vector<512xf32>
    %broadcast_in_dim3A_11 = vector.shape_cast %reduce_sum3A_10 : vector<512xf32> to vector<512x1xf32>
    %div3A = vector.broadcast %broadcast_in_dim3A_11 : vector<512x1xf32> to vector<512x8xf32>
    %div3A_12 = arith.divf %exp3A, %div3A : vector<512x8xf32>
    %iota3A = tpu.iota {dimensions = array<i32: 1>} : vector<512x8xi32>
    %reduce_max3A_13 = arith.constant dense<0xFF800000> : vector<512xf32>
    %reduce_max3A_14 = vector.multi_reduction <maximumf>, %div3A_12, %reduce_max3A_13 [1] : vector<512x8xf32> to vector<512xf32>
    %broadcast_in_dim3A_15 = vector.shape_cast %reduce_max3A_14 : vector<512xf32> to vector<512x1xf32>
    %eq3A = vector.broadcast %broadcast_in_dim3A_15 : vector<512x1xf32> to vector<512x8xf32>
    %eq3A_16 = arith.cmpf oeq, %div3A_12, %eq3A : vector<512x8xf32>
    %jit3A = arith.constant 8 : i32
    %broadcast_in_dim3A_17 = vector.broadcast %jit3A : i32 to vector<512x8xi32>
    %select_n3A = arith.select %eq3A_16, %iota3A, %broadcast_in_dim3A_17 : vector<512x8xi1>, vector<512x8xi32>
    %reduce_min3A = arith.constant dense<2147483647> : vector<512xi32>
    %reduce_min3A_18 = vector.multi_reduction <minsi>, %select_n3A, %reduce_min3A [1] : vector<512x8xi32> to vector<512xi32>
    %broadcast_in_dim3A_19 = vector.shape_cast %reduce_min3A_18 : vector<512xi32> to vector<512x1xi32>
    %eq3A_20 = vector.broadcast %broadcast_in_dim3A_19 : vector<512x1xi32> to vector<512x8xi32>
    %eq3A_21 = arith.cmpi eq, %iota3A, %eq3A_20 : vector<512x8xi32>
    %jit3A_22 = arith.constant -1.000000e+00 : f32
    %broadcast_in_dim3A_23 = vector.broadcast %jit3A_22 : f32 to vector<512x8xf32>
    %select_n3A_24 = arith.select %eq3A_21, %broadcast_in_dim3A_23, %div3A_12 : vector<512x8xi1>, vector<512x8xf32>
    %reduce_max3A_25 = arith.constant dense<0xFF800000> : vector<512xf32>
    %reduce_max3A_26 = vector.multi_reduction <maximumf>, %select_n3A_24, %reduce_max3A_25 [1] : vector<512x8xf32> to vector<512xf32>
    %broadcast_in_dim3A_27 = vector.shape_cast %reduce_max3A_26 : vector<512xf32> to vector<512x1xf32>
    %eq3A_28 = vector.broadcast %broadcast_in_dim3A_27 : vector<512x1xf32> to vector<512x8xf32>
    %eq3A_29 = arith.cmpf oeq, %select_n3A_24, %eq3A_28 : vector<512x8xf32>
    %jit3A_30 = arith.constant 8 : i32
    %broadcast_in_dim3A_31 = vector.broadcast %jit3A_30 : i32 to vector<512x8xi32>
    %select_n3A_32 = arith.select %eq3A_29, %iota3A, %broadcast_in_dim3A_31 : vector<512x8xi1>, vector<512x8xi32>
    %reduce_min3A_33 = arith.constant dense<2147483647> : vector<512xi32>
    %reduce_min3A_34 = vector.multi_reduction <minsi>, %select_n3A_32, %reduce_min3A_33 [1] : vector<512x8xi32> to vector<512xi32>
    %broadcast_in_dim3A_35 = vector.shape_cast %reduce_min3A_34 : vector<512xi32> to vector<512x1xi32>
    %concatenate3A = tpu.concatenate %broadcast_in_dim3A_19, %broadcast_in_dim3A_35 in 1 : vector<512x1xi32>, vector<512x1xi32> -> vector<512x2xi32>
    %swap3A_36 = arith.constant 0 : index
    %swap3A_37 = arith.constant 0 : index
    %swap3A_38 = vector.load %arg4[%swap3A_36, %swap3A_37] : memref<512x2xi32, #tpu.memory_space<vmem>>, vector<512x2xi32>
    tpu.vector_store %arg4[%swap3A_36, %swap3A_37], %concatenate3A {strides = array<i32>} : memref<512x2xi32, #tpu.memory_space<vmem>>, vector<512x2xi32>,
    %concatenate3A_39 = tpu.concatenate %broadcast_in_dim3A_15, %broadcast_in_dim3A_27 in 1 : vector<512x1xf32>, vector<512x1xf32> -> vector<512x2xf32>
    %swap3A_40 = arith.constant 0 : index
    %swap3A_41 = arith.constant 0 : index
    %swap3A_42 = vector.load %arg5[%swap3A_40, %swap3A_41] : memref<512x2xf32, #tpu.memory_space<vmem>>, vector<512x2xf32>
    tpu.vector_store %arg5[%swap3A_40, %swap3A_41], %concatenate3A_39 {strides = array<i32>} : memref<512x2xf32, #tpu.memory_space<vmem>>, vector<512x2xf32>,
    return
  }
  func.func @transform_0(%arg0: i32) -> (i32, i32) {
    %c0_i32 = arith.constant 0 : i32
    %c0_i32_0 = arith.constant 0 : i32
    return %arg0, %c0_i32 : i32, i32
  }
  func.func @transform_1(%arg0: i32) -> (i32, i32) {
    %c0_i32 = arith.constant 0 : i32
    %c0_i32_0 = arith.constant 0 : i32
    %c0_i32_1 = arith.constant 0 : i32
    return %c0_i32, %c0_i32_0 : i32, i32
  }
  func.func @transform_2(%arg0: i32) -> (i32, i32) {
    %c0_i32 = arith.constant 0 : i32
    %c0_i32_0 = arith.constant 0 : i32
    return %arg0, %c0_i32 : i32, i32
  }
  func.func @transform_3(%arg0: i32) -> (i32, i32) {
    %c0_i32 = arith.constant 0 : i32
    %c0_i32_0 = arith.constant 0 : i32
    return %arg0, %c0_i32 : i32, i32
  }
  func.func @transform_4(%arg0: i32) -> (i32, i32) {
    %c0_i32 = arith.constant 0 : i32
    %c0_i32_0 = arith.constant 0 : i32
    return %arg0, %c0_i32 : i32, i32
  }
}

module attributes {stable_mosaic.version = 14 : i64} {
  func.func @_gmm_body(%arg0: i32, %arg1: i32, %arg2: memref<25xi32, #tpu.memory_space<smem>>, %arg3: memref<512x1024xf32, #tpu.memory_space<vmem>>, %arg4: memref<1x512x1024xbf16, #tpu.memory_space<vmem>>, %arg5: memref<1x512x1024xbf16, #tpu.memory_space<vmem>>, %arg6: memref<1x1024x512xbf16, #tpu.memory_space<vmem>>, %arg7: memref<512x1024xf32, #tpu.memory_space<vmem>>, %arg8: memref<512x1024xf32, #tpu.memory_space<vmem>>) attributes {dimension_semantics = [#tpu.dimension_semantics<arbitrary>, #tpu.dimension_semantics<arbitrary>], iteration_bounds = array<i64: 24, 4>, scalar_prefetch = 1 : i64, scratch_operands = 1 : i64, tpu.core_type = #tpu.core_type<tc>, window_params = [{transform_indices = @transform_0, window_bounds = array<i64: 512, 1024>}, {transform_indices = @transform_1, window_bounds = array<i64: 1, 512, 1024>}, {transform_indices = @transform_2, window_bounds = array<i64: 1, 512, 1024>}, {transform_indices = @transform_3, window_bounds = array<i64: 1, 1024, 512>}, {transform_indices = @transform_4, window_bounds = array<i64: 512, 1024>}]} {
    %get3A = arith.constant 24 : index
    %get3A_0 = memref.load %arg2[%get3A] : memref<25xi32, #tpu.memory_space<smem>>
    %eq3A = arith.constant 0 : i32
    %eq3A_1 = arith.cmpi eq, %arg1, %eq3A : i32
    %convert_element_type3A = arith.extui %eq3A_1 : i1 to i32
    %cond3A = arith.constant 0 : i32
    %cond3A_2 = arith.cmpi ne, %convert_element_type3A, %cond3A : i32
    scf.if %cond3A_2 {
      %broadcast_in_dim3A = arith.constant 0.000000e+00 : f32
      %broadcast_in_dim3A_11 = vector.broadcast %broadcast_in_dim3A : f32 to vector<512x1024xf32>
      %swap3A = arith.constant 0 : index
      %swap3A_12 = arith.constant 0 : index
      %swap3A_13 = vector.load %arg8[%swap3A, %swap3A_12] : memref<512x1024xf32, #tpu.memory_space<vmem>>, vector<512x1024xf32>
      tpu.vector_store %arg8[%swap3A, %swap3A_12], %broadcast_in_dim3A_11 {strides = array<i32>} : memref<512x1024xf32, #tpu.memory_space<vmem>>, vector<512x1024xf32>,
    } else {
    }
    %lt3A = arith.cmpi slt, %arg0, %get3A_0 : i32
    %convert_element_type3A_3 = arith.extui %lt3A : i1 to i32
    %cond3A_4 = arith.constant 0 : i32
    %cond3A_5 = arith.cmpi ne, %convert_element_type3A_3, %cond3A_4 : i32
    scf.if %cond3A_5 {
      %get3A_11 = arith.constant 0 : index
      %get3A_12 = arith.constant 0 : index
      %get3A_13 = vector.load %arg3[%get3A_11, %get3A_12] : memref<512x1024xf32, #tpu.memory_space<vmem>>, vector<512x1024xf32>
      %convert_element_type3A_14 = arith.truncf %get3A_13 : vector<512x1024xf32> to vector<512x1024xbf16>
      %get3A_15 = arith.constant 0 : index
      %get3A_16 = arith.constant 0 : index
      %get3A_17 = arith.constant 0 : index
      %get3A_18 = vector.load %arg4[%get3A_15, %get3A_16, %get3A_17] : memref<1x512x1024xbf16, #tpu.memory_space<vmem>>, vector<1x512x1024xbf16>
      %get3A_19 = vector.shape_cast %get3A_18 : vector<1x512x1024xbf16> to vector<512x1024xbf16>
      %dot_general3A = arith.constant dense<0.000000e+00> : vector<512x512xf32>
      %dot_general3A_20 = tpu.matmul %convert_element_type3A_14, %get3A_19, %dot_general3A {dimension_numbers = #tpu.dot_dimension_numbers<[1], [1], [0], [0], [0, 0, 1, 0], [], []>, transpose_lhs_hint = false} : vector<512x1024xbf16>, vector<512x1024xbf16>, vector<512x512xf32> -> vector<512x512xf32>
      %get3A_21 = arith.constant 0 : index
      %get3A_22 = arith.constant 0 : index
      %get3A_23 = arith.constant 0 : index
      %get3A_24 = vector.load %arg5[%get3A_21, %get3A_22, %get3A_23] : memref<1x512x1024xbf16, #tpu.memory_space<vmem>>, vector<1x512x1024xbf16>
      %get3A_25 = vector.shape_cast %get3A_24 : vector<1x512x1024xbf16> to vector<512x1024xbf16>
      %dot_general3A_26 = arith.constant dense<0.000000e+00> : vector<512x512xf32>
      %dot_general3A_27 = tpu.matmul %convert_element_type3A_14, %get3A_25, %dot_general3A_26 {dimension_numbers = #tpu.dot_dimension_numbers<[1], [1], [0], [0], [0, 0, 1, 0], [], []>, transpose_lhs_hint = false} : vector<512x1024xbf16>, vector<512x1024xbf16>, vector<512x512xf32> -> vector<512x512xf32>
      %logistic3A = arith.negf %dot_general3A_20 : vector<512x512xf32>
      %logistic3A_28 = math.exp %logistic3A : vector<512x512xf32>
      %logistic3A_29 = arith.constant 1.000000e+00 : f32
      %logistic3A_30 = vector.broadcast %logistic3A_29 : f32 to vector<512x512xf32>
      %logistic3A_31 = arith.addf %logistic3A_30, %logistic3A_28 : vector<512x512xf32>
      %logistic3A_32 = arith.divf %logistic3A_30, %logistic3A_31 : vector<512x512xf32>
      %mul3A = arith.mulf %dot_general3A_20, %logistic3A_32 : vector<512x512xf32>
      %mul3A_33 = arith.mulf %mul3A, %dot_general3A_27 : vector<512x512xf32>
      %convert_element_type3A_34 = arith.truncf %mul3A_33 : vector<512x512xf32> to vector<512x512xbf16>
      %get3A_35 = arith.constant 0 : index
      %get3A_36 = arith.constant 0 : index
      %get3A_37 = vector.load %arg8[%get3A_35, %get3A_36] : memref<512x1024xf32, #tpu.memory_space<vmem>>, vector<512x1024xf32>
      %get3A_38 = arith.constant 0 : index
      %get3A_39 = arith.constant 0 : index
      %get3A_40 = arith.constant 0 : index
      %get3A_41 = vector.load %arg6[%get3A_38, %get3A_39, %get3A_40] : memref<1x1024x512xbf16, #tpu.memory_space<vmem>>, vector<1x1024x512xbf16>
      %get3A_42 = vector.shape_cast %get3A_41 : vector<1x1024x512xbf16> to vector<1024x512xbf16>
      %dot_general3A_43 = arith.constant dense<0.000000e+00> : vector<512x1024xf32>
      %dot_general3A_44 = tpu.matmul %convert_element_type3A_34, %get3A_42, %dot_general3A_43 {dimension_numbers = #tpu.dot_dimension_numbers<[1], [1], [0], [0], [0, 0, 1, 0], [], []>, transpose_lhs_hint = false} : vector<512x512xbf16>, vector<1024x512xbf16>, vector<512x1024xf32> -> vector<512x1024xf32>
      %add3A = arith.addf %get3A_37, %dot_general3A_44 : vector<512x1024xf32>
      %swap3A = arith.constant 0 : index
      %swap3A_45 = arith.constant 0 : index
      %swap3A_46 = vector.load %arg8[%swap3A, %swap3A_45] : memref<512x1024xf32, #tpu.memory_space<vmem>>, vector<512x1024xf32>
      tpu.vector_store %arg8[%swap3A, %swap3A_45], %add3A {strides = array<i32>} : memref<512x1024xf32, #tpu.memory_space<vmem>>, vector<512x1024xf32>,
    } else {
    }
    %eq3A_6 = arith.constant 3 : i32
    %eq3A_7 = arith.cmpi eq, %arg1, %eq3A_6 : i32
    %convert_element_type3A_8 = arith.extui %eq3A_7 : i1 to i32
    %cond3A_9 = arith.constant 0 : i32
    %cond3A_10 = arith.cmpi ne, %convert_element_type3A_8, %cond3A_9 : i32
    scf.if %cond3A_10 {
      %get3A_11 = arith.constant 0 : index
      %get3A_12 = arith.constant 0 : index
      %get3A_13 = vector.load %arg8[%get3A_11, %get3A_12] : memref<512x1024xf32, #tpu.memory_space<vmem>>, vector<512x1024xf32>
      %swap3A = arith.constant 0 : index
      %swap3A_14 = arith.constant 0 : index
      %swap3A_15 = vector.load %arg7[%swap3A, %swap3A_14] : memref<512x1024xf32, #tpu.memory_space<vmem>>, vector<512x1024xf32>
      tpu.vector_store %arg7[%swap3A, %swap3A_14], %get3A_13 {strides = array<i32>} : memref<512x1024xf32, #tpu.memory_space<vmem>>, vector<512x1024xf32>,
    } else {
    }
    return
  }
  func.func @transform_0(%arg0: i32, %arg1: i32, %arg2: memref<25xi32, #tpu.memory_space<smem>>) -> (i32, i32) {
    %c0_i32 = arith.constant 0 : i32
    %c0_i32_0 = arith.constant 0 : i32
    return %arg0, %c0_i32 : i32, i32
  }
  func.func @transform_1(%arg0: i32, %arg1: i32, %arg2: memref<25xi32, #tpu.memory_space<smem>>) -> (i32, i32, i32) {
    %get3A = arith.index_cast %arg0 : i32 to index
    %get3A_0 = memref.load %arg2[%get3A] : memref<25xi32, #tpu.memory_space<smem>>
    %c0_i32 = arith.constant 0 : i32
    %c0_i32_1 = arith.constant 0 : i32
    return %get3A_0, %arg1, %c0_i32 : i32, i32, i32
  }
  func.func @transform_2(%arg0: i32, %arg1: i32, %arg2: memref<25xi32, #tpu.memory_space<smem>>) -> (i32, i32, i32) {
    %get3A = arith.index_cast %arg0 : i32 to index
    %get3A_0 = memref.load %arg2[%get3A] : memref<25xi32, #tpu.memory_space<smem>>
    %c0_i32 = arith.constant 0 : i32
    %c0_i32_1 = arith.constant 0 : i32
    return %get3A_0, %arg1, %c0_i32 : i32, i32, i32
  }
  func.func @transform_3(%arg0: i32, %arg1: i32, %arg2: memref<25xi32, #tpu.memory_space<smem>>) -> (i32, i32, i32) {
    %get3A = arith.index_cast %arg0 : i32 to index
    %get3A_0 = memref.load %arg2[%get3A] : memref<25xi32, #tpu.memory_space<smem>>
    %c0_i32 = arith.constant 0 : i32
    %c0_i32_1 = arith.constant 0 : i32
    return %get3A_0, %c0_i32, %arg1 : i32, i32, i32
  }
  func.func @transform_4(%arg0: i32, %arg1: i32, %arg2: memref<25xi32, #tpu.memory_space<smem>>) -> (i32, i32) {
    %c0_i32 = arith.constant 0 : i32
    %c0_i32_0 = arith.constant 0 : i32
    return %arg0, %c0_i32 : i32, i32
  }
}

module attributes {stable_mosaic.version = 14 : i64} {
  func.func @_pairsum_body(%arg0: i32, %arg1: memref<512x2x1024xf32, #tpu.memory_space<vmem>>, %arg2: memref<512x2xf32, #tpu.memory_space<vmem>>, %arg3: memref<512x1024xf32, #tpu.memory_space<vmem>>) attributes {dimension_semantics = [#tpu.dimension_semantics<arbitrary>], iteration_bounds = array<i64: 8>, scalar_prefetch = 0 : i64, scratch_operands = 0 : i64, tpu.core_type = #tpu.core_type<tc>, window_params = [{transform_indices = @transform_0, window_bounds = array<i64: 512, 2, 1024>}, {transform_indices = @transform_1, window_bounds = array<i64: 512, 2>}, {transform_indices = @transform_2, window_bounds = array<i64: 512, 1024>}]} {
    %get3A = arith.constant 0 : index
    %get3A_0 = arith.constant 0 : index
    %get3A_1 = arith.constant 0 : index
    %get3A_2 = vector.load %arg1[%get3A, %get3A_0, %get3A_1] : memref<512x2x1024xf32, #tpu.memory_space<vmem>>, vector<512x2x1024xf32>
    %get3A_3 = arith.constant 0 : index
    %get3A_4 = arith.constant 0 : index
    %get3A_5 = vector.load %arg2[%get3A_3, %get3A_4] : memref<512x2xf32, #tpu.memory_space<vmem>>, vector<512x2xf32>
    %slice3A = vector.extract_strided_slice %get3A_5 {offsets = [0, 0], sizes = [512, 1], strides = [1, 1]} : vector<512x2xf32> to vector<512x1xf32>
    %squeeze3A = vector.shape_cast %slice3A : vector<512x1xf32> to vector<512xf32>
    %broadcast_in_dim3A = vector.shape_cast %squeeze3A : vector<512xf32> to vector<512x1xf32>
    %slice3A_6 = vector.extract_strided_slice %get3A_2 {offsets = [0, 0, 0], sizes = [512, 1, 1024], strides = [1, 1, 1]} : vector<512x2x1024xf32> to vector<512x1x1024xf32>
    %squeeze3A_7 = vector.shape_cast %slice3A_6 : vector<512x1x1024xf32> to vector<512x1024xf32>
    %mul3A = vector.broadcast %broadcast_in_dim3A : vector<512x1xf32> to vector<512x1024xf32>
    %mul3A_8 = arith.mulf %mul3A, %squeeze3A_7 : vector<512x1024xf32>
    %slice3A_9 = vector.extract_strided_slice %get3A_5 {offsets = [0, 1], sizes = [512, 1], strides = [1, 1]} : vector<512x2xf32> to vector<512x1xf32>
    %squeeze3A_10 = vector.shape_cast %slice3A_9 : vector<512x1xf32> to vector<512xf32>
    %broadcast_in_dim3A_11 = vector.shape_cast %squeeze3A_10 : vector<512xf32> to vector<512x1xf32>
    %slice3A_12 = vector.extract_strided_slice %get3A_2 {offsets = [0, 1, 0], sizes = [512, 1, 1024], strides = [1, 1, 1]} : vector<512x2x1024xf32> to vector<512x1x1024xf32>
    %squeeze3A_13 = vector.shape_cast %slice3A_12 : vector<512x1x1024xf32> to vector<512x1024xf32>
    %mul3A_14 = vector.broadcast %broadcast_in_dim3A_11 : vector<512x1xf32> to vector<512x1024xf32>
    %mul3A_15 = arith.mulf %mul3A_14, %squeeze3A_13 : vector<512x1024xf32>
    %add3A = arith.addf %mul3A_8, %mul3A_15 : vector<512x1024xf32>
    %swap3A = arith.constant 0 : index
    %swap3A_16 = arith.constant 0 : index
    %swap3A_17 = vector.load %arg3[%swap3A, %swap3A_16] : memref<512x1024xf32, #tpu.memory_space<vmem>>, vector<512x1024xf32>
    tpu.vector_store %arg3[%swap3A, %swap3A_16], %add3A {strides = array<i32>} : memref<512x1024xf32, #tpu.memory_space<vmem>>, vector<512x1024xf32>,
    return
  }
  func.func @transform_0(%arg0: i32) -> (i32, i32, i32) {
    %c0_i32 = arith.constant 0 : i32
    %c0_i32_0 = arith.constant 0 : i32
    %c0_i32_1 = arith.constant 0 : i32
    return %arg0, %c0_i32, %c0_i32_0 : i32, i32, i32
  }
  func.func @transform_1(%arg0: i32) -> (i32, i32) {
    %c0_i32 = arith.constant 0 : i32
    %c0_i32_0 = arith.constant 0 : i32
    return %arg0, %c0_i32 : i32, i32
  }
  func.func @transform_2(%arg0: i32) -> (i32, i32) {
    %c0_i32 = arith.constant 0 : i32
    %c0_i32_0 = arith.constant 0 : i32
    return %arg0, %c0_i32 : i32, i32
  }
}

</mosaic_0001>

<sc_bundles>
// kernel: _run.10.cloned.1.call-start
scs
__scs_entry_jumppad:
0x0: {  	(pc) =	sbr.rel $0x88, $3  }
0x1: {  	(tag) =	ssettag $0x0;
	lr =	simm.s32 $0x1  }
0x2: {  	[smem:$0x3F9C] =	sst lr;
	_ =	strace $0xD0000000  }
0x3: {  	_ = 	snop  }
0x4: {  	_ = 	snop  }
0x5: {  	_ = 	snop  }
0x6: {  	_ = 	snop  }
0x7: {  	_ = 	snop  }
__scs_overlays_trampoline_lowered:
0x8: {  	[smem:$0x3FAB] =	sst s0  }
0x9: {  	[smem:$0x3FAC] =	sst s1  }
0xa: {  	[smem:$0x3FAD] =	sst s2  }
0xb: {  	[smem:$0x3FAE] =	sst s3  }
0xc: {  	[smem:$0x3FAF] =	sst s4  }
0xd: {  	[smem:$0x3FB0] =	sst s5  }
0xe: {  	[smem:$0x3FB1] =	sst s6  }
0xf: {  	[smem:$0x3FB2] =	sst s7  }
0x10: {  	[smem:$0x3FB3] =	sst s8  }
0x11: {  	[smem:$0x3FB4] =	sst s9;
	s0 =	simm.s32 @!p0 $0x0  }
0x12: {  	s1 =	sld [smem:$0x3F9A];
	s0 =	simm.s32 @p0 $0x1  }
0x13: {  	[smem:$0x3FB5] =	sst s0;
	s0 =	simm.s32 @!p1 $0x0  }
0x14: {  	s2 =	sld [smem:$0x3F99];
	s0 =	simm.s32 @p1 $0x1  }
0x15: {  	[smem:$0x3FB6] =	sst s0;
	s0 =	simm.s32 @!p2 $0x0  }
0x16: {  	s3 =	sld [smem:$0x3FDB];
	s0 =	simm.s32 @p2 $0x1  }
0x17: {  	s4 =	simm.s32 $0x1BF5;
	[smem:$0x3FB8] =	sst s0  }
0x18: {  	s0 =	sld [smem:$0x3F9B];
	_ =	swait.ge [sflag:s4], $0x0  }
0x19: {  	s7 =	sld [smem:$0x3F9C]  }
0x1a: {  	s8 =	sadd.s32 $0xFFFFE003, lr  }
0x1b: {  	s9 =	sadd.s32 $0xFFFFFEF7, lr;
	s5 =	simm.s32 $0xFFFFFFFF;
	p2 =	slt.u32 s8, $0xFFFFF086  }
0x1c: {  	p1 =	slt.u32 s9, $0xF7A;
	s5 =	simm.s32 @!p2 $0x0  }
0x1d: {  	s5 =	simm.s32 @p1 $0x1;
	p0 =	seq.s32 s7, s2  }
0x1e: {  	s7 =	smul.u32 @!p0 $0xF7A, s2;
	p2 =	seq.s32 @!p0 s5, $0x0  }
0x1f: {  	s9 =	smul.u32 $0xF7A, s1;
	s8 =	simm.s32 @!p0 $0x1BF5;
	p2 =	por !p2, p0  }
0x20: {  	[sflag:s8] =	ssyncset.s32 @!p0 $0xFFFFF086;
	s6 =	sadd.s32 @!p0 s3, s7;
	s7 =	simm.s32 @!p0 $0x108  }
0x21: {  	s3 =	sadd.s32 s3, s9;
	s6 =	sadd.s32 @!p0 $0x88, s6;
	s7 =	simm.s32 @p2 $0x1082  }
0x22: {  	[simem:s7], [sflag:s8] =	dma.local @!p0 [hbm:s6], $0xF7A  }
0x23: {  	s9 =	sor.u32 $0xD0000000, s2;
	s6 =	simm.s32 $0x108;
	_ =	swait.ge @!p0 [sflag:s8], $0x0  }
0x24: {  	s3 =	sadd.s32 $0x88, s3;
	s6 =	simm.s32 @!p1 $0x1082;
	[sflag:s4] =	ssyncset.s32 $0xFFFFF086  }
0x25: {  	[simem:s6], [sflag:s4] =	dma.local [hbm:s3], $0xF7A  }
0x26: {  	[smem:$0x3F9C] =	sst s1;
	(tag) =	ssettag s2;
	_ =	strace s9  }
0x27: {  	s1 =	sld [smem:$0x3FAC]  }
0x28: {  	s2 =	sld [smem:$0x3FAD]  }
0x29: {  	s4 =	sld [smem:$0x3FAF]  }
0x2a: {  	p0 =	seq.s32 s5, $0x0;
	s5 =	sld [smem:$0x3FB0]  }
0x2b: {  	s6 =	sld [smem:$0x3FB1]  }
0x2c: {  	s7 =	sld [smem:$0x3FB2]  }
0x2d: {  	s3 =	simm.s32 $0x108;
	s8 =	sld [smem:$0x3FB3]  }
0x2e: {  	s3 =	simm.s32 @!p0 $0x1082;
	s9 =	sld [smem:$0x3FB4]  }
0x2f: {  	lr =	sadd.s32 s0, s3;
	s0 =	sld [smem:$0x3FAB]  }
0x30: {  	s3 =	sld [smem:$0x3FAE]  }
0x31: {  	[smem:$0x3FB7] =	sst s10  }
0x32: {  	s10 =	sld [smem:$0x3FB5];
	_ =	sdelay $0x3  }
0x33: {  	p0 =	seq.s32 s10, $0x1;
	s10 =	sld [smem:$0x3FB7];
	_ =	sdelay $0x3  }
0x34: {  	[smem:$0x3FB7] =	sst s10  }
0x35: {  	s10 =	sld [smem:$0x3FB6];
	_ =	sdelay $0x3  }
0x36: {  	p1 =	seq.s32 s10, $0x1;
	s10 =	sld [smem:$0x3FB7];
	_ =	sdelay $0x3  }
0x37: {  	[smem:$0x3FB7] =	sst s10  }
0x38: {  	s10 =	sld [smem:$0x3FB8]  }
0x39: {  	_ = 	snop;
	(pc) =	sbr.ind lr, $3  }
0x3a: {  	_ = 	snop  }
0x3b: {  	_ = 	snop  }
0x3c: {  	p2 =	seq.s32 s10, $0x1;
	s10 =	sld [smem:$0x3FB7]  }
0x3d: {  	_ =	shalt  }
0x3e: {  	_ =	shalt  }
0x3f: {  	_ =	shalt  }
0x40: {  	_ =	shalt  }
0x41: {  	_ =	shalt  }
0x42: {  	_ =	shalt  }
0x43: {  	_ =	shalt  }
0x44: {  	_ =	shalt  }
0x45: {  	_ =	shalt  }
0x46: {  	_ =	shalt  }
0x47: {  	_ =	shalt  }
0x48: {  	_ =	shalt  }
0x49: {  	_ =	shalt  }
0x4a: {  	_ =	shalt  }
0x4b: {  	_ =	shalt  }
0x4c: {  	_ =	shalt  }
0x4d: {  	_ =	shalt  }
0x4e: {  	_ =	shalt  }
0x4f: {  	_ =	shalt  }
0x50: {  	_ =	shalt  }
0x51: {  	_ =	shalt  }
0x52: {  	_ =	shalt  }
0x53: {  	_ =	shalt  }
0x54: {  	_ =	shalt  }
0x55: {  	_ =	shalt  }
0x56: {  	_ =	shalt  }
0x57: {  	_ =	shalt  }
0x58: {  	_ =	shalt  }
0x59: {  	_ =	shalt  }
0x5a: {  	_ =	shalt  }
0x5b: {  	_ =	shalt  }
0x5c: {  	_ =	shalt  }
0x5d: {  	_ =	shalt  }
0x5e: {  	_ =	shalt  }
0x5f: {  	_ =	shalt  }
0x60: {  	_ =	shalt  }
0x61: {  	_ =	shalt  }
0x62: {  	_ =	shalt  }
0x63: {  	_ =	shalt  }
0x64: {  	_ =	shalt  }
0x65: {  	_ =	shalt  }
0x66: {  	_ =	shalt  }
0x67: {  	_ =	shalt  }
0x68: {  	_ =	shalt  }
0x69: {  	_ =	shalt  }
0x6a: {  	_ =	shalt  }
0x6b: {  	_ =	shalt  }
0x6c: {  	_ =	shalt  }
0x6d: {  	_ =	shalt  }
0x6e: {  	_ =	shalt  }
0x6f: {  	_ =	shalt  }
0x70: {  	_ =	shalt  }
0x71: {  	_ =	shalt  }
0x72: {  	_ =	shalt  }
0x73: {  	_ =	shalt  }
0x74: {  	_ =	shalt  }
0x75: {  	_ =	shalt  }
0x76: {  	_ =	shalt  }
0x77: {  	_ =	shalt  }
0x78: {  	_ =	shalt  }
0x79: {  	_ =	shalt  }
0x7a: {  	_ =	shalt  }
0x7b: {  	_ =	shalt  }
0x7c: {  	_ =	shalt  }
0x7d: {  	_ =	shalt  }
0x7e: {  	_ =	shalt  }
0x7f: {  	_ =	shalt  }
0x80: {  	_ =	shalt  }
0x81: {  	_ =	shalt  }
0x82: {  	_ =	shalt  }
0x83: {  	_ =	shalt  }
0x84: {  	_ =	shalt  }
0x85: {  	_ =	shalt  }
0x86: {  	_ =	shalt  }
0x87: {  	_ =	shalt  }
.Lfunc_end0:
.L_simem_size_0:
called_computation.2_lowered:
.L_overlay_start_0:
0x88: {  	s2 =	sld [smem:$0x3FD9]  }
0x89: {  	s3 =	sld [smem:$0x3FFE];
	_ =	sdelay $0x1  }
0x8a: {  	s1 =	srdreg.scid  }
0x8b: {  	s0 =	sand.u32 $0x1, s1  }
0x8c: {  	s14 =	sshll.u32 s0, $0xA;
	s2 =	sadd.s32 s3, s2  }
0x8d: {  	s2 =	sadd.s32 s2, s14  }
0x8e: {  	[smem:$0x3FC3] =	sst s2  }
0x8f: {  	_ = 	snop  }
0x90: {  	s2 =	sld [smem:$0x3FD0];
	_ =	sdelay $0x2  }
0x91: {  	s15 =	simm.s32 $0xA;
	s4 =	simm.s32 $0x10  }
0x92: {  	[smem:s4], [sflag:s15] =	dma.local [hbm:s2], $0x1  }
0x93: {  	_ =	swait.eq [sflag:s15], $0x1  }
0x94: {  	[sflag:s15] =	ssyncset.done $0x0  }
0x95: {  	[sflag:s15] =	ssyncadd.s32 $0xFFFFFFFF  }
0x96: {  	s16 =	sld [smem:$0x10];
	(tm) =	ssettm $0x1  }
0x97: {  	s17 =	sld [smem:$0x3FFB];
	_ =	sdelay $0x3  }
0x98: {  	_ =	strace s17  }
0x99: {  	s3 =	sld [smem:$0x3FFC];
	_ =	sdelay $0x3  }
0x9a: {  	_ =	strace s3  }
0x9b: {  	s3 =	sld [smem:$0x3FFD];
	_ =	sdelay $0x3  }
0x9c: {  	_ =	strace s3  }
0x9d: {  	_ =	strace $0x8FFFFFFF  }
0x9e: {  	s18 =	sld [smem:$0x3FDB];
	_ =	sdelay $0x1  }
0x9f: {  	s19 =	simm.s32 $_scs_section_size  }
0xa0: {  	s5 =	simm.s32 $_size__tile_overlayer_lowered;
	s6 =	simm.s32 $_tile_overlayer_lowered  }
0xa1: {  	s22 =	simm.s32 $0x1BFF;
	s21 =	sshll.u32 s6, $0x1;
	s3 =	sadd.s32 s19, s18  }
0xa2: {  	s7 =	simm.s32 $0x0;
	s20 =	sshll.u32 s5, $0x1;
	s5 =	sadd.s32 s21, s3  }
0xa3: {  	[timem:s7], [sflag:s22] =	dma.local [hbm:s5], s20  }
0xa4: {  	_ =	swait.ge [sflag:s22], s20  }
0xa5: {  	s4 =	ssub.s32 $0x0, s20;
	[sflag:s22] =	ssyncset.done $0x0  }
0xa6: {  	[sflag:s22] =	ssyncadd.s32 s4;
	_ =	sdelay $0x1  }
0xa7: {  	s23 =	simm.s32 $0x1B8B  }
0xa8: {  	_ =	swait.ge [sflag:s23], $0x1  }
0xa9: {  	[sflag:s23] =	ssyncset.done $0x0  }
0xaa: {  	s25 =	simm.s32 $0x1B8E;
	s24 =	sld [smem:$0x3FFE];
	[sflag:s23] =	ssyncadd.s32 $0xFFFFFFFF  }
0xab: {  	s26 =	simm.s32 $execute0_lowered;
	[smem:$0x3FD2] =	sst s25  }
0xac: {  	s5 =	sshll.u32 s26, $0x1;
	_ =	strace $0x8000004C;
	[dreg:$0x1] =	wrdreg $0xFFFFFFFF  }
0xad: {  	s28 =	simm.s32 $_size_execute0_lowered;
	s3 =	sadd.s32 s3, s5;
	[dreg:$0x0] =	wrdreg $0x0  }
0xae: {  	s5 =	sshll.u32 s28, $0x1;
	[dreg:$0x2] =	wrdreg s3  }
0xaf: {  	[dreg:$0x3] =	wrdreg s5  }
0xb0: {  	[dreg:$0x4] =	wrdreg $0xC0  }
0xb1: {  	_ =	task [dreg:s7], $0x5FFFF  }
0xb2: {  	[dreg:$0x1] =	wrdreg $0xFFFFFFFF  }
0xb3: {  	[dreg:$0x0] =	wrdreg $0x60  }
0xb4: {  	[dreg:$0x2] =	wrdreg s24  }
0xb5: {  	[dreg:$0x3] =	wrdreg s16  }
0xb6: {  	[dreg:$0x4] =	wrdreg $0x9  }
0xb7: {  	_ =	task.clear_ibuf [dreg:s7], $0x5FFFF;
	_ =	strace $0x9000004C  }
0xb8: {  	s29 =	simm.s32 $0x9;
	_ =	strace $0x8000004E  }
0xb9: {  	_ =	swait.ge [sflag:s29], $0x1  }
0xba: {  	[sflag:s29] =	ssyncadd.s32 $0xFFFFFFFF  }
0xbb: {  	_ =	strace $0x9000004E  }
0xbc: {  	_ =	sfence  }
0xbd: {  	s30 =	sld [smem:$0x0];
	_ =	sdelay $0x2  }
0xbe: {  	s31 =	sshll.u32 s1, $0xD;
	s1 =	sshrl.u32 s1, $0x2  }
0xbf: {  	s3 =	sand.u32 $0x4000, s31;
	s1 =	sadd.s32 s1, s30  }
0xc0: {  	s0 =	sor.u32 s3, s0;
	s1 =	sshll.u32 s1, $0x11  }
0xc1: {  	s0 =	sor.u32 s1, s0  }
0xc2: {  	s0 =	sadd.s32 $0x8F2B, s0  }
0xc3: {  	[sflag:s0] =	ssyncadd.remote.s32 $0x1  }
0xc4: {  	_ =	sfence.sel $0xFFFF  }
0xc5: {  	[dreg:$0x0] =	wrdreg $0xFFFFFFFF;
	(pc) =	sbr.abs _section_cstart, $3  }
0xc6: {  	[dreg:$0x1] =	wrdreg $0xFFFFFFFF  }
0xc7: {  	_ =	task.clear_ibuf [dreg:s7], $0x2FFFF;
	_ =	strace $0x9FFFFFFF  }
0xc8: {  	(tm) =	ssettm $0x7FFFFFFF  }
0xc9: {  	_ =	shalt  }
tec
execute0_lowered:
.L_overlay_start_1:
0x0: {  	(tag) =	ssettag $0x1  }
0x1: {  	s0 =	rddreg [dreg:$0x0]  }
0x2: {  	s1 =	srdreg.scid;
	s2 =	stileid.u32  }
0x3: {  	s3 =	rddreg [dreg:$0x1];
	s29 =	simm.s32 $0x400;
	s18 =	simm.s32 $0x2  }
0x4: {  	s19 =	simm.s32 $0x3;
	s1 =	sand.u32 $0x1, s1;
	s4 =	sshll.u32 s2, $0x1  }
0x5: {  	s20 =	simm.s32 $0x4;
	s2 =	simm.s32 $0x0;
	s4 =	sor.u32 s1, s4  }
0x6: {  	[smem:$0x7FF] =	sst s2;
	s5 =	sshll.u32 s4, $0xF;
	s4 =	sshll.u32 s4, $0x7  }
0x7: {  	s1 =	ssub.s32 $0x2, s1;
	s7 =	sadd.s32 s5, s0;
	s3 =	sadd.s32 s3, s4  }
0x8: {  	_ =	strace $0x8000004D;
	[dreg:$0x3] =	wrdreg s3;
	s23 =	sadd.s32 $0x20000, s7  }
0x9: {  	s26 =	sshrl.u32 s1, $0x1;
	s24 =	sadd.s32 $0x21000, s7;
	[dreg:$0x4] =	wrdreg s23  }
0xa: {  	s1 =	ssub.s32 s1, s26;
	s25 =	sadd.s32 $0x22000, s7;
	[dreg:$0x5] =	wrdreg s24  }
0xb: {  	s4 =	sadd.s32 $0x4A0F00, s0;
	s28 =	sadd.s32 $0x23000, s7;
	[dreg:$0x6] =	wrdreg s25  }
0xc: {  	s5 =	sadd.s32 $0x4A1000, s0;
	s30 =	sadd.s32 $0x24000, s7;
	[dreg:$0x7] =	wrdreg s28  }
0xd: {  	s26 =	simm.s32 $0x8400;
	s6 =	sadd.s32 $0x25000, s7;
	[dreg:$0x8] =	wrdreg s30  }
0xe: {  	v2 =	vlaneseq.u32;
	s3 =	sadd.s32 $0x4A0E00, s0;
	s8 =	sadd.s32 $0x26000, s7;
	[dreg:$0x9] =	wrdreg s6  }
0xf: {  	vm0 =	vmmov $0xffff;
	v1 =	vshrl.u32 v2, $0x3;
	s31 =	sadd.s32 $0x27000, s7;
	s7 =	smax.u32 s1, $0x1;
	[dreg:$0xa] =	wrdreg s8  }
0x10: {  	v0 =	vand.u32 $0x7, v2;
	v2 =	vor.u32 $0x8, v2;
	v1 =	vmul.u32 $0x8, v1;
	s6 =	sadd.s32 $0x4A1100, s0;
	[dreg:$0xb] =	wrdreg s31;
	s25 =	simm.s32 $0x1  }
.LBB2_1:
0x11: {  	s21 =	rddreg [dreg:$0x3];
	s13 =	simm.s32 $0x5  }
0x12: {  	[tilespmem:s2], [sflag:$0x5] =	stream.linear.gather [hbm4b:s21+s2], $0x400, $0x38;
	[tilespmem:$0x10400] =	vst v63  }
0x13: {  	_ =	swait.ge [sflag:s13], $0x400  }
0x14: {  	[sflag:s13] =	ssyncset.done $0x0  }
0x15: {  	[sflag:s13] =	ssyncadd.s32 $0xFFFFFC00  }
0x16: {  	v3 =	vld [tilespmem:$0x0];
	_ =	sdelay $0x4  }
0x17: {  	v4 =	vshll.u32 v3, $0x3  }
0x18: {  	v3 =	vand.u32 $0x7, v3;
	v4 =	vand.u32 $0xFFFFFFC0, v4  }
0x19: {  	v3 =	vor.u32 v3, v4  }
0x1a: {  	v4 =	vperm.xlane v3, v0;
	_ =	sdelay $0x1  }
0x1b: {  	v4 =	vadd.s32 v1, v4;
	_ =	sdelay $0x4  }
0x1c: {  	[tilespmem:s29], [sflag:$0x1] =	stream.indirect_vreg.gather [hbm4b:s3+s2], $0x80, v4, vm0, $0xb8;
	[tilespmem:$0x10400] =	vst v63  }
0x1d: {  	s0 =	simm.s32 $0xC00;
	v3 =	vperm.xlane v3, v2  }
0x1e: {  	[tilespmem:s0], [sflag:$0x1] =	stream.indirect_vreg.gather [hbm4b:s4+s2], $0x80, v4, vm0, $0xb8;
	[tilespmem:$0x10400] =	vst v63  }
0x1f: {  	s14 =	simm.s32 $0x1400;
	v3 =	vadd.s32 v1, v3  }
0x20: {  	[tilespmem:s14], [sflag:$0x1] =	stream.indirect_vreg.gather [hbm4b:s5+s2], $0x80, v4, vm0, $0xb8;
	[tilespmem:$0x10400] =	vst v63  }
0x21: {  	s15 =	simm.s32 $0x1C00  }
0x22: {  	[tilespmem:s15], [sflag:$0x1] =	stream.indirect_vreg.gather [hbm4b:s6+s2], $0x80, v4, vm0, $0xb8;
	[tilespmem:$0x10400] =	vst v63  }
0x23: {  	s16 =	simm.s32 $0x2400  }
0x24: {  	[tilespmem:s16], [sflag:$0x1] =	stream.indirect_vreg.gather [hbm4b:s3+s2], $0x80, v3, vm0, $0xb8;
	[tilespmem:$0x10400] =	vst v63  }
0x25: {  	s17 =	simm.s32 $0x2C00  }
0x26: {  	[tilespmem:s17], [sflag:$0x1] =	stream.indirect_vreg.gather [hbm4b:s4+s2], $0x80, v3, vm0, $0xb8;
	[tilespmem:$0x10400] =	vst v63  }
0x27: {  	s21 =	simm.s32 $0x3400  }
0x28: {  	[tilespmem:s21], [sflag:$0x1] =	stream.indirect_vreg.gather [hbm4b:s5+s2], $0x80, v3, vm0, $0xb8;
	[tilespmem:$0x10400] =	vst v63  }
0x29: {  	s22 =	simm.s32 $0x3C00  }
0x2a: {  	[tilespmem:s22], [sflag:$0x1] =	stream.indirect_vreg.gather [hbm4b:s6+s2], $0x80, v3, vm0, $0xb8;
	[tilespmem:$0x10400] =	vst v63  }
0x2b: {  	v3 =	vld [tilespmem:$0x10];
	_ =	sdelay $0x4  }
0x2c: {  	v49 =	vshll.u32 v3, $0x3  }
0x2d: {  	v3 =	vand.u32 $0x7, v3;
	v4 =	vand.u32 $0xFFFFFFC0, v49  }
0x2e: {  	v3 =	vor.u32 v3, v4  }
0x2f: {  	v4 =	vperm.xlane v3, v0;
	_ =	sdelay $0x1  }
0x30: {  	v4 =	vadd.s32 v1, v4;
	_ =	sdelay $0x3  }
0x31: {  	s23 =	simm.s32 $0x4400  }
0x32: {  	[tilespmem:s23], [sflag:$0x1] =	stream.indirect_vreg.gather [hbm4b:s3+s2], $0x80, v4, vm0, $0xb8;
	[tilespmem:$0x10400] =	vst v63  }
0x33: {  	s24 =	simm.s32 $0x4C00;
	v3 =	vperm.xlane v3, v2  }
0x34: {  	[tilespmem:s24], [sflag:$0x1] =	stream.indirect_vreg.gather [hbm4b:s4+s2], $0x80, v4, vm0, $0xb8;
	[tilespmem:$0x10400] =	vst v63  }
0x35: {  	s28 =	simm.s32 $0x5400;
	v3 =	vadd.s32 v1, v3  }
0x36: {  	[tilespmem:s28], [sflag:$0x1] =	stream.indirect_vreg.gather [hbm4b:s5+s2], $0x80, v4, vm0, $0xb8;
	[tilespmem:$0x10400] =	vst v63  }
0x37: {  	s30 =	simm.s32 $0x5C00  }
0x38: {  	[tilespmem:s30], [sflag:$0x1] =	stream.indirect_vreg.gather [hbm4b:s6+s2], $0x80, v4, vm0, $0xb8;
	[tilespmem:$0x10400] =	vst v63  }
0x39: {  	s31 =	simm.s32 $0x6400  }
0x3a: {  	[tilespmem:s31], [sflag:$0x1] =	stream.indirect_vreg.gather [hbm4b:s3+s2], $0x80, v3, vm0, $0xb8;
	[tilespmem:$0x10400] =	vst v63  }
0x3b: {  	s9 =	simm.s32 $0x6C00  }
0x3c: {  	[tilespmem:s9], [sflag:$0x1] =	stream.indirect_vreg.gather [hbm4b:s4+s2], $0x80, v3, vm0, $0xb8;
	[tilespmem:$0x10400] =	vst v63  }
0x3d: {  	s15 =	simm.s32 $0x7400  }
0x3e: {  	[tilespmem:s15], [sflag:$0x1] =	stream.indirect_vreg.gather [hbm4b:s5+s2], $0x80, v3, vm0, $0xb8;
	[tilespmem:$0x10400] =	vst v63  }
0x3f: {  	s16 =	simm.s32 $0x7C00  }
0x40: {  	[tilespmem:s16], [sflag:$0x1] =	stream.indirect_vreg.gather [hbm4b:s6+s2], $0x80, v3, vm0, $0xb8;
	[tilespmem:$0x10400] =	vst v63  }
0x41: {  	_ =	swait.ge [sflag:s25], $0x8000  }
0x42: {  	[sflag:s25] =	ssyncset.done $0x0  }
0x43: {  	s17 =	rddreg [dreg:$0x4];
	[sflag:s25] =	ssyncadd.s32 $0xFFFF8000  }
0x44: {  	[hbm4b:s17+s2] =	stream.linear.scatter [tilespmem:s29], [sflag:$0x3], $0x8000, $0x38;
	[tilespmem:$0x10400] =	vst v63  }
0x45: {  	v3 =	vld [tilespmem:$0x80];
	_ =	sdelay $0x4  }
0x46: {  	v50 =	vshll.u32 v3, $0x3  }
0x47: {  	v3 =	vand.u32 $0x7, v3;
	v4 =	vand.u32 $0xFFFFFFC0, v50  }
0x48: {  	v3 =	vor.u32 v3, v4  }
0x49: {  	v4 =	vperm.xlane v3, v0;
	_ =	sdelay $0x1  }
0x4a: {  	v4 =	vadd.s32 v1, v4;
	_ =	sdelay $0x4  }
0x4b: {  	[tilespmem:s26], [sflag:$0x2] =	stream.indirect_vreg.gather [hbm4b:s3+s2], $0x80, v4, vm0, $0xb8;
	[tilespmem:$0x10400] =	vst v63  }
0x4c: {  	s21 =	simm.s32 $0x8C00;
	v3 =	vperm.xlane v3, v2  }
0x4d: {  	[tilespmem:s21], [sflag:$0x2] =	stream.indirect_vreg.gather [hbm4b:s4+s2], $0x80, v4, vm0, $0xb8;
	[tilespmem:$0x10400] =	vst v63  }
0x4e: {  	s22 =	simm.s32 $0x9400;
	v3 =	vadd.s32 v1, v3  }
0x4f: {  	[tilespmem:s22], [sflag:$0x2] =	stream.indirect_vreg.gather [hbm4b:s5+s2], $0x80, v4, vm0, $0xb8;
	[tilespmem:$0x10400] =	vst v63  }
0x50: {  	s23 =	simm.s32 $0x9C00  }
0x51: {  	[tilespmem:s23], [sflag:$0x2] =	stream.indirect_vreg.gather [hbm4b:s6+s2], $0x80, v4, vm0, $0xb8;
	[tilespmem:$0x10400] =	vst v63  }
0x52: {  	s24 =	simm.s32 $0xA400  }
0x53: {  	[tilespmem:s24], [sflag:$0x2] =	stream.indirect_vreg.gather [hbm4b:s3+s2], $0x80, v3, vm0, $0xb8;
	[tilespmem:$0x10400] =	vst v63  }
0x54: {  	s28 =	simm.s32 $0xAC00  }
0x55: {  	[tilespmem:s28], [sflag:$0x2] =	stream.indirect_vreg.gather [hbm4b:s4+s2], $0x80, v3, vm0, $0xb8;
	[tilespmem:$0x10400] =	vst v63  }
0x56: {  	s30 =	simm.s32 $0xB400  }
0x57: {  	[tilespmem:s30], [sflag:$0x2] =	stream.indirect_vreg.gather [hbm4b:s5+s2], $0x80, v3, vm0, $0xb8;
	[tilespmem:$0x10400] =	vst v63  }
0x58: {  	s31 =	simm.s32 $0xBC00  }
0x59: {  	[tilespmem:s31], [sflag:$0x2] =	stream.indirect_vreg.gather [hbm4b:s6+s2], $0x80, v3, vm0, $0xb8;
	[tilespmem:$0x10400] =	vst v63  }
0x5a: {  	v3 =	vld [tilespmem:$0x90];
	_ =	sdelay $0x4  }
0x5b: {  	v51 =	vshll.u32 v3, $0x3  }
0x5c: {  	v3 =	vand.u32 $0x7, v3;
	v4 =	vand.u32 $0xFFFFFFC0, v51  }
0x5d: {  	v3 =	vor.u32 v3, v4  }
0x5e: {  	v4 =	vperm.xlane v3, v0;
	_ =	sdelay $0x1  }
0x5f: {  	v4 =	vadd.s32 v1, v4;
	_ =	sdelay $0x3  }
0x60: {  	s0 =	simm.s32 $0xC400  }
0x61: {  	[tilespmem:s0], [sflag:$0x2] =	stream.indirect_vreg.gather [hbm4b:s3+s2], $0x80, v4, vm0, $0xb8;
	[tilespmem:$0x10400] =	vst v63  }
0x62: {  	s9 =	simm.s32 $0xCC00;
	v3 =	vperm.xlane v3, v2  }
0x63: {  	[tilespmem:s9], [sflag:$0x2] =	stream.indirect_vreg.gather [hbm4b:s4+s2], $0x80, v4, vm0, $0xb8;
	[tilespmem:$0x10400] =	vst v63  }
0x64: {  	s15 =	simm.s32 $0xD400;
	v3 =	vadd.s32 v1, v3  }
0x65: {  	[tilespmem:s15], [sflag:$0x2] =	stream.indirect_vreg.gather [hbm4b:s5+s2], $0x80, v4, vm0, $0xb8;
	[tilespmem:$0x10400] =	vst v63  }
0x66: {  	s23 =	simm.s32 $0xDC00  }
0x67: {  	[tilespmem:s23], [sflag:$0x2] =	stream.indirect_vreg.gather [hbm4b:s6+s2], $0x80, v4, vm0, $0xb8;
	[tilespmem:$0x10400] =	vst v63  }
0x68: {  	s0 =	simm.s32 $0xE400  }
0x69: {  	[tilespmem:s0], [sflag:$0x2] =	stream.indirect_vreg.gather [hbm4b:s3+s2], $0x80, v3, vm0, $0xb8;
	[tilespmem:$0x10400] =	vst v63  }
0x6a: {  	s9 =	simm.s32 $0xEC00  }
0x6b: {  	[tilespmem:s9], [sflag:$0x2] =	stream.indirect_vreg.gather [hbm4b:s4+s2], $0x80, v3, vm0, $0xb8;
	[tilespmem:$0x10400] =	vst v63  }
0x6c: {  	s15 =	simm.s32 $0xF400  }
0x6d: {  	[tilespmem:s15], [sflag:$0x2] =	stream.indirect_vreg.gather [hbm4b:s5+s2], $0x80, v3, vm0, $0xb8;
	[tilespmem:$0x10400] =	vst v63  }
0x6e: {  	s23 =	simm.s32 $0xFC00  }
0x6f: {  	[tilespmem:s23], [sflag:$0x2] =	stream.indirect_vreg.gather [hbm4b:s6+s2], $0x80, v3, vm0, $0xb8;
	[tilespmem:$0x10400] =	vst v63  }
0x70: {  	_ =	swait.ge [sflag:s18], $0x8000  }
0x71: {  	[sflag:s18] =	ssyncset.done $0x0  }
0x72: {  	s0 =	rddreg [dreg:$0x5];
	[sflag:s18] =	ssyncadd.s32 $0xFFFF8000  }
0x73: {  	[hbm4b:s0+s2] =	stream.linear.scatter [tilespmem:s26], [sflag:$0x4], $0x8000, $0x38;
	[tilespmem:$0x10400] =	vst v63  }
0x74: {  	_ =	swait.ge [sflag:s19], $0x8000  }
0x75: {  	[sflag:s19] =	ssyncset.done $0x0  }
0x76: {  	[sflag:s19] =	ssyncadd.s32 $0xFFFF8000  }
0x77: {  	v3 =	vld [tilespmem:$0x100];
	_ =	sdelay $0x4  }
0x78: {  	v52 =	vshll.u32 v3, $0x3  }
0x79: {  	v3 =	vand.u32 $0x7, v3;
	v4 =	vand.u32 $0xFFFFFFC0, v52  }
0x7a: {  	v3 =	vor.u32 v3, v4  }
0x7b: {  	v4 =	vperm.xlane v3, v0;
	_ =	sdelay $0x1  }
0x7c: {  	v4 =	vadd.s32 v1, v4;
	_ =	sdelay $0x4  }
0x7d: {  	[tilespmem:s29], [sflag:$0x1] =	stream.indirect_vreg.gather [hbm4b:s3+s2], $0x80, v4, vm0, $0xb8;
	[tilespmem:$0x10400] =	vst v63  }
0x7e: {  	s8 =	simm.s32 $0xC00;
	v3 =	vperm.xlane v3, v2  }
0x7f: {  	[tilespmem:s8], [sflag:$0x1] =	stream.indirect_vreg.gather [hbm4b:s4+s2], $0x80, v4, vm0, $0xb8;
	[tilespmem:$0x10400] =	vst v63  }
0x80: {  	s1 =	simm.s32 $0x1400;
	v3 =	vadd.s32 v1, v3  }
0x81: {  	[tilespmem:s1], [sflag:$0x1] =	stream.indirect_vreg.gather [hbm4b:s5+s2], $0x80, v4, vm0, $0xb8;
	[tilespmem:$0x10400] =	vst v63  }
0x82: {  	s9 =	simm.s32 $0x1C00  }
0x83: {  	[tilespmem:s9], [sflag:$0x1] =	stream.indirect_vreg.gather [hbm4b:s6+s2], $0x80, v4, vm0, $0xb8;
	[tilespmem:$0x10400] =	vst v63  }
0x84: {  	s8 =	simm.s32 $0x2400  }
0x85: {  	[tilespmem:s8], [sflag:$0x1] =	stream.indirect_vreg.gather [hbm4b:s3+s2], $0x80, v3, vm0, $0xb8;
	[tilespmem:$0x10400] =	vst v63  }
0x86: {  	s10 =	simm.s32 $0x2C00  }
0x87: {  	[tilespmem:s10], [sflag:$0x1] =	stream.indirect_vreg.gather [hbm4b:s4+s2], $0x80, v3, vm0, $0xb8;
	[tilespmem:$0x10400] =	vst v63  }
0x88: {  	s11 =	simm.s32 $0x3400  }
0x89: {  	[tilespmem:s11], [sflag:$0x1] =	stream.indirect_vreg.gather [hbm4b:s5+s2], $0x80, v3, vm0, $0xb8;
	[tilespmem:$0x10400] =	vst v63  }
0x8a: {  	s14 =	simm.s32 $0x3C00  }
0x8b: {  	[tilespmem:s14], [sflag:$0x1] =	stream.indirect_vreg.gather [hbm4b:s6+s2], $0x80, v3, vm0, $0xb8;
	[tilespmem:$0x10400] =	vst v63  }
0x8c: {  	v3 =	vld [tilespmem:$0x110];
	_ =	sdelay $0x4  }
0x8d: {  	v53 =	vshll.u32 v3, $0x3  }
0x8e: {  	v3 =	vand.u32 $0x7, v3;
	v4 =	vand.u32 $0xFFFFFFC0, v53  }
0x8f: {  	v3 =	vor.u32 v3, v4  }
0x90: {  	v4 =	vperm.xlane v3, v0;
	_ =	sdelay $0x1  }
0x91: {  	v4 =	vadd.s32 v1, v4;
	_ =	sdelay $0x3  }
0x92: {  	s12 =	simm.s32 $0x4400  }
0x93: {  	[tilespmem:s12], [sflag:$0x1] =	stream.indirect_vreg.gather [hbm4b:s3+s2], $0x80, v4, vm0, $0xb8;
	[tilespmem:$0x10400] =	vst v63  }
0x94: {  	s13 =	simm.s32 $0x4C00;
	v3 =	vperm.xlane v3, v2  }
0x95: {  	[tilespmem:s13], [sflag:$0x1] =	stream.indirect_vreg.gather [hbm4b:s4+s2], $0x80, v4, vm0, $0xb8;
	[tilespmem:$0x10400] =	vst v63  }
0x96: {  	s10 =	simm.s32 $0x5400;
	v3 =	vadd.s32 v1, v3  }
0x97: {  	[tilespmem:s10], [sflag:$0x1] =	stream.indirect_vreg.gather [hbm4b:s5+s2], $0x80, v4, vm0, $0xb8;
	[tilespmem:$0x10400] =	vst v63  }
0x98: {  	s11 =	simm.s32 $0x5C00  }
0x99: {  	[tilespmem:s11], [sflag:$0x1] =	stream.indirect_vreg.gather [hbm4b:s6+s2], $0x80, v4, vm0, $0xb8;
	[tilespmem:$0x10400] =	vst v63  }
0x9a: {  	s12 =	simm.s32 $0x6400  }
0x9b: {  	[tilespmem:s12], [sflag:$0x1] =	stream.indirect_vreg.gather [hbm4b:s3+s2], $0x80, v3, vm0, $0xb8;
	[tilespmem:$0x10400] =	vst v63  }
0x9c: {  	s13 =	simm.s32 $0x6C00  }
0x9d: {  	[tilespmem:s13], [sflag:$0x1] =	stream.indirect_vreg.gather [hbm4b:s4+s2], $0x80, v3, vm0, $0xb8;
	[tilespmem:$0x10400] =	vst v63  }
0x9e: {  	s14 =	simm.s32 $0x7400  }
0x9f: {  	[tilespmem:s14], [sflag:$0x1] =	stream.indirect_vreg.gather [hbm4b:s5+s2], $0x80, v3, vm0, $0xb8;
	[tilespmem:$0x10400] =	vst v63  }
0xa0: {  	s15 =	simm.s32 $0x7C00  }
0xa1: {  	[tilespmem:s15], [sflag:$0x1] =	stream.indirect_vreg.gather [hbm4b:s6+s2], $0x80, v3, vm0, $0xb8;
	[tilespmem:$0x10400] =	vst v63  }
0xa2: {  	_ =	swait.ge [sflag:s25], $0x8000  }
0xa3: {  	[sflag:s25] =	ssyncset.done $0x0  }
0xa4: {  	s1 =	rddreg [dreg:$0x6];
	[sflag:s25] =	ssyncadd.s32 $0xFFFF8000  }
0xa5: {  	[hbm4b:s1+s2] =	stream.linear.scatter [tilespmem:s29], [sflag:$0x3], $0x8000, $0x38;
	[tilespmem:$0x10400] =	vst v63  }
0xa6: {  	_ =	swait.ge [sflag:s20], $0x8000  }
0xa7: {  	[sflag:s20] =	ssyncset.done $0x0  }
0xa8: {  	[sflag:s20] =	ssyncadd.s32 $0xFFFF8000  }
0xa9: {  	v3 =	vld [tilespmem:$0x180];
	_ =	sdelay $0x4  }
0xaa: {  	v54 =	vshll.u32 v3, $0x3  }
0xab: {  	v3 =	vand.u32 $0x7, v3;
	v4 =	vand.u32 $0xFFFFFFC0, v54  }
0xac: {  	v3 =	vor.u32 v3, v4  }
0xad: {  	v4 =	vperm.xlane v3, v0;
	_ =	sdelay $0x1  }
0xae: {  	v4 =	vadd.s32 v1, v4;
	_ =	sdelay $0x4  }
0xaf: {  	[tilespmem:s26], [sflag:$0x2] =	stream.indirect_vreg.gather [hbm4b:s3+s2], $0x80, v4, vm0, $0xb8;
	[tilespmem:$0x10400] =	vst v63  }
0xb0: {  	s1 =	simm.s32 $0x8C00;
	v3 =	vperm.xlane v3, v2  }
0xb1: {  	[tilespmem:s1], [sflag:$0x2] =	stream.indirect_vreg.gather [hbm4b:s4+s2], $0x80, v4, vm0, $0xb8;
	[tilespmem:$0x10400] =	vst v63  }
0xb2: {  	s0 =	simm.s32 $0x9400;
	v3 =	vadd.s32 v1, v3  }
0xb3: {  	[tilespmem:s0], [sflag:$0x2] =	stream.indirect_vreg.gather [hbm4b:s5+s2], $0x80, v4, vm0, $0xb8;
	[tilespmem:$0x10400] =	vst v63  }
0xb4: {  	s21 =	simm.s32 $0x9C00  }
0xb5: {  	[tilespmem:s21], [sflag:$0x2] =	stream.indirect_vreg.gather [hbm4b:s6+s2], $0x80, v4, vm0, $0xb8;
	[tilespmem:$0x10400] =	vst v63  }
0xb6: {  	s24 =	simm.s32 $0xA400  }
0xb7: {  	[tilespmem:s24], [sflag:$0x2] =	stream.indirect_vreg.gather [hbm4b:s3+s2], $0x80, v3, vm0, $0xb8;
	[tilespmem:$0x10400] =	vst v63  }
0xb8: {  	s28 =	simm.s32 $0xAC00  }
0xb9: {  	[tilespmem:s28], [sflag:$0x2] =	stream.indirect_vreg.gather [hbm4b:s4+s2], $0x80, v3, vm0, $0xb8;
	[tilespmem:$0x10400] =	vst v63  }
0xba: {  	s30 =	simm.s32 $0xB400  }
0xbb: {  	[tilespmem:s30], [sflag:$0x2] =	stream.indirect_vreg.gather [hbm4b:s5+s2], $0x80, v3, vm0, $0xb8;
	[tilespmem:$0x10400] =	vst v63  }
0xbc: {  	s16 =	simm.s32 $0xBC00  }
0xbd: {  	[tilespmem:s16], [sflag:$0x2] =	stream.indirect_vreg.gather [hbm4b:s6+s2], $0x80, v3, vm0, $0xb8;
	[tilespmem:$0x10400] =	vst v63  }
0xbe: {  	v3 =	vld [tilespmem:$0x190];
	_ =	sdelay $0x4  }
0xbf: {  	v55 =	vshll.u32 v3, $0x3  }
0xc0: {  	v3 =	vand.u32 $0x7, v3;
	v4 =	vand.u32 $0xFFFFFFC0, v55  }
0xc1: {  	v3 =	vor.u32 v3, v4  }
0xc2: {  	v4 =	vperm.xlane v3, v0;
	_ =	sdelay $0x1  }
0xc3: {  	v4 =	vadd.s32 v1, v4;
	_ =	sdelay $0x3  }
0xc4: {  	s17 =	simm.s32 $0xC400  }
0xc5: {  	[tilespmem:s17], [sflag:$0x2] =	stream.indirect_vreg.gather [hbm4b:s3+s2], $0x80, v4, vm0, $0xb8;
	[tilespmem:$0x10400] =	vst v63  }
0xc6: {  	s22 =	simm.s32 $0xCC00;
	v3 =	vperm.xlane v3, v2  }
0xc7: {  	[tilespmem:s22], [sflag:$0x2] =	stream.indirect_vreg.gather [hbm4b:s4+s2], $0x80, v4, vm0, $0xb8;
	[tilespmem:$0x10400] =	vst v63  }
0xc8: {  	s31 =	simm.s32 $0xD400;
	v3 =	vadd.s32 v1, v3  }
0xc9: {  	[tilespmem:s31], [sflag:$0x2] =	stream.indirect_vreg.gather [hbm4b:s5+s2], $0x80, v4, vm0, $0xb8;
	[tilespmem:$0x10400] =	vst v63  }
0xca: {  	s22 =	simm.s32 $0xDC00  }
0xcb: {  	[tilespmem:s22], [sflag:$0x2] =	stream.indirect_vreg.gather [hbm4b:s6+s2], $0x80, v4, vm0, $0xb8;
	[tilespmem:$0x10400] =	vst v63  }
0xcc: {  	s31 =	simm.s32 $0xE400  }
0xcd: {  	[tilespmem:s31], [sflag:$0x2] =	stream.indirect_vreg.gather [hbm4b:s3+s2], $0x80, v3, vm0, $0xb8;
	[tilespmem:$0x10400] =	vst v63  }
0xce: {  	s22 =	simm.s32 $0xEC00  }
0xcf: {  	[tilespmem:s22], [sflag:$0x2] =	stream.indirect_vreg.gather [hbm4b:s4+s2], $0x80, v3, vm0, $0xb8;
	[tilespmem:$0x10400] =	vst v63  }
0xd0: {  	s21 =	simm.s32 $0xF400  }
0xd1: {  	[tilespmem:s21], [sflag:$0x2] =	stream.indirect_vreg.gather [hbm4b:s5+s2], $0x80, v3, vm0, $0xb8;
	[tilespmem:$0x10400] =	vst v63  }
0xd2: {  	s23 =	simm.s32 $0xFC00  }
0xd3: {  	[tilespmem:s23], [sflag:$0x2] =	stream.indirect_vreg.gather [hbm4b:s6+s2], $0x80, v3, vm0, $0xb8;
	[tilespmem:$0x10400] =	vst v63  }
0xd4: {  	_ =	swait.ge [sflag:s18], $0x8000  }
0xd5: {  	[sflag:s18] =	ssyncset.done $0x0  }
0xd6: {  	s23 =	rddreg [dreg:$0x7];
	[sflag:s18] =	ssyncadd.s32 $0xFFFF8000  }
0xd7: {  	[hbm4b:s23+s2] =	stream.linear.scatter [tilespmem:s26], [sflag:$0x4], $0x8000, $0x38;
	[tilespmem:$0x10400] =	vst v63  }
0xd8: {  	_ =	swait.ge [sflag:s19], $0x8000  }
0xd9: {  	[sflag:s19] =	ssyncset.done $0x0  }
0xda: {  	[sflag:s19] =	ssyncadd.s32 $0xFFFF8000  }
0xdb: {  	v3 =	vld [tilespmem:$0x200];
	_ =	sdelay $0x4  }
0xdc: {  	v56 =	vshll.u32 v3, $0x3  }
0xdd: {  	v3 =	vand.u32 $0x7, v3;
	v4 =	vand.u32 $0xFFFFFFC0, v56  }
0xde: {  	v3 =	vor.u32 v3, v4  }
0xdf: {  	v4 =	vperm.xlane v3, v0;
	_ =	sdelay $0x1  }
0xe0: {  	v4 =	vadd.s32 v1, v4;
	_ =	sdelay $0x4  }
0xe1: {  	[tilespmem:s29], [sflag:$0x1] =	stream.indirect_vreg.gather [hbm4b:s3+s2], $0x80, v4, vm0, $0xb8;
	[tilespmem:$0x10400] =	vst v63  }
0xe2: {  	s23 =	simm.s32 $0xC00;
	v3 =	vperm.xlane v3, v2  }
0xe3: {  	[tilespmem:s23], [sflag:$0x1] =	stream.indirect_vreg.gather [hbm4b:s4+s2], $0x80, v4, vm0, $0xb8;
	[tilespmem:$0x10400] =	vst v63  }
0xe4: {  	v3 =	vadd.s32 v1, v3;
	s23 =	simm.s32 $0x1400  }
0xe5: {  	[tilespmem:s23], [sflag:$0x1] =	stream.indirect_vreg.gather [hbm4b:s5+s2], $0x80, v4, vm0, $0xb8;
	[tilespmem:$0x10400] =	vst v63  }
0xe6: {  	_ = 	snop  }
0xe7: {  	[tilespmem:s9], [sflag:$0x1] =	stream.indirect_vreg.gather [hbm4b:s6+s2], $0x80, v4, vm0, $0xb8;
	[tilespmem:$0x10400] =	vst v63  }
0xe8: {  	_ = 	snop  }
0xe9: {  	[tilespmem:s8], [sflag:$0x1] =	stream.indirect_vreg.gather [hbm4b:s3+s2], $0x80, v3, vm0, $0xb8;
	[tilespmem:$0x10400] =	vst v63  }
0xea: {  	s23 =	simm.s32 $0x2C00  }
0xeb: {  	[tilespmem:s23], [sflag:$0x1] =	stream.indirect_vreg.gather [hbm4b:s4+s2], $0x80, v3, vm0, $0xb8;
	[tilespmem:$0x10400] =	vst v63  }
0xec: {  	s23 =	simm.s32 $0x3400  }
0xed: {  	[tilespmem:s23], [sflag:$0x1] =	stream.indirect_vreg.gather [hbm4b:s5+s2], $0x80, v3, vm0, $0xb8;
	[tilespmem:$0x10400] =	vst v63  }
0xee: {  	s23 =	simm.s32 $0x3C00  }
0xef: {  	[tilespmem:s23], [sflag:$0x1] =	stream.indirect_vreg.gather [hbm4b:s6+s2], $0x80, v3, vm0, $0xb8;
	[tilespmem:$0x10400] =	vst v63  }
0xf0: {  	v3 =	vld [tilespmem:$0x210];
	_ =	sdelay $0x4  }
0xf1: {  	v57 =	vshll.u32 v3, $0x3  }
0xf2: {  	v3 =	vand.u32 $0x7, v3;
	v4 =	vand.u32 $0xFFFFFFC0, v57  }
0xf3: {  	v3 =	vor.u32 v3, v4  }
0xf4: {  	v4 =	vperm.xlane v3, v0;
	_ =	sdelay $0x1  }
0xf5: {  	v4 =	vadd.s32 v1, v4;
	_ =	sdelay $0x3  }
0xf6: {  	s23 =	simm.s32 $0x4400  }
0xf7: {  	[tilespmem:s23], [sflag:$0x1] =	stream.indirect_vreg.gather [hbm4b:s3+s2], $0x80, v4, vm0, $0xb8;
	[tilespmem:$0x10400] =	vst v63  }
0xf8: {  	v3 =	vperm.xlane v3, v2;
	s23 =	simm.s32 $0x4C00  }
0xf9: {  	[tilespmem:s23], [sflag:$0x1] =	stream.indirect_vreg.gather [hbm4b:s4+s2], $0x80, v4, vm0, $0xb8;
	[tilespmem:$0x10400] =	vst v63  }
0xfa: {  	v3 =	vadd.s32 v1, v3  }
0xfb: {  	[tilespmem:s10], [sflag:$0x1] =	stream.indirect_vreg.gather [hbm4b:s5+s2], $0x80, v4, vm0, $0xb8;
	[tilespmem:$0x10400] =	vst v63  }
0xfc: {  	_ = 	snop  }
0xfd: {  	[tilespmem:s11], [sflag:$0x1] =	stream.indirect_vreg.gather [hbm4b:s6+s2], $0x80, v4, vm0, $0xb8;
	[tilespmem:$0x10400] =	vst v63  }
0xfe: {  	_ = 	snop  }
0xff: {  	[tilespmem:s12], [sflag:$0x1] =	stream.indirect_vreg.gather [hbm4b:s3+s2], $0x80, v3, vm0, $0xb8;
	[tilespmem:$0x10400] =	vst v63  }
0x100: {  	_ = 	snop  }
0x101: {  	[tilespmem:s13], [sflag:$0x1] =	stream.indirect_vreg.gather [hbm4b:s4+s2], $0x80, v3, vm0, $0xb8;
	[tilespmem:$0x10400] =	vst v63  }
0x102: {  	_ = 	snop  }
0x103: {  	[tilespmem:s14], [sflag:$0x1] =	stream.indirect_vreg.gather [hbm4b:s5+s2], $0x80, v3, vm0, $0xb8;
	[tilespmem:$0x10400] =	vst v63  }
0x104: {  	_ = 	snop  }
0x105: {  	[tilespmem:s15], [sflag:$0x1] =	stream.indirect_vreg.gather [hbm4b:s6+s2], $0x80, v3, vm0, $0xb8;
	[tilespmem:$0x10400] =	vst v63  }
0x106: {  	_ =	swait.ge [sflag:s25], $0x8000  }
0x107: {  	[sflag:s25] =	ssyncset.done $0x0  }
0x108: {  	s23 =	rddreg [dreg:$0x8];
	[sflag:s25] =	ssyncadd.s32 $0xFFFF8000  }
0x109: {  	[hbm4b:s23+s2] =	stream.linear.scatter [tilespmem:s29], [sflag:$0x3], $0x8000, $0x38;
	[tilespmem:$0x10400] =	vst v63  }
0x10a: {  	_ =	swait.ge [sflag:s20], $0x8000  }
0x10b: {  	[sflag:s20] =	ssyncset.done $0x0  }
0x10c: {  	[sflag:s20] =	ssyncadd.s32 $0xFFFF8000  }
0x10d: {  	v3 =	vld [tilespmem:$0x280];
	_ =	sdelay $0x4  }
0x10e: {  	v58 =	vshll.u32 v3, $0x3  }
0x10f: {  	v3 =	vand.u32 $0x7, v3;
	v4 =	vand.u32 $0xFFFFFFC0, v58  }
0x110: {  	v3 =	vor.u32 v3, v4  }
0x111: {  	v4 =	vperm.xlane v3, v0;
	_ =	sdelay $0x1  }
0x112: {  	v4 =	vadd.s32 v1, v4;
	_ =	sdelay $0x4  }
0x113: {  	[tilespmem:s26], [sflag:$0x2] =	stream.indirect_vreg.gather [hbm4b:s3+s2], $0x80, v4, vm0, $0xb8;
	[tilespmem:$0x10400] =	vst v63  }
0x114: {  	v3 =	vperm.xlane v3, v2  }
0x115: {  	[tilespmem:s1], [sflag:$0x2] =	stream.indirect_vreg.gather [hbm4b:s4+s2], $0x80, v4, vm0, $0xb8;
	[tilespmem:$0x10400] =	vst v63  }
0x116: {  	v3 =	vadd.s32 v1, v3  }
0x117: {  	[tilespmem:s0], [sflag:$0x2] =	stream.indirect_vreg.gather [hbm4b:s5+s2], $0x80, v4, vm0, $0xb8;
	[tilespmem:$0x10400] =	vst v63  }
0x118: {  	s23 =	simm.s32 $0x9C00  }
0x119: {  	[tilespmem:s23], [sflag:$0x2] =	stream.indirect_vreg.gather [hbm4b:s6+s2], $0x80, v4, vm0, $0xb8;
	[tilespmem:$0x10400] =	vst v63  }
0x11a: {  	s24 =	simm.s32 $0xA400  }
0x11b: {  	[tilespmem:s24], [sflag:$0x2] =	stream.indirect_vreg.gather [hbm4b:s3+s2], $0x80, v3, vm0, $0xb8;
	[tilespmem:$0x10400] =	vst v63  }
0x11c: {  	s28 =	simm.s32 $0xAC00  }
0x11d: {  	[tilespmem:s28], [sflag:$0x2] =	stream.indirect_vreg.gather [hbm4b:s4+s2], $0x80, v3, vm0, $0xb8;
	[tilespmem:$0x10400] =	vst v63  }
0x11e: {  	s30 =	simm.s32 $0xB400  }
0x11f: {  	[tilespmem:s30], [sflag:$0x2] =	stream.indirect_vreg.gather [hbm4b:s5+s2], $0x80, v3, vm0, $0xb8;
	[tilespmem:$0x10400] =	vst v63  }
0x120: {  	s30 =	simm.s32 $0xBC00  }
0x121: {  	[tilespmem:s30], [sflag:$0x2] =	stream.indirect_vreg.gather [hbm4b:s6+s2], $0x80, v3, vm0, $0xb8;
	[tilespmem:$0x10400] =	vst v63  }
0x122: {  	v3 =	vld [tilespmem:$0x290];
	_ =	sdelay $0x4  }
0x123: {  	v59 =	vshll.u32 v3, $0x3  }
0x124: {  	v3 =	vand.u32 $0x7, v3;
	v4 =	vand.u32 $0xFFFFFFC0, v59  }
0x125: {  	v3 =	vor.u32 v3, v4  }
0x126: {  	v4 =	vperm.xlane v3, v0;
	_ =	sdelay $0x1  }
0x127: {  	v4 =	vadd.s32 v1, v4;
	_ =	sdelay $0x3  }
0x128: {  	s30 =	simm.s32 $0xC400  }
0x129: {  	[tilespmem:s30], [sflag:$0x2] =	stream.indirect_vreg.gather [hbm4b:s3+s2], $0x80, v4, vm0, $0xb8;
	[tilespmem:$0x10400] =	vst v63  }
0x12a: {  	v3 =	vperm.xlane v3, v2;
	s30 =	simm.s32 $0xCC00  }
0x12b: {  	[tilespmem:s30], [sflag:$0x2] =	stream.indirect_vreg.gather [hbm4b:s4+s2], $0x80, v4, vm0, $0xb8;
	[tilespmem:$0x10400] =	vst v63  }
0x12c: {  	s16 =	simm.s32 $0xD400;
	v3 =	vadd.s32 v1, v3  }
0x12d: {  	[tilespmem:s16], [sflag:$0x2] =	stream.indirect_vreg.gather [hbm4b:s5+s2], $0x80, v4, vm0, $0xb8;
	[tilespmem:$0x10400] =	vst v63  }
0x12e: {  	s17 =	simm.s32 $0xDC00  }
0x12f: {  	[tilespmem:s17], [sflag:$0x2] =	stream.indirect_vreg.gather [hbm4b:s6+s2], $0x80, v4, vm0, $0xb8;
	[tilespmem:$0x10400] =	vst v63  }
0x130: {  	s31 =	simm.s32 $0xE400  }
0x131: {  	[tilespmem:s31], [sflag:$0x2] =	stream.indirect_vreg.gather [hbm4b:s3+s2], $0x80, v3, vm0, $0xb8;
	[tilespmem:$0x10400] =	vst v63  }
0x132: {  	s22 =	simm.s32 $0xEC00  }
0x133: {  	[tilespmem:s22], [sflag:$0x2] =	stream.indirect_vreg.gather [hbm4b:s4+s2], $0x80, v3, vm0, $0xb8;
	[tilespmem:$0x10400] =	vst v63  }
0x134: {  	s22 =	simm.s32 $0xF400  }
0x135: {  	[tilespmem:s22], [sflag:$0x2] =	stream.indirect_vreg.gather [hbm4b:s5+s2], $0x80, v3, vm0, $0xb8;
	[tilespmem:$0x10400] =	vst v63  }
0x136: {  	s21 =	simm.s32 $0xFC00  }
0x137: {  	[tilespmem:s21], [sflag:$0x2] =	stream.indirect_vreg.gather [hbm4b:s6+s2], $0x80, v3, vm0, $0xb8;
	[tilespmem:$0x10400] =	vst v63  }
0x138: {  	_ =	swait.ge [sflag:s18], $0x8000  }
0x139: {  	[sflag:s18] =	ssyncset.done $0x0  }
0x13a: {  	s21 =	rddreg [dreg:$0x9];
	[sflag:s18] =	ssyncadd.s32 $0xFFFF8000  }
0x13b: {  	[hbm4b:s21+s2] =	stream.linear.scatter [tilespmem:s26], [sflag:$0x4], $0x8000, $0x38;
	[tilespmem:$0x10400] =	vst v63  }
0x13c: {  	_ =	swait.ge [sflag:s19], $0x8000  }
0x13d: {  	[sflag:s19] =	ssyncset.done $0x0  }
0x13e: {  	[sflag:s19] =	ssyncadd.s32 $0xFFFF8000  }
0x13f: {  	v3 =	vld [tilespmem:$0x300];
	_ =	sdelay $0x4  }
0x140: {  	v60 =	vshll.u32 v3, $0x3  }
0x141: {  	v3 =	vand.u32 $0x7, v3;
	v4 =	vand.u32 $0xFFFFFFC0, v60  }
0x142: {  	v3 =	vor.u32 v3, v4  }
0x143: {  	v4 =	vperm.xlane v3, v0;
	_ =	sdelay $0x1  }
0x144: {  	v4 =	vadd.s32 v1, v4;
	_ =	sdelay $0x4  }
0x145: {  	[tilespmem:s29], [sflag:$0x1] =	stream.indirect_vreg.gather [hbm4b:s3+s2], $0x80, v4, vm0, $0xb8;
	[tilespmem:$0x10400] =	vst v63  }
0x146: {  	s21 =	simm.s32 $0xC00;
	v3 =	vperm.xlane v3, v2  }
0x147: {  	[tilespmem:s21], [sflag:$0x1] =	stream.indirect_vreg.gather [hbm4b:s4+s2], $0x80, v4, vm0, $0xb8;
	[tilespmem:$0x10400] =	vst v63  }
0x148: {  	v3 =	vadd.s32 v1, v3;
	s21 =	simm.s32 $0x1400  }
0x149: {  	[tilespmem:s21], [sflag:$0x1] =	stream.indirect_vreg.gather [hbm4b:s5+s2], $0x80, v4, vm0, $0xb8;
	[tilespmem:$0x10400] =	vst v63  }
0x14a: {  	s9 =	simm.s32 $0x1C00  }
0x14b: {  	[tilespmem:s9], [sflag:$0x1] =	stream.indirect_vreg.gather [hbm4b:s6+s2], $0x80, v4, vm0, $0xb8;
	[tilespmem:$0x10400] =	vst v63  }
0x14c: {  	s8 =	simm.s32 $0x2400  }
0x14d: {  	[tilespmem:s8], [sflag:$0x1] =	stream.indirect_vreg.gather [hbm4b:s3+s2], $0x80, v3, vm0, $0xb8;
	[tilespmem:$0x10400] =	vst v63  }
0x14e: {  	s9 =	simm.s32 $0x2C00  }
0x14f: {  	[tilespmem:s9], [sflag:$0x1] =	stream.indirect_vreg.gather [hbm4b:s4+s2], $0x80, v3, vm0, $0xb8;
	[tilespmem:$0x10400] =	vst v63  }
0x150: {  	s21 =	simm.s32 $0x3400  }
0x151: {  	[tilespmem:s21], [sflag:$0x1] =	stream.indirect_vreg.gather [hbm4b:s5+s2], $0x80, v3, vm0, $0xb8;
	[tilespmem:$0x10400] =	vst v63  }
0x152: {  	s9 =	simm.s32 $0x3C00  }
0x153: {  	[tilespmem:s9], [sflag:$0x1] =	stream.indirect_vreg.gather [hbm4b:s6+s2], $0x80, v3, vm0, $0xb8;
	[tilespmem:$0x10400] =	vst v63  }
0x154: {  	v3 =	vld [tilespmem:$0x310];
	_ =	sdelay $0x4  }
0x155: {  	v61 =	vshll.u32 v3, $0x3  }
0x156: {  	v3 =	vand.u32 $0x7, v3;
	v4 =	vand.u32 $0xFFFFFFC0, v61  }
0x157: {  	v3 =	vor.u32 v3, v4  }
0x158: {  	v4 =	vperm.xlane v3, v0;
	_ =	sdelay $0x1  }
0x159: {  	v4 =	vadd.s32 v1, v4;
	_ =	sdelay $0x3  }
0x15a: {  	s21 =	simm.s32 $0x4400  }
0x15b: {  	[tilespmem:s21], [sflag:$0x1] =	stream.indirect_vreg.gather [hbm4b:s3+s2], $0x80, v4, vm0, $0xb8;
	[tilespmem:$0x10400] =	vst v63  }
0x15c: {  	s9 =	simm.s32 $0x4C00;
	v3 =	vperm.xlane v3, v2  }
0x15d: {  	[tilespmem:s9], [sflag:$0x1] =	stream.indirect_vreg.gather [hbm4b:s4+s2], $0x80, v4, vm0, $0xb8;
	[tilespmem:$0x10400] =	vst v63  }
0x15e: {  	s10 =	simm.s32 $0x5400;
	v3 =	vadd.s32 v1, v3  }
0x15f: {  	[tilespmem:s10], [sflag:$0x1] =	stream.indirect_vreg.gather [hbm4b:s5+s2], $0x80, v4, vm0, $0xb8;
	[tilespmem:$0x10400] =	vst v63  }
0x160: {  	s11 =	simm.s32 $0x5C00  }
0x161: {  	[tilespmem:s11], [sflag:$0x1] =	stream.indirect_vreg.gather [hbm4b:s6+s2], $0x80, v4, vm0, $0xb8;
	[tilespmem:$0x10400] =	vst v63  }
0x162: {  	s12 =	simm.s32 $0x6400  }
0x163: {  	[tilespmem:s12], [sflag:$0x1] =	stream.indirect_vreg.gather [hbm4b:s3+s2], $0x80, v3, vm0, $0xb8;
	[tilespmem:$0x10400] =	vst v63  }
0x164: {  	s13 =	simm.s32 $0x6C00  }
0x165: {  	[tilespmem:s13], [sflag:$0x1] =	stream.indirect_vreg.gather [hbm4b:s4+s2], $0x80, v3, vm0, $0xb8;
	[tilespmem:$0x10400] =	vst v63  }
0x166: {  	s14 =	simm.s32 $0x7400  }
0x167: {  	[tilespmem:s14], [sflag:$0x1] =	stream.indirect_vreg.gather [hbm4b:s5+s2], $0x80, v3, vm0, $0xb8;
	[tilespmem:$0x10400] =	vst v63  }
0x168: {  	s15 =	simm.s32 $0x7C00  }
0x169: {  	[tilespmem:s15], [sflag:$0x1] =	stream.indirect_vreg.gather [hbm4b:s6+s2], $0x80, v3, vm0, $0xb8;
	[tilespmem:$0x10400] =	vst v63  }
0x16a: {  	_ =	swait.ge [sflag:s25], $0x8000  }
0x16b: {  	[sflag:s25] =	ssyncset.done $0x0  }
0x16c: {  	s15 =	rddreg [dreg:$0xa];
	[sflag:s25] =	ssyncadd.s32 $0xFFFF8000  }
0x16d: {  	[hbm4b:s15+s2] =	stream.linear.scatter [tilespmem:s29], [sflag:$0x3], $0x8000, $0x38;
	[tilespmem:$0x10400] =	vst v63  }
0x16e: {  	_ =	swait.ge [sflag:s20], $0x8000  }
0x16f: {  	[sflag:s20] =	ssyncset.done $0x0  }
0x170: {  	[sflag:s20] =	ssyncadd.s32 $0xFFFF8000  }
0x171: {  	v3 =	vld [tilespmem:$0x380];
	_ =	sdelay $0x4  }
0x172: {  	v62 =	vshll.u32 v3, $0x3  }
0x173: {  	v3 =	vand.u32 $0x7, v3;
	v4 =	vand.u32 $0xFFFFFFC0, v62  }
0x174: {  	v3 =	vor.u32 v3, v4  }
0x175: {  	v4 =	vperm.xlane v3, v0;
	_ =	sdelay $0x1  }
0x176: {  	v4 =	vadd.s32 v1, v4;
	_ =	sdelay $0x4  }
0x177: {  	[tilespmem:s26], [sflag:$0x2] =	stream.indirect_vreg.gather [hbm4b:s3+s2], $0x80, v4, vm0, $0xb8;
	[tilespmem:$0x10400] =	vst v63  }
0x178: {  	s1 =	simm.s32 $0x8C00;
	v3 =	vperm.xlane v3, v2  }
0x179: {  	[tilespmem:s1], [sflag:$0x2] =	stream.indirect_vreg.gather [hbm4b:s4+s2], $0x80, v4, vm0, $0xb8;
	[tilespmem:$0x10400] =	vst v63  }
0x17a: {  	s0 =	simm.s32 $0x9400;
	v3 =	vadd.s32 v1, v3  }
0x17b: {  	[tilespmem:s0], [sflag:$0x2] =	stream.indirect_vreg.gather [hbm4b:s5+s2], $0x80, v4, vm0, $0xb8;
	[tilespmem:$0x10400] =	vst v63  }
0x17c: {  	s21 =	simm.s32 $0x9C00  }
0x17d: {  	[tilespmem:s21], [sflag:$0x2] =	stream.indirect_vreg.gather [hbm4b:s6+s2], $0x80, v4, vm0, $0xb8;
	[tilespmem:$0x10400] =	vst v63  }
0x17e: {  	s23 =	simm.s32 $0xA400  }
0x17f: {  	[tilespmem:s23], [sflag:$0x2] =	stream.indirect_vreg.gather [hbm4b:s3+s2], $0x80, v3, vm0, $0xb8;
	[tilespmem:$0x10400] =	vst v63  }
0x180: {  	s24 =	simm.s32 $0xAC00  }
0x181: {  	[tilespmem:s24], [sflag:$0x2] =	stream.indirect_vreg.gather [hbm4b:s4+s2], $0x80, v3, vm0, $0xb8;
	[tilespmem:$0x10400] =	vst v63  }
0x182: {  	s28 =	simm.s32 $0xB400  }
0x183: {  	[tilespmem:s28], [sflag:$0x2] =	stream.indirect_vreg.gather [hbm4b:s5+s2], $0x80, v3, vm0, $0xb8;
	[tilespmem:$0x10400] =	vst v63  }
0x184: {  	s23 =	simm.s32 $0xBC00  }
0x185: {  	[tilespmem:s23], [sflag:$0x2] =	stream.indirect_vreg.gather [hbm4b:s6+s2], $0x80, v3, vm0, $0xb8;
	[tilespmem:$0x10400] =	vst v63  }
0x186: {  	v3 =	vld [tilespmem:$0x390];
	_ =	sdelay $0x4  }
0x187: {  	v63 =	vshll.u32 v3, $0x3  }
0x188: {  	v3 =	vand.u32 $0x7, v3;
	v4 =	vand.u32 $0xFFFFFFC0, v63  }
0x189: {  	v3 =	vor.u32 v3, v4  }
0x18a: {  	v4 =	vperm.xlane v3, v0;
	_ =	sdelay $0x1  }
0x18b: {  	v4 =	vadd.s32 v1, v4;
	_ =	sdelay $0x3  }
0x18c: {  	s24 =	simm.s32 $0xC400  }
0x18d: {  	[tilespmem:s24], [sflag:$0x2] =	stream.indirect_vreg.gather [hbm4b:s3+s2], $0x80, v4, vm0, $0xb8;
	[tilespmem:$0x10400] =	vst v63  }
0x18e: {  	s28 =	simm.s32 $0xCC00;
	v3 =	vperm.xlane v3, v2  }
0x18f: {  	[tilespmem:s28], [sflag:$0x2] =	stream.indirect_vreg.gather [hbm4b:s4+s2], $0x80, v4, vm0, $0xb8;
	[tilespmem:$0x10400] =	vst v63  }
0x190: {  	s30 =	simm.s32 $0xD400;
	v3 =	vadd.s32 v1, v3  }
0x191: {  	[tilespmem:s30], [sflag:$0x2] =	stream.indirect_vreg.gather [hbm4b:s5+s2], $0x80, v4, vm0, $0xb8;
	[tilespmem:$0x10400] =	vst v63  }
0x192: {  	s16 =	simm.s32 $0xDC00  }
0x193: {  	[tilespmem:s16], [sflag:$0x2] =	stream.indirect_vreg.gather [hbm4b:s6+s2], $0x80, v4, vm0, $0xb8;
	[tilespmem:$0x10400] =	vst v63  }
0x194: {  	s31 =	simm.s32 $0xE400  }
0x195: {  	[tilespmem:s31], [sflag:$0x2] =	stream.indirect_vreg.gather [hbm4b:s3+s2], $0x80, v3, vm0, $0xb8;
	[tilespmem:$0x10400] =	vst v63  }
0x196: {  	s17 =	simm.s32 $0xEC00  }
0x197: {  	[tilespmem:s17], [sflag:$0x2] =	stream.indirect_vreg.gather [hbm4b:s4+s2], $0x80, v3, vm0, $0xb8;
	[tilespmem:$0x10400] =	vst v63  }
0x198: {  	s22 =	simm.s32 $0xF400  }
0x199: {  	[tilespmem:s22], [sflag:$0x2] =	stream.indirect_vreg.gather [hbm4b:s5+s2], $0x80, v3, vm0, $0xb8;
	[tilespmem:$0x10400] =	vst v63  }
0x19a: {  	s30 =	simm.s32 $0xFC00  }
0x19b: {  	[tilespmem:s30], [sflag:$0x2] =	stream.indirect_vreg.gather [hbm4b:s6+s2], $0x80, v3, vm0, $0xb8;
	[tilespmem:$0x10400] =	vst v63  }
0x19c: {  	_ =	swait.ge [sflag:s18], $0x8000  }
0x19d: {  	[sflag:s18] =	ssyncset.done $0x0  }
0x19e: {  	s31 =	rddreg [dreg:$0xb];
	[sflag:s18] =	ssyncadd.s32 $0xFFFF8000  }
0x19f: {  	[hbm4b:s31+s2] =	stream.linear.scatter [tilespmem:s26], [sflag:$0x4], $0x8000, $0x38;
	[tilespmem:$0x10400] =	vst v63  }
0x1a0: {  	p0 =	sne.s32 s7, $0x1;
	_ =	swait.ge [sflag:s19], $0x8000  }
.Ltmp0:
0x1a1: {  	[sflag:s19] =	ssyncset.done $0x0;
	(pc) =	sbr.rel @p0 .LBB2_1-.Ltmp0, $4  }
0x1a2: {  	[sflag:s19] =	ssyncadd.s32 $0xFFFF8000  }
0x1a3: {  	_ =	swait.ge [sflag:s20], $0x8000  }
0x1a4: {  	[sflag:s20] =	ssyncset.done $0x0  }
0x1a5: {  	s7 =	sadd.s32 $0xFFFFFFFF, s7;
	[sflag:s20] =	ssyncadd.s32 $0xFFFF8000  }
0x1a6: {  	_ =	sfence.sel $0x180000  }
0x1a7: {  	[bflag:$0x0] =	sbarrier.arrive $0xFFFF  }
0x1a8: {  	_ =	strace $0x9000004D  }
0x1a9: {  	s0 =	stileid.u32;
	[bflag:$0x2] =	sbarrier.arrive $0xFFFF  }
0x1aa: {  	p0 =	sne.s32 s0, $0x0;
	s0 =	rddreg [dreg:$0x2]  }
0x1ab: {  	s0 =	sadd.s32 @!p0 $0x100000, s0  }
0x1ac: {  	[sflag:s0] =	ssyncadd.tile.s32 @!p0 $0x1;
	_ =	shalt  }
.Lfunc_end2:
_tile_overlayer_lowered:
.L_overlay_start_2:
0x1ad: {  	(tag) =	ssettag $0x2  }
0x1ae: {  	s0 =	rddreg [dreg:$0x0];
	s2 =	stileid.u32  }
0x1af: {  	s1 =	rddreg [dreg:$0x1];
	p0 =	sne.s32 s2, $0x0  }
0x1b0: {  	s3 =	rddreg [dreg:$0x2];
	[bflag:$0x3] =	sbarrier.arrive $0xFFFF;
	s2 =	simm.s32 @!p0 $0x1C05  }
0x1b1: {  	[timem:s3], [sflag:s2] =	dma.local @!p0 [hbm:s0], s1  }
0x1b2: {  	s0 =	simm.s32 @!p0 $0x5  }
0x1b3: {  	_ =	swait.ge @!p0 [sflag:s0], s1  }
0x1b4: {  	s1 =	ssub.s32 @!p0 $0x0, s1;
	[sflag:s0] =	ssyncset.done @!p0 $0x0  }
0x1b5: {  	[sflag:s0] =	ssyncadd.s32 @!p0 s1  }
0x1b6: {  	[bflag:$0x3] =	sbarrier.arrive $0xFFFF  }
0x1b7: {  	_ =	shalt  }

// kernel: _run.7.cloned.1.call-start
scs
__scs_entry_jumppad:
0x0: {  	(pc) =	sbr.rel $0x88, $3  }
0x1: {  	(tag) =	ssettag $0x0;
	lr =	simm.s32 $0x1  }
0x2: {  	[smem:$0x3F9C] =	sst lr;
	_ =	strace $0xD0000000  }
0x3: {  	_ = 	snop  }
0x4: {  	_ = 	snop  }
0x5: {  	_ = 	snop  }
0x6: {  	_ = 	snop  }
0x7: {  	_ = 	snop  }
__scs_overlays_trampoline_lowered:
0x8: {  	[smem:$0x3FAB] =	sst s0  }
0x9: {  	[smem:$0x3FAC] =	sst s1  }
0xa: {  	[smem:$0x3FAD] =	sst s2  }
0xb: {  	[smem:$0x3FAE] =	sst s3  }
0xc: {  	[smem:$0x3FAF] =	sst s4  }
0xd: {  	[smem:$0x3FB0] =	sst s5  }
0xe: {  	[smem:$0x3FB1] =	sst s6  }
0xf: {  	[smem:$0x3FB2] =	sst s7  }
0x10: {  	[smem:$0x3FB3] =	sst s8  }
0x11: {  	[smem:$0x3FB4] =	sst s9;
	s0 =	simm.s32 @!p0 $0x0  }
0x12: {  	s1 =	sld [smem:$0x3F9A];
	s0 =	simm.s32 @p0 $0x1  }
0x13: {  	[smem:$0x3FB5] =	sst s0;
	s0 =	simm.s32 @!p1 $0x0  }
0x14: {  	s2 =	sld [smem:$0x3F99];
	s0 =	simm.s32 @p1 $0x1  }
0x15: {  	[smem:$0x3FB6] =	sst s0;
	s0 =	simm.s32 @!p2 $0x0  }
0x16: {  	s3 =	sld [smem:$0x3FDB];
	s0 =	simm.s32 @p2 $0x1  }
0x17: {  	s4 =	simm.s32 $0x1BF5;
	[smem:$0x3FB8] =	sst s0  }
0x18: {  	s0 =	sld [smem:$0x3F9B];
	_ =	swait.ge [sflag:s4], $0x0  }
0x19: {  	s7 =	sld [smem:$0x3F9C]  }
0x1a: {  	s8 =	sadd.s32 $0xFFFFE003, lr  }
0x1b: {  	s9 =	sadd.s32 $0xFFFFFEF7, lr;
	s5 =	simm.s32 $0xFFFFFFFF;
	p2 =	slt.u32 s8, $0xFFFFF086  }
0x1c: {  	p1 =	slt.u32 s9, $0xF7A;
	s5 =	simm.s32 @!p2 $0x0  }
0x1d: {  	s5 =	simm.s32 @p1 $0x1;
	p0 =	seq.s32 s7, s2  }
0x1e: {  	s7 =	smul.u32 @!p0 $0xF7A, s2;
	p2 =	seq.s32 @!p0 s5, $0x0  }
0x1f: {  	s9 =	smul.u32 $0xF7A, s1;
	s8 =	simm.s32 @!p0 $0x1BF5;
	p2 =	por !p2, p0  }
0x20: {  	[sflag:s8] =	ssyncset.s32 @!p0 $0xFFFFF086;
	s6 =	sadd.s32 @!p0 s3, s7;
	s7 =	simm.s32 @!p0 $0x108  }
0x21: {  	s3 =	sadd.s32 s3, s9;
	s6 =	sadd.s32 @!p0 $0x88, s6;
	s7 =	simm.s32 @p2 $0x1082  }
0x22: {  	[simem:s7], [sflag:s8] =	dma.local @!p0 [hbm:s6], $0xF7A  }
0x23: {  	s9 =	sor.u32 $0xD0000000, s2;
	s6 =	simm.s32 $0x108;
	_ =	swait.ge @!p0 [sflag:s8], $0x0  }
0x24: {  	s3 =	sadd.s32 $0x88, s3;
	s6 =	simm.s32 @!p1 $0x1082;
	[sflag:s4] =	ssyncset.s32 $0xFFFFF086  }
0x25: {  	[simem:s6], [sflag:s4] =	dma.local [hbm:s3], $0xF7A  }
0x26: {  	[smem:$0x3F9C] =	sst s1;
	(tag) =	ssettag s2;
	_ =	strace s9  }
0x27: {  	s1 =	sld [smem:$0x3FAC]  }
0x28: {  	s2 =	sld [smem:$0x3FAD]  }
0x29: {  	s4 =	sld [smem:$0x3FAF]  }
0x2a: {  	p0 =	seq.s32 s5, $0x0;
	s5 =	sld [smem:$0x3FB0]  }
0x2b: {  	s6 =	sld [smem:$0x3FB1]  }
0x2c: {  	s7 =	sld [smem:$0x3FB2]  }
0x2d: {  	s3 =	simm.s32 $0x108;
	s8 =	sld [smem:$0x3FB3]  }
0x2e: {  	s3 =	simm.s32 @!p0 $0x1082;
	s9 =	sld [smem:$0x3FB4]  }
0x2f: {  	lr =	sadd.s32 s0, s3;
	s0 =	sld [smem:$0x3FAB]  }
0x30: {  	s3 =	sld [smem:$0x3FAE]  }
0x31: {  	[smem:$0x3FB7] =	sst s10  }
0x32: {  	s10 =	sld [smem:$0x3FB5];
	_ =	sdelay $0x3  }
0x33: {  	p0 =	seq.s32 s10, $0x1;
	s10 =	sld [smem:$0x3FB7];
	_ =	sdelay $0x3  }
0x34: {  	[smem:$0x3FB7] =	sst s10  }
0x35: {  	s10 =	sld [smem:$0x3FB6];
	_ =	sdelay $0x3  }
0x36: {  	p1 =	seq.s32 s10, $0x1;
	s10 =	sld [smem:$0x3FB7];
	_ =	sdelay $0x3  }
0x37: {  	[smem:$0x3FB7] =	sst s10  }
0x38: {  	s10 =	sld [smem:$0x3FB8]  }
0x39: {  	_ = 	snop;
	(pc) =	sbr.ind lr, $3  }
0x3a: {  	_ = 	snop  }
0x3b: {  	_ = 	snop  }
0x3c: {  	p2 =	seq.s32 s10, $0x1;
	s10 =	sld [smem:$0x3FB7]  }
0x3d: {  	_ =	shalt  }
0x3e: {  	_ =	shalt  }
0x3f: {  	_ =	shalt  }
0x40: {  	_ =	shalt  }
0x41: {  	_ =	shalt  }
0x42: {  	_ =	shalt  }
0x43: {  	_ =	shalt  }
0x44: {  	_ =	shalt  }
0x45: {  	_ =	shalt  }
0x46: {  	_ =	shalt  }
0x47: {  	_ =	shalt  }
0x48: {  	_ =	shalt  }
0x49: {  	_ =	shalt  }
0x4a: {  	_ =	shalt  }
0x4b: {  	_ =	shalt  }
0x4c: {  	_ =	shalt  }
0x4d: {  	_ =	shalt  }
0x4e: {  	_ =	shalt  }
0x4f: {  	_ =	shalt  }
0x50: {  	_ =	shalt  }
0x51: {  	_ =	shalt  }
0x52: {  	_ =	shalt  }
0x53: {  	_ =	shalt  }
0x54: {  	_ =	shalt  }
0x55: {  	_ =	shalt  }
0x56: {  	_ =	shalt  }
0x57: {  	_ =	shalt  }
0x58: {  	_ =	shalt  }
0x59: {  	_ =	shalt  }
0x5a: {  	_ =	shalt  }
0x5b: {  	_ =	shalt  }
0x5c: {  	_ =	shalt  }
0x5d: {  	_ =	shalt  }
0x5e: {  	_ =	shalt  }
0x5f: {  	_ =	shalt  }
0x60: {  	_ =	shalt  }
0x61: {  	_ =	shalt  }
0x62: {  	_ =	shalt  }
0x63: {  	_ =	shalt  }
0x64: {  	_ =	shalt  }
0x65: {  	_ =	shalt  }
0x66: {  	_ =	shalt  }
0x67: {  	_ =	shalt  }
0x68: {  	_ =	shalt  }
0x69: {  	_ =	shalt  }
0x6a: {  	_ =	shalt  }
0x6b: {  	_ =	shalt  }
0x6c: {  	_ =	shalt  }
0x6d: {  	_ =	shalt  }
0x6e: {  	_ =	shalt  }
0x6f: {  	_ =	shalt  }
0x70: {  	_ =	shalt  }
0x71: {  	_ =	shalt  }
0x72: {  	_ =	shalt  }
0x73: {  	_ =	shalt  }
0x74: {  	_ =	shalt  }
0x75: {  	_ =	shalt  }
0x76: {  	_ =	shalt  }
0x77: {  	_ =	shalt  }
0x78: {  	_ =	shalt  }
0x79: {  	_ =	shalt  }
0x7a: {  	_ =	shalt  }
0x7b: {  	_ =	shalt  }
0x7c: {  	_ =	shalt  }
0x7d: {  	_ =	shalt  }
0x7e: {  	_ =	shalt  }
0x7f: {  	_ =	shalt  }
0x80: {  	_ =	shalt  }
0x81: {  	_ =	shalt  }
0x82: {  	_ =	shalt  }
0x83: {  	_ =	shalt  }
0x84: {  	_ =	shalt  }
0x85: {  	_ =	shalt  }
0x86: {  	_ =	shalt  }
0x87: {  	_ =	shalt  }
.Lfunc_end0:
.L_simem_size_0:
called_computation.1_lowered:
.L_overlay_start_0:
0x88: {  	s2 =	sld [smem:$0x3FD9]  }
0x89: {  	s3 =	sld [smem:$0x3FFE];
	_ =	sdelay $0x1  }
0x8a: {  	s1 =	srdreg.scid  }
0x8b: {  	s0 =	sand.u32 $0x1, s1  }
0x8c: {  	s14 =	sshll.u32 s0, $0xA;
	s2 =	sadd.s32 s3, s2  }
0x8d: {  	s2 =	sadd.s32 s2, s14  }
0x8e: {  	[smem:$0x3FC3] =	sst s2  }
0x8f: {  	_ = 	snop  }
0x90: {  	s2 =	sld [smem:$0x3FD0];
	_ =	sdelay $0x2  }
0x91: {  	s4 =	simm.s32 $0xA;
	s5 =	simm.s32 $0x10;
	s15 =	sld [smem:$0x3FC9]  }
0x92: {  	[smem:s5], [sflag:s4] =	dma.local [hbm:s2], $0x1  }
0x93: {  	_ =	swait.eq [sflag:s4], $0x1  }
0x94: {  	[sflag:s4] =	ssyncset.done $0x0  }
0x95: {  	[sflag:s4] =	ssyncadd.s32 $0xFFFFFFFF  }
0x96: {  	s16 =	sld [smem:$0x11];
	(tm) =	ssettm $0x1  }
0x97: {  	s17 =	sld [smem:$0x3FFB];
	_ =	sdelay $0x3  }
0x98: {  	_ =	strace s17  }
0x99: {  	s4 =	sld [smem:$0x3FFC];
	_ =	sdelay $0x3  }
0x9a: {  	_ =	strace s4  }
0x9b: {  	s4 =	sld [smem:$0x3FFD];
	_ =	sdelay $0x3  }
0x9c: {  	_ =	strace s4  }
0x9d: {  	_ =	strace $0x8FFFFFFF  }
0x9e: {  	s18 =	sld [smem:$0x3FDB];
	_ =	sdelay $0x1  }
0x9f: {  	s19 =	simm.s32 $_scs_section_size  }
0xa0: {  	s6 =	simm.s32 $_size__tile_overlayer_lowered;
	s7 =	simm.s32 $_tile_overlayer_lowered  }
0xa1: {  	s22 =	simm.s32 $0x1BFF;
	s21 =	sshll.u32 s7, $0x1;
	s4 =	sadd.s32 s19, s18  }
0xa2: {  	s8 =	simm.s32 $0x0;
	s20 =	sshll.u32 s6, $0x1;
	s6 =	sadd.s32 s21, s4  }
0xa3: {  	[timem:s8], [sflag:s22] =	dma.local [hbm:s6], s20  }
0xa4: {  	_ =	swait.ge [sflag:s22], s20  }
0xa5: {  	s5 =	ssub.s32 $0x0, s20;
	[sflag:s22] =	ssyncset.done $0x0  }
0xa6: {  	[sflag:s22] =	ssyncadd.s32 s5;
	_ =	sdelay $0x1  }
0xa7: {  	s23 =	simm.s32 $0x1B8B  }
0xa8: {  	_ =	swait.ge [sflag:s23], $0x1  }
0xa9: {  	[sflag:s23] =	ssyncset.done $0x0  }
0xaa: {  	s25 =	simm.s32 $0x1B8E;
	s24 =	sld [smem:$0x3FFE];
	[sflag:s23] =	ssyncadd.s32 $0xFFFFFFFF  }
0xab: {  	s26 =	simm.s32 $execute0_lowered;
	[smem:$0x3FD2] =	sst s25  }
0xac: {  	s6 =	sshll.u32 s26, $0x1;
	_ =	strace $0x80000049;
	[dreg:$0x1] =	wrdreg $0xFFFFFFFF  }
0xad: {  	s28 =	simm.s32 $_size_execute0_lowered;
	s4 =	sadd.s32 s4, s6;
	[dreg:$0x0] =	wrdreg $0x0  }
0xae: {  	s6 =	sshll.u32 s28, $0x1;
	[dreg:$0x2] =	wrdreg s4  }
0xaf: {  	[dreg:$0x3] =	wrdreg s6  }
0xb0: {  	[dreg:$0x4] =	wrdreg $0xC0  }
0xb1: {  	_ =	task [dreg:s8], $0x5FFFF  }
0xb2: {  	[dreg:$0x1] =	wrdreg $0xFFFFFFFF  }
0xb3: {  	[dreg:$0x0] =	wrdreg $0x60  }
0xb4: {  	[dreg:$0x2] =	wrdreg s15  }
0xb5: {  	[dreg:$0x3] =	wrdreg s16  }
0xb6: {  	[dreg:$0x4] =	wrdreg s24  }
0xb7: {  	[dreg:$0x5] =	wrdreg $0x9  }
0xb8: {  	_ =	task.clear_ibuf [dreg:s8], $0x6FFFF;
	_ =	strace $0x90000049  }
0xb9: {  	s29 =	simm.s32 $0x9;
	_ =	strace $0x8000004B  }
0xba: {  	_ =	swait.ge [sflag:s29], $0x1  }
0xbb: {  	[sflag:s29] =	ssyncadd.s32 $0xFFFFFFFF  }
0xbc: {  	_ =	strace $0x9000004B  }
0xbd: {  	_ =	sfence  }
0xbe: {  	s30 =	sld [smem:$0x0];
	_ =	sdelay $0x2  }
0xbf: {  	s31 =	sshll.u32 s1, $0xD;
	s1 =	sshrl.u32 s1, $0x2  }
0xc0: {  	s3 =	sand.u32 $0x4000, s31;
	s1 =	sadd.s32 s1, s30  }
0xc1: {  	s0 =	sor.u32 s3, s0;
	s1 =	sshll.u32 s1, $0x11  }
0xc2: {  	s0 =	sor.u32 s1, s0  }
0xc3: {  	s0 =	sadd.s32 $0x8F2B, s0  }
0xc4: {  	[sflag:s0] =	ssyncadd.remote.s32 $0x1  }
0xc5: {  	_ =	sfence.sel $0xFFFF  }
0xc6: {  	[dreg:$0x0] =	wrdreg $0xFFFFFFFF;
	(pc) =	sbr.abs _section_cstart, $3  }
0xc7: {  	[dreg:$0x1] =	wrdreg $0xFFFFFFFF  }
0xc8: {  	_ =	task.clear_ibuf [dreg:s8], $0x2FFFF;
	_ =	strace $0x9FFFFFFF  }
0xc9: {  	(tm) =	ssettm $0x7FFFFFFF  }
tec
execute0_lowered:
.L_overlay_start_1:
0x0: {  	(tag) =	ssettag $0x1  }
0x1: {  	s0 =	rddreg [dreg:$0x0]  }
0x2: {  	s1 =	rddreg [dreg:$0x1]  }
0x3: {  	s4 =	rddreg [dreg:$0x2]  }
0x4: {  	s3 =	srdreg.scid;
	s6 =	stileid.u32  }
0x5: {  	s2 =	simm.s32 $0x0;
	s26 =	simm.s32 $0x200;
	s28 =	simm.s32 $0x1  }
0x6: {  	s30 =	simm.s32 $0x1C00;
	s31 =	simm.s32 $0x2400;
	s29 =	simm.s32 $0x8400  }
0x7: {  	s5 =	sand.u32 $0x1, s3;
	s19 =	sshll.u32 s6, $0x1;
	[smem:$0x7FF] =	sst s2  }
0x8: {  	s3 =	sadd.s32 $0x20C00, s4;
	s6 =	sor.u32 s5, s19;
	_ =	strace $0x8000004A  }
0x9: {  	s5 =	ssub.s32 $0x2, s5;
	[dreg:$0x9] =	wrdreg s26;
	s26 =	simm.s32 $0x1400  }
0xa: {  	s7 =	sshll.u32 s6, $0x6;
	s9 =	sshrl.u32 s5, $0x1;
	s6 =	sshll.u32 s6, $0xE  }
0xb: {  	s8 =	sadd.s32 s7, s4;
	s1 =	sadd.s32 s1, s7;
	s21 =	sadd.s32 s0, s6  }
0xc: {  	s22 =	ssub.s32 s5, s9;
	s5 =	sadd.s32 $0x20D00, s4;
	[dreg:$0x4] =	wrdreg s1  }
0xd: {  	s6 =	sadd.s32 $0x20E00, s4;
	s20 =	sadd.s32 $0x20400, s8;
	[dreg:$0xa] =	wrdreg s21  }
0xe: {  	s7 =	sadd.s32 $0x20F00, s4;
	s23 =	sadd.s32 $0x1000, s21;
	[dreg:$0x5] =	wrdreg s20  }
0xf: {  	v2 =	vlaneseq.u32;
	s24 =	sadd.s32 $0x2000, s21;
	s25 =	sadd.s32 $0x3000, s21;
	[dreg:$0x6] =	wrdreg s23  }
0x10: {  	vm0 =	vmmov $0xffff;
	v1 =	vshrl.u32 v2, $0x3;
	s8 =	smax.u32 s22, $0x1;
	s21 =	simm.s32 $0x3;
	[dreg:$0x7] =	wrdreg s24  }
0x11: {  	v0 =	vand.u32 $0x7, v2;
	v2 =	vor.u32 $0x8, v2;
	v1 =	vmul.u32 $0x8, v1;
	s22 =	simm.s32 $0xBC00;
	[dreg:$0x8] =	wrdreg s25;
	s23 =	simm.s32 $0x4  }
.LBB2_1:
0x12: {  	s24 =	rddreg [dreg:$0x4];
	s0 =	simm.s32 $0x5  }
0x13: {  	[tilespmem:s2], [sflag:$0x5] =	stream.linear.gather [hbm4b:s24+s2], $0x200, $0x38;
	[tilespmem:$0x10400] =	vst v63  }
0x14: {  	_ =	swait.ge [sflag:s0], $0x200  }
0x15: {  	s14 =	rddreg [dreg:$0x5];
	[sflag:s0] =	ssyncset.done $0x0  }
0x16: {  	s25 =	rddreg [dreg:$0x9];
	[sflag:s0] =	ssyncadd.s32 $0xFFFFFE00  }
0x17: {  	[tilespmem:s25], [sflag:$0x5] =	stream.linear.gather [hbm4b:s14+s2], $0x200, $0x38;
	[tilespmem:$0x10400] =	vst v63  }
0x18: {  	_ =	swait.ge [sflag:s0], $0x200  }
0x19: {  	[sflag:s0] =	ssyncset.done $0x0  }
0x1a: {  	s17 =	simm.s32 $0x400;
	s15 =	rddreg [dreg:$0xa];
	[sflag:s0] =	ssyncadd.s32 $0xFFFFFE00  }
0x1b: {  	[tilespmem:s17], [sflag:$0x1] =	stream.linear.gather [hbm4b:s15+s2], $0x8000, $0x38;
	[tilespmem:$0x10400] =	vst v63  }
0x1c: {  	_ =	swait.ge [sflag:s28], $0x8000  }
0x1d: {  	[sflag:s28] =	ssyncset.done $0x0  }
0x1e: {  	[sflag:s28] =	ssyncadd.s32 $0xFFFF8000  }
0x1f: {  	v3 =	vld [tilespmem:$0x0];
	_ =	sdelay $0x4  }
0x20: {  	v4 =	vshll.u32 v3, $0x3  }
0x21: {  	v3 =	vand.u32 $0x7, v3;
	v4 =	vand.u32 $0xFFFFFFC0, v4  }
0x22: {  	v3 =	vor.u32 v3, v4  }
0x23: {  	v4 =	vperm.xlane v3, v0;
	_ =	sdelay $0x1  }
0x24: {  	v4 =	vadd.s32 v1, v4;
	_ =	sdelay $0x4  }
0x25: {  	[hbm4b:s3+s2] =	stream.indirect_vreg.scatter [tilespmem:s17], [sflag:$0x3], $0x80, v4, vm0, $0xb8;
	[tilespmem:$0x10400] =	vst v63  }
0x26: {  	s25 =	simm.s32 $0xC00;
	v3 =	vperm.xlane v3, v2  }
0x27: {  	[hbm4b:s5+s2] =	stream.indirect_vreg.scatter [tilespmem:s25], [sflag:$0x3], $0x80, v4, vm0, $0xb8;
	[tilespmem:$0x10400] =	vst v63  }
0x28: {  	v3 =	vadd.s32 v1, v3  }
0x29: {  	[hbm4b:s6+s2] =	stream.indirect_vreg.scatter [tilespmem:s26], [sflag:$0x3], $0x80, v4, vm0, $0xb8;
	[tilespmem:$0x10400] =	vst v63  }
0x2a: {  	_ = 	snop  }
0x2b: {  	[hbm4b:s7+s2] =	stream.indirect_vreg.scatter [tilespmem:s30], [sflag:$0x3], $0x80, v4, vm0, $0xb8;
	[tilespmem:$0x10400] =	vst v63  }
0x2c: {  	_ = 	snop  }
0x2d: {  	[hbm4b:s3+s2] =	stream.indirect_vreg.scatter [tilespmem:s31], [sflag:$0x3], $0x80, v3, vm0, $0xb8;
	[tilespmem:$0x10400] =	vst v63  }
0x2e: {  	s16 =	simm.s32 $0x2C00  }
0x2f: {  	[hbm4b:s5+s2] =	stream.indirect_vreg.scatter [tilespmem:s16], [sflag:$0x3], $0x80, v3, vm0, $0xb8;
	[tilespmem:$0x10400] =	vst v63  }
0x30: {  	s18 =	simm.s32 $0x3400  }
0x31: {  	[hbm4b:s6+s2] =	stream.indirect_vreg.scatter [tilespmem:s18], [sflag:$0x3], $0x80, v3, vm0, $0xb8;
	[tilespmem:$0x10400] =	vst v63  }
0x32: {  	s19 =	simm.s32 $0x3C00  }
0x33: {  	[hbm4b:s7+s2] =	stream.indirect_vreg.scatter [tilespmem:s19], [sflag:$0x3], $0x80, v3, vm0, $0xb8;
	[tilespmem:$0x10400] =	vst v63  }
0x34: {  	v3 =	vld [tilespmem:$0x10];
	_ =	sdelay $0x4  }
0x35: {  	v49 =	vshll.u32 v3, $0x3  }
0x36: {  	v3 =	vand.u32 $0x7, v3;
	v4 =	vand.u32 $0xFFFFFFC0, v49  }
0x37: {  	v3 =	vor.u32 v3, v4  }
0x38: {  	v4 =	vperm.xlane v3, v0;
	_ =	sdelay $0x1  }
0x39: {  	v4 =	vadd.s32 v1, v4;
	_ =	sdelay $0x3  }
0x3a: {  	s20 =	simm.s32 $0x4400  }
0x3b: {  	[hbm4b:s3+s2] =	stream.indirect_vreg.scatter [tilespmem:s20], [sflag:$0x3], $0x80, v4, vm0, $0xb8;
	[tilespmem:$0x10400] =	vst v63  }
0x3c: {  	s24 =	simm.s32 $0x4C00;
	v3 =	vperm.xlane v3, v2  }
0x3d: {  	[hbm4b:s5+s2] =	stream.indirect_vreg.scatter [tilespmem:s24], [sflag:$0x3], $0x80, v4, vm0, $0xb8;
	[tilespmem:$0x10400] =	vst v63  }
0x3e: {  	s9 =	simm.s32 $0x5400;
	v3 =	vadd.s32 v1, v3  }
0x3f: {  	[hbm4b:s6+s2] =	stream.indirect_vreg.scatter [tilespmem:s9], [sflag:$0x3], $0x80, v4, vm0, $0xb8;
	[tilespmem:$0x10400] =	vst v63  }
0x40: {  	s10 =	simm.s32 $0x5C00  }
0x41: {  	[hbm4b:s7+s2] =	stream.indirect_vreg.scatter [tilespmem:s10], [sflag:$0x3], $0x80, v4, vm0, $0xb8;
	[tilespmem:$0x10400] =	vst v63  }
0x42: {  	s11 =	simm.s32 $0x6400  }
0x43: {  	[hbm4b:s3+s2] =	stream.indirect_vreg.scatter [tilespmem:s11], [sflag:$0x3], $0x80, v3, vm0, $0xb8;
	[tilespmem:$0x10400] =	vst v63  }
0x44: {  	s12 =	simm.s32 $0x6C00  }
0x45: {  	[hbm4b:s5+s2] =	stream.indirect_vreg.scatter [tilespmem:s12], [sflag:$0x3], $0x80, v3, vm0, $0xb8;
	[tilespmem:$0x10400] =	vst v63  }
0x46: {  	s13 =	simm.s32 $0x7400  }
0x47: {  	[hbm4b:s6+s2] =	stream.indirect_vreg.scatter [tilespmem:s13], [sflag:$0x3], $0x80, v3, vm0, $0xb8;
	[tilespmem:$0x10400] =	vst v63  }
0x48: {  	s18 =	simm.s32 $0x7C00  }
0x49: {  	[hbm4b:s7+s2] =	stream.indirect_vreg.scatter [tilespmem:s18], [sflag:$0x3], $0x80, v3, vm0, $0xb8;
	[tilespmem:$0x10400] =	vst v63  }
0x4a: {  	v3 =	vld [tilespmem:$0x200];
	_ =	sdelay $0x4  }
0x4b: {  	v50 =	vshll.u32 v3, $0x3  }
0x4c: {  	v3 =	vand.u32 $0x7, v3;
	v4 =	vand.u32 $0xFFFFFFC0, v50  }
0x4d: {  	v3 =	vor.u32 v3, v4  }
0x4e: {  	v4 =	vperm.xlane v3, v0;
	_ =	sdelay $0x1  }
0x4f: {  	v4 =	vadd.s32 v1, v4;
	_ =	sdelay $0x4  }
0x50: {  	[hbm4b:s3+s2] =	stream.indirect_vreg.scatter [tilespmem:s17], [sflag:$0x3], $0x80, v4, vm0, $0xb8;
	[tilespmem:$0x10400] =	vst v63  }
0x51: {  	v3 =	vperm.xlane v3, v2  }
0x52: {  	[hbm4b:s5+s2] =	stream.indirect_vreg.scatter [tilespmem:s25], [sflag:$0x3], $0x80, v4, vm0, $0xb8;
	[tilespmem:$0x10400] =	vst v63  }
0x53: {  	v3 =	vadd.s32 v1, v3  }
0x54: {  	[hbm4b:s6+s2] =	stream.indirect_vreg.scatter [tilespmem:s26], [sflag:$0x3], $0x80, v4, vm0, $0xb8;
	[tilespmem:$0x10400] =	vst v63  }
0x55: {  	_ = 	snop  }
0x56: {  	[hbm4b:s7+s2] =	stream.indirect_vreg.scatter [tilespmem:s30], [sflag:$0x3], $0x80, v4, vm0, $0xb8;
	[tilespmem:$0x10400] =	vst v63  }
0x57: {  	_ = 	snop  }
0x58: {  	[hbm4b:s3+s2] =	stream.indirect_vreg.scatter [tilespmem:s31], [sflag:$0x3], $0x80, v3, vm0, $0xb8;
	[tilespmem:$0x10400] =	vst v63  }
0x59: {  	s1 =	simm.s32 $0x2C00  }
0x5a: {  	[hbm4b:s5+s2] =	stream.indirect_vreg.scatter [tilespmem:s1], [sflag:$0x3], $0x80, v3, vm0, $0xb8;
	[tilespmem:$0x10400] =	vst v63  }
0x5b: {  	s4 =	simm.s32 $0x3400  }
0x5c: {  	[hbm4b:s6+s2] =	stream.indirect_vreg.scatter [tilespmem:s4], [sflag:$0x3], $0x80, v3, vm0, $0xb8;
	[tilespmem:$0x10400] =	vst v63  }
0x5d: {  	s14 =	simm.s32 $0x3C00  }
0x5e: {  	[hbm4b:s7+s2] =	stream.indirect_vreg.scatter [tilespmem:s14], [sflag:$0x3], $0x80, v3, vm0, $0xb8;
	[tilespmem:$0x10400] =	vst v63  }
0x5f: {  	v3 =	vld [tilespmem:$0x210];
	_ =	sdelay $0x4  }
0x60: {  	v51 =	vshll.u32 v3, $0x3  }
0x61: {  	v3 =	vand.u32 $0x7, v3;
	v4 =	vand.u32 $0xFFFFFFC0, v51  }
0x62: {  	v3 =	vor.u32 v3, v4  }
0x63: {  	v4 =	vperm.xlane v3, v0;
	_ =	sdelay $0x1  }
0x64: {  	v4 =	vadd.s32 v1, v4;
	_ =	sdelay $0x3  }
0x65: {  	s15 =	simm.s32 $0x4400  }
0x66: {  	[hbm4b:s3+s2] =	stream.indirect_vreg.scatter [tilespmem:s15], [sflag:$0x3], $0x80, v4, vm0, $0xb8;
	[tilespmem:$0x10400] =	vst v63  }
0x67: {  	s16 =	simm.s32 $0x4C00;
	v3 =	vperm.xlane v3, v2  }
0x68: {  	[hbm4b:s5+s2] =	stream.indirect_vreg.scatter [tilespmem:s16], [sflag:$0x3], $0x80, v4, vm0, $0xb8;
	[tilespmem:$0x10400] =	vst v63  }
0x69: {  	s9 =	simm.s32 $0x5400;
	v3 =	vadd.s32 v1, v3  }
0x6a: {  	[hbm4b:s6+s2] =	stream.indirect_vreg.scatter [tilespmem:s9], [sflag:$0x3], $0x80, v4, vm0, $0xb8;
	[tilespmem:$0x10400] =	vst v63  }
0x6b: {  	s10 =	simm.s32 $0x5C00  }
0x6c: {  	[hbm4b:s7+s2] =	stream.indirect_vreg.scatter [tilespmem:s10], [sflag:$0x3], $0x80, v4, vm0, $0xb8;
	[tilespmem:$0x10400] =	vst v63  }
0x6d: {  	s11 =	simm.s32 $0x6400  }
0x6e: {  	[hbm4b:s3+s2] =	stream.indirect_vreg.scatter [tilespmem:s11], [sflag:$0x3], $0x80, v3, vm0, $0xb8;
	[tilespmem:$0x10400] =	vst v63  }
0x6f: {  	s12 =	simm.s32 $0x6C00  }
0x70: {  	[hbm4b:s5+s2] =	stream.indirect_vreg.scatter [tilespmem:s12], [sflag:$0x3], $0x80, v3, vm0, $0xb8;
	[tilespmem:$0x10400] =	vst v63  }
0x71: {  	s13 =	simm.s32 $0x7400  }
0x72: {  	[hbm4b:s6+s2] =	stream.indirect_vreg.scatter [tilespmem:s13], [sflag:$0x3], $0x80, v3, vm0, $0xb8;
	[tilespmem:$0x10400] =	vst v63  }
0x73: {  	s19 =	simm.s32 $0x7C00  }
0x74: {  	[hbm4b:s7+s2] =	stream.indirect_vreg.scatter [tilespmem:s19], [sflag:$0x3], $0x80, v3, vm0, $0xb8;
	[tilespmem:$0x10400] =	vst v63  }
0x75: {  	s0 =	simm.s32 $0x2;
	s20 =	rddreg [dreg:$0x6]  }
0x76: {  	[tilespmem:s29], [sflag:$0x2] =	stream.linear.gather [hbm4b:s20+s2], $0x8000, $0x38;
	[tilespmem:$0x10400] =	vst v63  }
0x77: {  	_ =	swait.ge [sflag:s0], $0x8000  }
0x78: {  	[sflag:s0] =	ssyncset.done $0x0  }
0x79: {  	[sflag:s0] =	ssyncadd.s32 $0xFFFF8000  }
0x7a: {  	v3 =	vld [tilespmem:$0x80];
	_ =	sdelay $0x4  }
0x7b: {  	v52 =	vshll.u32 v3, $0x3  }
0x7c: {  	v3 =	vand.u32 $0x7, v3;
	v4 =	vand.u32 $0xFFFFFFC0, v52  }
0x7d: {  	v3 =	vor.u32 v3, v4  }
0x7e: {  	v4 =	vperm.xlane v3, v0;
	_ =	sdelay $0x1  }
0x7f: {  	v4 =	vadd.s32 v1, v4;
	_ =	sdelay $0x4  }
0x80: {  	[hbm4b:s3+s2] =	stream.indirect_vreg.scatter [tilespmem:s29], [sflag:$0x4], $0x80, v4, vm0, $0xb8;
	[tilespmem:$0x10400] =	vst v63  }
0x81: {  	s24 =	simm.s32 $0x8C00;
	v3 =	vperm.xlane v3, v2  }
0x82: {  	[hbm4b:s5+s2] =	stream.indirect_vreg.scatter [tilespmem:s24], [sflag:$0x4], $0x80, v4, vm0, $0xb8;
	[tilespmem:$0x10400] =	vst v63  }
0x83: {  	s4 =	simm.s32 $0x9400;
	v3 =	vadd.s32 v1, v3  }
0x84: {  	[hbm4b:s6+s2] =	stream.indirect_vreg.scatter [tilespmem:s4], [sflag:$0x4], $0x80, v4, vm0, $0xb8;
	[tilespmem:$0x10400] =	vst v63  }
0x85: {  	s9 =	simm.s32 $0x9C00  }
0x86: {  	[hbm4b:s7+s2] =	stream.indirect_vreg.scatter [tilespmem:s9], [sflag:$0x4], $0x80, v4, vm0, $0xb8;
	[tilespmem:$0x10400] =	vst v63  }
0x87: {  	s11 =	simm.s32 $0xA400  }
0x88: {  	[hbm4b:s3+s2] =	stream.indirect_vreg.scatter [tilespmem:s11], [sflag:$0x4], $0x80, v3, vm0, $0xb8;
	[tilespmem:$0x10400] =	vst v63  }
0x89: {  	s12 =	simm.s32 $0xAC00  }
0x8a: {  	[hbm4b:s5+s2] =	stream.indirect_vreg.scatter [tilespmem:s12], [sflag:$0x4], $0x80, v3, vm0, $0xb8;
	[tilespmem:$0x10400] =	vst v63  }
0x8b: {  	s13 =	simm.s32 $0xB400  }
0x8c: {  	[hbm4b:s6+s2] =	stream.indirect_vreg.scatter [tilespmem:s13], [sflag:$0x4], $0x80, v3, vm0, $0xb8;
	[tilespmem:$0x10400] =	vst v63  }
0x8d: {  	s14 =	simm.s32 $0xBC00  }
0x8e: {  	[hbm4b:s7+s2] =	stream.indirect_vreg.scatter [tilespmem:s14], [sflag:$0x4], $0x80, v3, vm0, $0xb8;
	[tilespmem:$0x10400] =	vst v63  }
0x8f: {  	v3 =	vld [tilespmem:$0x90];
	_ =	sdelay $0x4  }
0x90: {  	v53 =	vshll.u32 v3, $0x3  }
0x91: {  	v3 =	vand.u32 $0x7, v3;
	v4 =	vand.u32 $0xFFFFFFC0, v53  }
0x92: {  	v3 =	vor.u32 v3, v4  }
0x93: {  	v4 =	vperm.xlane v3, v0;
	_ =	sdelay $0x1  }
0x94: {  	v4 =	vadd.s32 v1, v4;
	_ =	sdelay $0x3  }
0x95: {  	s18 =	simm.s32 $0xC400  }
0x96: {  	[hbm4b:s3+s2] =	stream.indirect_vreg.scatter [tilespmem:s18], [sflag:$0x4], $0x80, v4, vm0, $0xb8;
	[tilespmem:$0x10400] =	vst v63  }
0x97: {  	s19 =	simm.s32 $0xCC00;
	v3 =	vperm.xlane v3, v2  }
0x98: {  	[hbm4b:s5+s2] =	stream.indirect_vreg.scatter [tilespmem:s19], [sflag:$0x4], $0x80, v4, vm0, $0xb8;
	[tilespmem:$0x10400] =	vst v63  }
0x99: {  	s10 =	simm.s32 $0xD400;
	v3 =	vadd.s32 v1, v3  }
0x9a: {  	[hbm4b:s6+s2] =	stream.indirect_vreg.scatter [tilespmem:s10], [sflag:$0x4], $0x80, v4, vm0, $0xb8;
	[tilespmem:$0x10400] =	vst v63  }
0x9b: {  	s11 =	simm.s32 $0xDC00  }
0x9c: {  	[hbm4b:s7+s2] =	stream.indirect_vreg.scatter [tilespmem:s11], [sflag:$0x4], $0x80, v4, vm0, $0xb8;
	[tilespmem:$0x10400] =	vst v63  }
0x9d: {  	s12 =	simm.s32 $0xE400  }
0x9e: {  	[hbm4b:s3+s2] =	stream.indirect_vreg.scatter [tilespmem:s12], [sflag:$0x4], $0x80, v3, vm0, $0xb8;
	[tilespmem:$0x10400] =	vst v63  }
0x9f: {  	s13 =	simm.s32 $0xEC00  }
0xa0: {  	[hbm4b:s5+s2] =	stream.indirect_vreg.scatter [tilespmem:s13], [sflag:$0x4], $0x80, v3, vm0, $0xb8;
	[tilespmem:$0x10400] =	vst v63  }
0xa1: {  	s14 =	simm.s32 $0xF400  }
0xa2: {  	[hbm4b:s6+s2] =	stream.indirect_vreg.scatter [tilespmem:s14], [sflag:$0x4], $0x80, v3, vm0, $0xb8;
	[tilespmem:$0x10400] =	vst v63  }
0xa3: {  	s24 =	simm.s32 $0xFC00  }
0xa4: {  	[hbm4b:s7+s2] =	stream.indirect_vreg.scatter [tilespmem:s24], [sflag:$0x4], $0x80, v3, vm0, $0xb8;
	[tilespmem:$0x10400] =	vst v63  }
0xa5: {  	v3 =	vld [tilespmem:$0x280];
	_ =	sdelay $0x4  }
0xa6: {  	v54 =	vshll.u32 v3, $0x3  }
0xa7: {  	v3 =	vand.u32 $0x7, v3;
	v4 =	vand.u32 $0xFFFFFFC0, v54  }
0xa8: {  	v3 =	vor.u32 v3, v4  }
0xa9: {  	v4 =	vperm.xlane v3, v0;
	_ =	sdelay $0x1  }
0xaa: {  	v4 =	vadd.s32 v1, v4;
	_ =	sdelay $0x4  }
0xab: {  	[hbm4b:s3+s2] =	stream.indirect_vreg.scatter [tilespmem:s29], [sflag:$0x4], $0x80, v4, vm0, $0xb8;
	[tilespmem:$0x10400] =	vst v63  }
0xac: {  	s20 =	simm.s32 $0x8C00;
	v3 =	vperm.xlane v3, v2  }
0xad: {  	[hbm4b:s5+s2] =	stream.indirect_vreg.scatter [tilespmem:s20], [sflag:$0x4], $0x80, v4, vm0, $0xb8;
	[tilespmem:$0x10400] =	vst v63  }
0xae: {  	s15 =	simm.s32 $0x9400;
	v3 =	vadd.s32 v1, v3  }
0xaf: {  	[hbm4b:s6+s2] =	stream.indirect_vreg.scatter [tilespmem:s15], [sflag:$0x4], $0x80, v4, vm0, $0xb8;
	[tilespmem:$0x10400] =	vst v63  }
0xb0: {  	s1 =	simm.s32 $0x9C00  }
0xb1: {  	[hbm4b:s7+s2] =	stream.indirect_vreg.scatter [tilespmem:s1], [sflag:$0x4], $0x80, v4, vm0, $0xb8;
	[tilespmem:$0x10400] =	vst v63  }
0xb2: {  	s16 =	simm.s32 $0xA400  }
0xb3: {  	[hbm4b:s3+s2] =	stream.indirect_vreg.scatter [tilespmem:s16], [sflag:$0x4], $0x80, v3, vm0, $0xb8;
	[tilespmem:$0x10400] =	vst v63  }
0xb4: {  	s4 =	simm.s32 $0xAC00  }
0xb5: {  	[hbm4b:s5+s2] =	stream.indirect_vreg.scatter [tilespmem:s4], [sflag:$0x4], $0x80, v3, vm0, $0xb8;
	[tilespmem:$0x10400] =	vst v63  }
0xb6: {  	s9 =	simm.s32 $0xB400  }
0xb7: {  	[hbm4b:s6+s2] =	stream.indirect_vreg.scatter [tilespmem:s9], [sflag:$0x4], $0x80, v3, vm0, $0xb8;
	[tilespmem:$0x10400] =	vst v63  }
0xb8: {  	_ = 	snop  }
0xb9: {  	[hbm4b:s7+s2] =	stream.indirect_vreg.scatter [tilespmem:s22], [sflag:$0x4], $0x80, v3, vm0, $0xb8;
	[tilespmem:$0x10400] =	vst v63  }
0xba: {  	v3 =	vld [tilespmem:$0x290];
	_ =	sdelay $0x4  }
0xbb: {  	v55 =	vshll.u32 v3, $0x3  }
0xbc: {  	v3 =	vand.u32 $0x7, v3;
	v4 =	vand.u32 $0xFFFFFFC0, v55  }
0xbd: {  	v3 =	vor.u32 v3, v4  }
0xbe: {  	v4 =	vperm.xlane v3, v0;
	_ =	sdelay $0x1  }
0xbf: {  	v4 =	vadd.s32 v1, v4;
	_ =	sdelay $0x3  }
0xc0: {  	s18 =	simm.s32 $0xC400  }
0xc1: {  	[hbm4b:s3+s2] =	stream.indirect_vreg.scatter [tilespmem:s18], [sflag:$0x4], $0x80, v4, vm0, $0xb8;
	[tilespmem:$0x10400] =	vst v63  }
0xc2: {  	s19 =	simm.s32 $0xCC00;
	v3 =	vperm.xlane v3, v2  }
0xc3: {  	[hbm4b:s5+s2] =	stream.indirect_vreg.scatter [tilespmem:s19], [sflag:$0x4], $0x80, v4, vm0, $0xb8;
	[tilespmem:$0x10400] =	vst v63  }
0xc4: {  	s10 =	simm.s32 $0xD400;
	v3 =	vadd.s32 v1, v3  }
0xc5: {  	[hbm4b:s6+s2] =	stream.indirect_vreg.scatter [tilespmem:s10], [sflag:$0x4], $0x80, v4, vm0, $0xb8;
	[tilespmem:$0x10400] =	vst v63  }
0xc6: {  	s11 =	simm.s32 $0xDC00  }
0xc7: {  	[hbm4b:s7+s2] =	stream.indirect_vreg.scatter [tilespmem:s11], [sflag:$0x4], $0x80, v4, vm0, $0xb8;
	[tilespmem:$0x10400] =	vst v63  }
0xc8: {  	s12 =	simm.s32 $0xE400  }
0xc9: {  	[hbm4b:s3+s2] =	stream.indirect_vreg.scatter [tilespmem:s12], [sflag:$0x4], $0x80, v3, vm0, $0xb8;
	[tilespmem:$0x10400] =	vst v63  }
0xca: {  	s13 =	simm.s32 $0xEC00  }
0xcb: {  	[hbm4b:s5+s2] =	stream.indirect_vreg.scatter [tilespmem:s13], [sflag:$0x4], $0x80, v3, vm0, $0xb8;
	[tilespmem:$0x10400] =	vst v63  }
0xcc: {  	s14 =	simm.s32 $0xF400  }
0xcd: {  	[hbm4b:s6+s2] =	stream.indirect_vreg.scatter [tilespmem:s14], [sflag:$0x4], $0x80, v3, vm0, $0xb8;
	[tilespmem:$0x10400] =	vst v63  }
0xce: {  	s24 =	simm.s32 $0xFC00  }
0xcf: {  	[hbm4b:s7+s2] =	stream.indirect_vreg.scatter [tilespmem:s24], [sflag:$0x4], $0x80, v3, vm0, $0xb8;
	[tilespmem:$0x10400] =	vst v63  }
0xd0: {  	_ =	swait.ge [sflag:s21], $0x8000  }
0xd1: {  	[sflag:s21] =	ssyncset.done $0x0  }
0xd2: {  	[sflag:s21] =	ssyncadd.s32 $0xFFFF8000  }
0xd3: {  	_ =	swait.ge [sflag:s21], $0x8000  }
0xd4: {  	[sflag:s21] =	ssyncset.done $0x0  }
0xd5: {  	s14 =	rddreg [dreg:$0x7];
	[sflag:s21] =	ssyncadd.s32 $0xFFFF8000  }
0xd6: {  	[tilespmem:s17], [sflag:$0x1] =	stream.linear.gather [hbm4b:s14+s2], $0x8000, $0x38;
	[tilespmem:$0x10400] =	vst v63  }
0xd7: {  	_ =	swait.ge [sflag:s28], $0x8000  }
0xd8: {  	[sflag:s28] =	ssyncset.done $0x0  }
0xd9: {  	[sflag:s28] =	ssyncadd.s32 $0xFFFF8000  }
0xda: {  	v3 =	vld [tilespmem:$0x100];
	_ =	sdelay $0x4  }
0xdb: {  	v56 =	vshll.u32 v3, $0x3  }
0xdc: {  	v3 =	vand.u32 $0x7, v3;
	v4 =	vand.u32 $0xFFFFFFC0, v56  }
0xdd: {  	v3 =	vor.u32 v3, v4  }
0xde: {  	v4 =	vperm.xlane v3, v0;
	_ =	sdelay $0x1  }
0xdf: {  	v4 =	vadd.s32 v1, v4;
	_ =	sdelay $0x4  }
0xe0: {  	[hbm4b:s3+s2] =	stream.indirect_vreg.scatter [tilespmem:s17], [sflag:$0x3], $0x80, v4, vm0, $0xb8;
	[tilespmem:$0x10400] =	vst v63  }
0xe1: {  	v3 =	vperm.xlane v3, v2  }
0xe2: {  	[hbm4b:s5+s2] =	stream.indirect_vreg.scatter [tilespmem:s25], [sflag:$0x3], $0x80, v4, vm0, $0xb8;
	[tilespmem:$0x10400] =	vst v63  }
0xe3: {  	v3 =	vadd.s32 v1, v3  }
0xe4: {  	[hbm4b:s6+s2] =	stream.indirect_vreg.scatter [tilespmem:s26], [sflag:$0x3], $0x80, v4, vm0, $0xb8;
	[tilespmem:$0x10400] =	vst v63  }
0xe5: {  	_ = 	snop  }
0xe6: {  	[hbm4b:s7+s2] =	stream.indirect_vreg.scatter [tilespmem:s30], [sflag:$0x3], $0x80, v4, vm0, $0xb8;
	[tilespmem:$0x10400] =	vst v63  }
0xe7: {  	_ = 	snop  }
0xe8: {  	[hbm4b:s3+s2] =	stream.indirect_vreg.scatter [tilespmem:s31], [sflag:$0x3], $0x80, v3, vm0, $0xb8;
	[tilespmem:$0x10400] =	vst v63  }
0xe9: {  	s15 =	simm.s32 $0x2C00  }
0xea: {  	[hbm4b:s5+s2] =	stream.indirect_vreg.scatter [tilespmem:s15], [sflag:$0x3], $0x80, v3, vm0, $0xb8;
	[tilespmem:$0x10400] =	vst v63  }
0xeb: {  	s16 =	simm.s32 $0x3400  }
0xec: {  	[hbm4b:s6+s2] =	stream.indirect_vreg.scatter [tilespmem:s16], [sflag:$0x3], $0x80, v3, vm0, $0xb8;
	[tilespmem:$0x10400] =	vst v63  }
0xed: {  	s9 =	simm.s32 $0x3C00  }
0xee: {  	[hbm4b:s7+s2] =	stream.indirect_vreg.scatter [tilespmem:s9], [sflag:$0x3], $0x80, v3, vm0, $0xb8;
	[tilespmem:$0x10400] =	vst v63  }
0xef: {  	v3 =	vld [tilespmem:$0x110];
	_ =	sdelay $0x4  }
0xf0: {  	v57 =	vshll.u32 v3, $0x3  }
0xf1: {  	v3 =	vand.u32 $0x7, v3;
	v4 =	vand.u32 $0xFFFFFFC0, v57  }
0xf2: {  	v3 =	vor.u32 v3, v4  }
0xf3: {  	v4 =	vperm.xlane v3, v0;
	_ =	sdelay $0x1  }
0xf4: {  	v4 =	vadd.s32 v1, v4;
	_ =	sdelay $0x3  }
0xf5: {  	s10 =	simm.s32 $0x4400  }
0xf6: {  	[hbm4b:s3+s2] =	stream.indirect_vreg.scatter [tilespmem:s10], [sflag:$0x3], $0x80, v4, vm0, $0xb8;
	[tilespmem:$0x10400] =	vst v63  }
0xf7: {  	s11 =	simm.s32 $0x4C00;
	v3 =	vperm.xlane v3, v2  }
0xf8: {  	[hbm4b:s5+s2] =	stream.indirect_vreg.scatter [tilespmem:s11], [sflag:$0x3], $0x80, v4, vm0, $0xb8;
	[tilespmem:$0x10400] =	vst v63  }
0xf9: {  	s12 =	simm.s32 $0x5400;
	v3 =	vadd.s32 v1, v3  }
0xfa: {  	[hbm4b:s6+s2] =	stream.indirect_vreg.scatter [tilespmem:s12], [sflag:$0x3], $0x80, v4, vm0, $0xb8;
	[tilespmem:$0x10400] =	vst v63  }
0xfb: {  	s13 =	simm.s32 $0x5C00  }
0xfc: {  	[hbm4b:s7+s2] =	stream.indirect_vreg.scatter [tilespmem:s13], [sflag:$0x3], $0x80, v4, vm0, $0xb8;
	[tilespmem:$0x10400] =	vst v63  }
0xfd: {  	s18 =	simm.s32 $0x6400  }
0xfe: {  	[hbm4b:s3+s2] =	stream.indirect_vreg.scatter [tilespmem:s18], [sflag:$0x3], $0x80, v3, vm0, $0xb8;
	[tilespmem:$0x10400] =	vst v63  }
0xff: {  	s19 =	simm.s32 $0x6C00  }
0x100: {  	[hbm4b:s5+s2] =	stream.indirect_vreg.scatter [tilespmem:s19], [sflag:$0x3], $0x80, v3, vm0, $0xb8;
	[tilespmem:$0x10400] =	vst v63  }
0x101: {  	s20 =	simm.s32 $0x7400  }
0x102: {  	[hbm4b:s6+s2] =	stream.indirect_vreg.scatter [tilespmem:s20], [sflag:$0x3], $0x80, v3, vm0, $0xb8;
	[tilespmem:$0x10400] =	vst v63  }
0x103: {  	s24 =	simm.s32 $0x7C00  }
0x104: {  	[hbm4b:s7+s2] =	stream.indirect_vreg.scatter [tilespmem:s24], [sflag:$0x3], $0x80, v3, vm0, $0xb8;
	[tilespmem:$0x10400] =	vst v63  }
0x105: {  	v3 =	vld [tilespmem:$0x300];
	_ =	sdelay $0x4  }
0x106: {  	v58 =	vshll.u32 v3, $0x3  }
0x107: {  	v3 =	vand.u32 $0x7, v3;
	v4 =	vand.u32 $0xFFFFFFC0, v58  }
0x108: {  	v3 =	vor.u32 v3, v4  }
0x109: {  	v4 =	vperm.xlane v3, v0;
	_ =	sdelay $0x1  }
0x10a: {  	v4 =	vadd.s32 v1, v4;
	_ =	sdelay $0x4  }
0x10b: {  	[hbm4b:s3+s2] =	stream.indirect_vreg.scatter [tilespmem:s17], [sflag:$0x3], $0x80, v4, vm0, $0xb8;
	[tilespmem:$0x10400] =	vst v63  }
0x10c: {  	v3 =	vperm.xlane v3, v2  }
0x10d: {  	[hbm4b:s5+s2] =	stream.indirect_vreg.scatter [tilespmem:s25], [sflag:$0x3], $0x80, v4, vm0, $0xb8;
	[tilespmem:$0x10400] =	vst v63  }
0x10e: {  	v3 =	vadd.s32 v1, v3  }
0x10f: {  	[hbm4b:s6+s2] =	stream.indirect_vreg.scatter [tilespmem:s26], [sflag:$0x3], $0x80, v4, vm0, $0xb8;
	[tilespmem:$0x10400] =	vst v63  }
0x110: {  	_ = 	snop  }
0x111: {  	[hbm4b:s7+s2] =	stream.indirect_vreg.scatter [tilespmem:s30], [sflag:$0x3], $0x80, v4, vm0, $0xb8;
	[tilespmem:$0x10400] =	vst v63  }
0x112: {  	_ = 	snop  }
0x113: {  	[hbm4b:s3+s2] =	stream.indirect_vreg.scatter [tilespmem:s31], [sflag:$0x3], $0x80, v3, vm0, $0xb8;
	[tilespmem:$0x10400] =	vst v63  }
0x114: {  	_ = 	snop  }
0x115: {  	[hbm4b:s5+s2] =	stream.indirect_vreg.scatter [tilespmem:s15], [sflag:$0x3], $0x80, v3, vm0, $0xb8;
	[tilespmem:$0x10400] =	vst v63  }
0x116: {  	_ = 	snop  }
0x117: {  	[hbm4b:s6+s2] =	stream.indirect_vreg.scatter [tilespmem:s16], [sflag:$0x3], $0x80, v3, vm0, $0xb8;
	[tilespmem:$0x10400] =	vst v63  }
0x118: {  	_ = 	snop  }
0x119: {  	[hbm4b:s7+s2] =	stream.indirect_vreg.scatter [tilespmem:s9], [sflag:$0x3], $0x80, v3, vm0, $0xb8;
	[tilespmem:$0x10400] =	vst v63  }
0x11a: {  	v3 =	vld [tilespmem:$0x310];
	_ =	sdelay $0x4  }
0x11b: {  	v59 =	vshll.u32 v3, $0x3  }
0x11c: {  	v3 =	vand.u32 $0x7, v3;
	v4 =	vand.u32 $0xFFFFFFC0, v59  }
0x11d: {  	v3 =	vor.u32 v3, v4  }
0x11e: {  	v4 =	vperm.xlane v3, v0;
	_ =	sdelay $0x1  }
0x11f: {  	v4 =	vadd.s32 v1, v4;
	_ =	sdelay $0x4  }
0x120: {  	[hbm4b:s3+s2] =	stream.indirect_vreg.scatter [tilespmem:s10], [sflag:$0x3], $0x80, v4, vm0, $0xb8;
	[tilespmem:$0x10400] =	vst v63  }
0x121: {  	v3 =	vperm.xlane v3, v2  }
0x122: {  	[hbm4b:s5+s2] =	stream.indirect_vreg.scatter [tilespmem:s11], [sflag:$0x3], $0x80, v4, vm0, $0xb8;
	[tilespmem:$0x10400] =	vst v63  }
0x123: {  	v3 =	vadd.s32 v1, v3  }
0x124: {  	[hbm4b:s6+s2] =	stream.indirect_vreg.scatter [tilespmem:s12], [sflag:$0x3], $0x80, v4, vm0, $0xb8;
	[tilespmem:$0x10400] =	vst v63  }
0x125: {  	_ = 	snop  }
0x126: {  	[hbm4b:s7+s2] =	stream.indirect_vreg.scatter [tilespmem:s13], [sflag:$0x3], $0x80, v4, vm0, $0xb8;
	[tilespmem:$0x10400] =	vst v63  }
0x127: {  	_ = 	snop  }
0x128: {  	[hbm4b:s3+s2] =	stream.indirect_vreg.scatter [tilespmem:s18], [sflag:$0x3], $0x80, v3, vm0, $0xb8;
	[tilespmem:$0x10400] =	vst v63  }
0x129: {  	_ = 	snop  }
0x12a: {  	[hbm4b:s5+s2] =	stream.indirect_vreg.scatter [tilespmem:s19], [sflag:$0x3], $0x80, v3, vm0, $0xb8;
	[tilespmem:$0x10400] =	vst v63  }
0x12b: {  	_ = 	snop  }
0x12c: {  	[hbm4b:s6+s2] =	stream.indirect_vreg.scatter [tilespmem:s20], [sflag:$0x3], $0x80, v3, vm0, $0xb8;
	[tilespmem:$0x10400] =	vst v63  }
0x12d: {  	_ = 	snop  }
0x12e: {  	[hbm4b:s7+s2] =	stream.indirect_vreg.scatter [tilespmem:s24], [sflag:$0x3], $0x80, v3, vm0, $0xb8;
	[tilespmem:$0x10400] =	vst v63  }
0x12f: {  	_ =	swait.ge [sflag:s23], $0x8000  }
0x130: {  	[sflag:s23] =	ssyncset.done $0x0  }
0x131: {  	[sflag:s23] =	ssyncadd.s32 $0xFFFF8000  }
0x132: {  	_ =	swait.ge [sflag:s23], $0x8000  }
0x133: {  	[sflag:s23] =	ssyncset.done $0x0  }
0x134: {  	s14 =	rddreg [dreg:$0x8];
	[sflag:s23] =	ssyncadd.s32 $0xFFFF8000  }
0x135: {  	[tilespmem:s29], [sflag:$0x2] =	stream.linear.gather [hbm4b:s14+s2], $0x8000, $0x38;
	[tilespmem:$0x10400] =	vst v63  }
0x136: {  	_ =	swait.ge [sflag:s0], $0x8000  }
0x137: {  	[sflag:s0] =	ssyncset.done $0x0  }
0x138: {  	[sflag:s0] =	ssyncadd.s32 $0xFFFF8000  }
0x139: {  	v3 =	vld [tilespmem:$0x180];
	_ =	sdelay $0x4  }
0x13a: {  	v60 =	vshll.u32 v3, $0x3  }
0x13b: {  	v3 =	vand.u32 $0x7, v3;
	v4 =	vand.u32 $0xFFFFFFC0, v60  }
0x13c: {  	v3 =	vor.u32 v3, v4  }
0x13d: {  	v4 =	vperm.xlane v3, v0;
	_ =	sdelay $0x1  }
0x13e: {  	v4 =	vadd.s32 v1, v4;
	_ =	sdelay $0x4  }
0x13f: {  	[hbm4b:s3+s2] =	stream.indirect_vreg.scatter [tilespmem:s29], [sflag:$0x4], $0x80, v4, vm0, $0xb8;
	[tilespmem:$0x10400] =	vst v63  }
0x140: {  	s15 =	simm.s32 $0x8C00;
	v3 =	vperm.xlane v3, v2  }
0x141: {  	[hbm4b:s5+s2] =	stream.indirect_vreg.scatter [tilespmem:s15], [sflag:$0x4], $0x80, v4, vm0, $0xb8;
	[tilespmem:$0x10400] =	vst v63  }
0x142: {  	s0 =	simm.s32 $0x9400;
	v3 =	vadd.s32 v1, v3  }
0x143: {  	[hbm4b:s6+s2] =	stream.indirect_vreg.scatter [tilespmem:s0], [sflag:$0x4], $0x80, v4, vm0, $0xb8;
	[tilespmem:$0x10400] =	vst v63  }
0x144: {  	s1 =	simm.s32 $0x9C00  }
0x145: {  	[hbm4b:s7+s2] =	stream.indirect_vreg.scatter [tilespmem:s1], [sflag:$0x4], $0x80, v4, vm0, $0xb8;
	[tilespmem:$0x10400] =	vst v63  }
0x146: {  	s4 =	simm.s32 $0xA400  }
0x147: {  	[hbm4b:s3+s2] =	stream.indirect_vreg.scatter [tilespmem:s4], [sflag:$0x4], $0x80, v3, vm0, $0xb8;
	[tilespmem:$0x10400] =	vst v63  }
0x148: {  	s16 =	simm.s32 $0xAC00  }
0x149: {  	[hbm4b:s5+s2] =	stream.indirect_vreg.scatter [tilespmem:s16], [sflag:$0x4], $0x80, v3, vm0, $0xb8;
	[tilespmem:$0x10400] =	vst v63  }
0x14a: {  	s17 =	simm.s32 $0xB400  }
0x14b: {  	[hbm4b:s6+s2] =	stream.indirect_vreg.scatter [tilespmem:s17], [sflag:$0x4], $0x80, v3, vm0, $0xb8;
	[tilespmem:$0x10400] =	vst v63  }
0x14c: {  	s18 =	simm.s32 $0xBC00  }
0x14d: {  	[hbm4b:s7+s2] =	stream.indirect_vreg.scatter [tilespmem:s18], [sflag:$0x4], $0x80, v3, vm0, $0xb8;
	[tilespmem:$0x10400] =	vst v63  }
0x14e: {  	v3 =	vld [tilespmem:$0x190];
	_ =	sdelay $0x4  }
0x14f: {  	v61 =	vshll.u32 v3, $0x3  }
0x150: {  	v3 =	vand.u32 $0x7, v3;
	v4 =	vand.u32 $0xFFFFFFC0, v61  }
0x151: {  	v3 =	vor.u32 v3, v4  }
0x152: {  	v4 =	vperm.xlane v3, v0;
	_ =	sdelay $0x1  }
0x153: {  	v4 =	vadd.s32 v1, v4;
	_ =	sdelay $0x3  }
0x154: {  	s9 =	simm.s32 $0xC400  }
0x155: {  	[hbm4b:s3+s2] =	stream.indirect_vreg.scatter [tilespmem:s9], [sflag:$0x4], $0x80, v4, vm0, $0xb8;
	[tilespmem:$0x10400] =	vst v63  }
0x156: {  	s10 =	simm.s32 $0xCC00;
	v3 =	vperm.xlane v3, v2  }
0x157: {  	[hbm4b:s5+s2] =	stream.indirect_vreg.scatter [tilespmem:s10], [sflag:$0x4], $0x80, v4, vm0, $0xb8;
	[tilespmem:$0x10400] =	vst v63  }
0x158: {  	s11 =	simm.s32 $0xD400;
	v3 =	vadd.s32 v1, v3  }
0x159: {  	[hbm4b:s6+s2] =	stream.indirect_vreg.scatter [tilespmem:s11], [sflag:$0x4], $0x80, v4, vm0, $0xb8;
	[tilespmem:$0x10400] =	vst v63  }
0x15a: {  	s12 =	simm.s32 $0xDC00  }
0x15b: {  	[hbm4b:s7+s2] =	stream.indirect_vreg.scatter [tilespmem:s12], [sflag:$0x4], $0x80, v4, vm0, $0xb8;
	[tilespmem:$0x10400] =	vst v63  }
0x15c: {  	s13 =	simm.s32 $0xE400  }
0x15d: {  	[hbm4b:s3+s2] =	stream.indirect_vreg.scatter [tilespmem:s13], [sflag:$0x4], $0x80, v3, vm0, $0xb8;
	[tilespmem:$0x10400] =	vst v63  }
0x15e: {  	s19 =	simm.s32 $0xEC00  }
0x15f: {  	[hbm4b:s5+s2] =	stream.indirect_vreg.scatter [tilespmem:s19], [sflag:$0x4], $0x80, v3, vm0, $0xb8;
	[tilespmem:$0x10400] =	vst v63  }
0x160: {  	s24 =	simm.s32 $0xF400  }
0x161: {  	[hbm4b:s6+s2] =	stream.indirect_vreg.scatter [tilespmem:s24], [sflag:$0x4], $0x80, v3, vm0, $0xb8;
	[tilespmem:$0x10400] =	vst v63  }
0x162: {  	s25 =	simm.s32 $0xFC00  }
0x163: {  	[hbm4b:s7+s2] =	stream.indirect_vreg.scatter [tilespmem:s25], [sflag:$0x4], $0x80, v3, vm0, $0xb8;
	[tilespmem:$0x10400] =	vst v63  }
0x164: {  	v3 =	vld [tilespmem:$0x380];
	_ =	sdelay $0x4  }
0x165: {  	v62 =	vshll.u32 v3, $0x3  }
0x166: {  	v3 =	vand.u32 $0x7, v3;
	v4 =	vand.u32 $0xFFFFFFC0, v62  }
0x167: {  	v3 =	vor.u32 v3, v4  }
0x168: {  	v4 =	vperm.xlane v3, v0;
	_ =	sdelay $0x1  }
0x169: {  	v4 =	vadd.s32 v1, v4;
	_ =	sdelay $0x4  }
0x16a: {  	[hbm4b:s3+s2] =	stream.indirect_vreg.scatter [tilespmem:s29], [sflag:$0x4], $0x80, v4, vm0, $0xb8;
	[tilespmem:$0x10400] =	vst v63  }
0x16b: {  	v3 =	vperm.xlane v3, v2  }
0x16c: {  	[hbm4b:s5+s2] =	stream.indirect_vreg.scatter [tilespmem:s15], [sflag:$0x4], $0x80, v4, vm0, $0xb8;
	[tilespmem:$0x10400] =	vst v63  }
0x16d: {  	v3 =	vadd.s32 v1, v3  }
0x16e: {  	[hbm4b:s6+s2] =	stream.indirect_vreg.scatter [tilespmem:s0], [sflag:$0x4], $0x80, v4, vm0, $0xb8;
	[tilespmem:$0x10400] =	vst v63  }
0x16f: {  	_ = 	snop  }
0x170: {  	[hbm4b:s7+s2] =	stream.indirect_vreg.scatter [tilespmem:s1], [sflag:$0x4], $0x80, v4, vm0, $0xb8;
	[tilespmem:$0x10400] =	vst v63  }
0x171: {  	_ = 	snop  }
0x172: {  	[hbm4b:s3+s2] =	stream.indirect_vreg.scatter [tilespmem:s4], [sflag:$0x4], $0x80, v3, vm0, $0xb8;
	[tilespmem:$0x10400] =	vst v63  }
0x173: {  	_ = 	snop  }
0x174: {  	[hbm4b:s5+s2] =	stream.indirect_vreg.scatter [tilespmem:s16], [sflag:$0x4], $0x80, v3, vm0, $0xb8;
	[tilespmem:$0x10400] =	vst v63  }
0x175: {  	_ = 	snop  }
0x176: {  	[hbm4b:s6+s2] =	stream.indirect_vreg.scatter [tilespmem:s17], [sflag:$0x4], $0x80, v3, vm0, $0xb8;
	[tilespmem:$0x10400] =	vst v63  }
0x177: {  	_ = 	snop  }
0x178: {  	[hbm4b:s7+s2] =	stream.indirect_vreg.scatter [tilespmem:s18], [sflag:$0x4], $0x80, v3, vm0, $0xb8;
	[tilespmem:$0x10400] =	vst v63  }
0x179: {  	v3 =	vld [tilespmem:$0x390];
	_ =	sdelay $0x4  }
0x17a: {  	v63 =	vshll.u32 v3, $0x3  }
0x17b: {  	v3 =	vand.u32 $0x7, v3;
	v4 =	vand.u32 $0xFFFFFFC0, v63  }
0x17c: {  	v3 =	vor.u32 v3, v4  }
0x17d: {  	v4 =	vperm.xlane v3, v0;
	_ =	sdelay $0x1  }
0x17e: {  	v4 =	vadd.s32 v1, v4;
	_ =	sdelay $0x4  }
0x17f: {  	[hbm4b:s3+s2] =	stream.indirect_vreg.scatter [tilespmem:s9], [sflag:$0x4], $0x80, v4, vm0, $0xb8;
	[tilespmem:$0x10400] =	vst v63  }
0x180: {  	v3 =	vperm.xlane v3, v2  }
0x181: {  	[hbm4b:s5+s2] =	stream.indirect_vreg.scatter [tilespmem:s10], [sflag:$0x4], $0x80, v4, vm0, $0xb8;
	[tilespmem:$0x10400] =	vst v63  }
0x182: {  	v3 =	vadd.s32 v1, v3  }
0x183: {  	[hbm4b:s6+s2] =	stream.indirect_vreg.scatter [tilespmem:s11], [sflag:$0x4], $0x80, v4, vm0, $0xb8;
	[tilespmem:$0x10400] =	vst v63  }
0x184: {  	_ = 	snop  }
0x185: {  	[hbm4b:s7+s2] =	stream.indirect_vreg.scatter [tilespmem:s12], [sflag:$0x4], $0x80, v4, vm0, $0xb8;
	[tilespmem:$0x10400] =	vst v63  }
0x186: {  	_ = 	snop  }
0x187: {  	[hbm4b:s3+s2] =	stream.indirect_vreg.scatter [tilespmem:s13], [sflag:$0x4], $0x80, v3, vm0, $0xb8;
	[tilespmem:$0x10400] =	vst v63  }
0x188: {  	_ = 	snop  }
0x189: {  	[hbm4b:s5+s2] =	stream.indirect_vreg.scatter [tilespmem:s19], [sflag:$0x4], $0x80, v3, vm0, $0xb8;
	[tilespmem:$0x10400] =	vst v63  }
0x18a: {  	_ = 	snop  }
0x18b: {  	[hbm4b:s6+s2] =	stream.indirect_vreg.scatter [tilespmem:s24], [sflag:$0x4], $0x80, v3, vm0, $0xb8;
	[tilespmem:$0x10400] =	vst v63  }
0x18c: {  	_ = 	snop  }
0x18d: {  	[hbm4b:s7+s2] =	stream.indirect_vreg.scatter [tilespmem:s25], [sflag:$0x4], $0x80, v3, vm0, $0xb8;
	[tilespmem:$0x10400] =	vst v63  }
0x18e: {  	_ =	swait.ge [sflag:s21], $0x8000  }
0x18f: {  	[sflag:s21] =	ssyncset.done $0x0  }
0x190: {  	[sflag:s21] =	ssyncadd.s32 $0xFFFF8000  }
0x191: {  	_ =	swait.ge [sflag:s21], $0x8000  }
0x192: {  	[sflag:s21] =	ssyncset.done $0x0  }
0x193: {  	[sflag:s21] =	ssyncadd.s32 $0xFFFF8000  }
0x194: {  	p0 =	sne.s32 s8, $0x1;
	_ =	swait.ge [sflag:s23], $0x8000  }
.Ltmp0:
0x195: {  	[sflag:s23] =	ssyncset.done $0x0;
	(pc) =	sbr.rel @p0 .LBB2_1-.Ltmp0, $4  }
0x196: {  	[sflag:s23] =	ssyncadd.s32 $0xFFFF8000  }
0x197: {  	_ =	swait.ge [sflag:s23], $0x8000  }
0x198: {  	[sflag:s23] =	ssyncset.done $0x0  }
0x199: {  	s8 =	sadd.s32 $0xFFFFFFFF, s8;
	[sflag:s23] =	ssyncadd.s32 $0xFFFF8000  }
0x19a: {  	_ =	sfence.sel $0x180000  }
0x19b: {  	[bflag:$0x0] =	sbarrier.arrive $0xFFFF  }
0x19c: {  	_ =	strace $0x9000004A  }
0x19d: {  	s0 =	stileid.u32;
	[bflag:$0x2] =	sbarrier.arrive $0xFFFF  }
0x19e: {  	p0 =	sne.s32 s0, $0x0;
	s0 =	rddreg [dreg:$0x3]  }
0x19f: {  	s0 =	sadd.s32 @!p0 $0x100000, s0  }
0x1a0: {  	[sflag:s0] =	ssyncadd.tile.s32 @!p0 $0x1;
	_ =	shalt  }
.Lfunc_end2:
_tile_overlayer_lowered:
.L_overlay_start_2:
0x1a1: {  	(tag) =	ssettag $0x2  }
0x1a2: {  	s0 =	rddreg [dreg:$0x0];
	s2 =	stileid.u32  }
0x1a3: {  	s1 =	rddreg [dreg:$0x1];
	p0 =	sne.s32 s2, $0x0  }
0x1a4: {  	s3 =	rddreg [dreg:$0x2];
	[bflag:$0x3] =	sbarrier.arrive $0xFFFF;
	s2 =	simm.s32 @!p0 $0x1C05  }
0x1a5: {  	[timem:s3], [sflag:s2] =	dma.local @!p0 [hbm:s0], s1  }
0x1a6: {  	s0 =	simm.s32 @!p0 $0x5  }
0x1a7: {  	_ =	swait.ge @!p0 [sflag:s0], s1  }
0x1a8: {  	s1 =	ssub.s32 @!p0 $0x0, s1;
	[sflag:s0] =	ssyncset.done @!p0 $0x0  }
0x1a9: {  	[sflag:s0] =	ssyncadd.s32 @!p0 s1  }
0x1aa: {  	[bflag:$0x3] =	sbarrier.arrive $0xFFFF  }
0x1ab: {  	_ =	shalt  }

// kernel: gather_offload_async_start
scs
__scs_entry_jumppad:
0x0: {  	(pc) =	sbr.rel $0x88, $3  }
0x1: {  	(tag) =	ssettag $0x0;
	lr =	simm.s32 $0x1  }
0x2: {  	[smem:$0x3F9C] =	sst lr;
	_ =	strace $0xD0000000  }
0x3: {  	_ = 	snop  }
0x4: {  	_ = 	snop  }
0x5: {  	_ = 	snop  }
0x6: {  	_ = 	snop  }
0x7: {  	_ = 	snop  }
__scs_overlays_trampoline_lowered:
0x8: {  	[smem:$0x3FAB] =	sst s0  }
0x9: {  	[smem:$0x3FAC] =	sst s1  }
0xa: {  	[smem:$0x3FAD] =	sst s2  }
0xb: {  	[smem:$0x3FAE] =	sst s3  }
0xc: {  	[smem:$0x3FAF] =	sst s4  }
0xd: {  	[smem:$0x3FB0] =	sst s5  }
0xe: {  	[smem:$0x3FB1] =	sst s6  }
0xf: {  	[smem:$0x3FB2] =	sst s7  }
0x10: {  	[smem:$0x3FB3] =	sst s8  }
0x11: {  	[smem:$0x3FB4] =	sst s9;
	s0 =	simm.s32 @!p0 $0x0  }
0x12: {  	s1 =	sld [smem:$0x3F9A];
	s0 =	simm.s32 @p0 $0x1  }
0x13: {  	[smem:$0x3FB5] =	sst s0;
	s0 =	simm.s32 @!p1 $0x0  }
0x14: {  	s2 =	sld [smem:$0x3F99];
	s0 =	simm.s32 @p1 $0x1  }
0x15: {  	[smem:$0x3FB6] =	sst s0;
	s0 =	simm.s32 @!p2 $0x0  }
0x16: {  	s3 =	sld [smem:$0x3FDB];
	s0 =	simm.s32 @p2 $0x1  }
0x17: {  	s4 =	simm.s32 $0x1BF5;
	[smem:$0x3FB8] =	sst s0  }
0x18: {  	s0 =	sld [smem:$0x3F9B];
	_ =	swait.ge [sflag:s4], $0x0  }
0x19: {  	s7 =	sld [smem:$0x3F9C]  }
0x1a: {  	s8 =	sadd.s32 $0xFFFFE003, lr  }
0x1b: {  	s9 =	sadd.s32 $0xFFFFFEF7, lr;
	s5 =	simm.s32 $0xFFFFFFFF;
	p2 =	slt.u32 s8, $0xFFFFF086  }
0x1c: {  	p1 =	slt.u32 s9, $0xF7A;
	s5 =	simm.s32 @!p2 $0x0  }
0x1d: {  	s5 =	simm.s32 @p1 $0x1;
	p0 =	seq.s32 s7, s2  }
0x1e: {  	s7 =	smul.u32 @!p0 $0xF7A, s2;
	p2 =	seq.s32 @!p0 s5, $0x0  }
0x1f: {  	s9 =	smul.u32 $0xF7A, s1;
	s8 =	simm.s32 @!p0 $0x1BF5;
	p2 =	por !p2, p0  }
0x20: {  	[sflag:s8] =	ssyncset.s32 @!p0 $0xFFFFF086;
	s6 =	sadd.s32 @!p0 s3, s7;
	s7 =	simm.s32 @!p0 $0x108  }
0x21: {  	s3 =	sadd.s32 s3, s9;
	s6 =	sadd.s32 @!p0 $0x88, s6;
	s7 =	simm.s32 @p2 $0x1082  }
0x22: {  	[simem:s7], [sflag:s8] =	dma.local @!p0 [hbm:s6], $0xF7A  }
0x23: {  	s9 =	sor.u32 $0xD0000000, s2;
	s6 =	simm.s32 $0x108;
	_ =	swait.ge @!p0 [sflag:s8], $0x0  }
0x24: {  	s3 =	sadd.s32 $0x88, s3;
	s6 =	simm.s32 @!p1 $0x1082;
	[sflag:s4] =	ssyncset.s32 $0xFFFFF086  }
0x25: {  	[simem:s6], [sflag:s4] =	dma.local [hbm:s3], $0xF7A  }
0x26: {  	[smem:$0x3F9C] =	sst s1;
	(tag) =	ssettag s2;
	_ =	strace s9  }
0x27: {  	s1 =	sld [smem:$0x3FAC]  }
0x28: {  	s2 =	sld [smem:$0x3FAD]  }
0x29: {  	s4 =	sld [smem:$0x3FAF]  }
0x2a: {  	p0 =	seq.s32 s5, $0x0;
	s5 =	sld [smem:$0x3FB0]  }
0x2b: {  	s6 =	sld [smem:$0x3FB1]  }
0x2c: {  	s7 =	sld [smem:$0x3FB2]  }
0x2d: {  	s3 =	simm.s32 $0x108;
	s8 =	sld [smem:$0x3FB3]  }
0x2e: {  	s3 =	simm.s32 @!p0 $0x1082;
	s9 =	sld [smem:$0x3FB4]  }
0x2f: {  	lr =	sadd.s32 s0, s3;
	s0 =	sld [smem:$0x3FAB]  }
0x30: {  	s3 =	sld [smem:$0x3FAE]  }
0x31: {  	[smem:$0x3FB7] =	sst s10  }
0x32: {  	s10 =	sld [smem:$0x3FB5];
	_ =	sdelay $0x3  }
0x33: {  	p0 =	seq.s32 s10, $0x1;
	s10 =	sld [smem:$0x3FB7];
	_ =	sdelay $0x3  }
0x34: {  	[smem:$0x3FB7] =	sst s10  }
0x35: {  	s10 =	sld [smem:$0x3FB6];
	_ =	sdelay $0x3  }
0x36: {  	p1 =	seq.s32 s10, $0x1;
	s10 =	sld [smem:$0x3FB7];
	_ =	sdelay $0x3  }
0x37: {  	[smem:$0x3FB7] =	sst s10  }
0x38: {  	s10 =	sld [smem:$0x3FB8]  }
0x39: {  	_ = 	snop;
	(pc) =	sbr.ind lr, $3  }
0x3a: {  	_ = 	snop  }
0x3b: {  	_ = 	snop  }
0x3c: {  	p2 =	seq.s32 s10, $0x1;
	s10 =	sld [smem:$0x3FB7]  }
0x3d: {  	_ =	shalt  }
0x3e: {  	_ =	shalt  }
0x3f: {  	_ =	shalt  }
0x40: {  	_ =	shalt  }
0x41: {  	_ =	shalt  }
0x42: {  	_ =	shalt  }
0x43: {  	_ =	shalt  }
0x44: {  	_ =	shalt  }
0x45: {  	_ =	shalt  }
0x46: {  	_ =	shalt  }
0x47: {  	_ =	shalt  }
0x48: {  	_ =	shalt  }
0x49: {  	_ =	shalt  }
0x4a: {  	_ =	shalt  }
0x4b: {  	_ =	shalt  }
0x4c: {  	_ =	shalt  }
0x4d: {  	_ =	shalt  }
0x4e: {  	_ =	shalt  }
0x4f: {  	_ =	shalt  }
0x50: {  	_ =	shalt  }
0x51: {  	_ =	shalt  }
0x52: {  	_ =	shalt  }
0x53: {  	_ =	shalt  }
0x54: {  	_ =	shalt  }
0x55: {  	_ =	shalt  }
0x56: {  	_ =	shalt  }
0x57: {  	_ =	shalt  }
0x58: {  	_ =	shalt  }
0x59: {  	_ =	shalt  }
0x5a: {  	_ =	shalt  }
0x5b: {  	_ =	shalt  }
0x5c: {  	_ =	shalt  }
0x5d: {  	_ =	shalt  }
0x5e: {  	_ =	shalt  }
0x5f: {  	_ =	shalt  }
0x60: {  	_ =	shalt  }
0x61: {  	_ =	shalt  }
0x62: {  	_ =	shalt  }
0x63: {  	_ =	shalt  }
0x64: {  	_ =	shalt  }
0x65: {  	_ =	shalt  }
0x66: {  	_ =	shalt  }
0x67: {  	_ =	shalt  }
0x68: {  	_ =	shalt  }
0x69: {  	_ =	shalt  }
0x6a: {  	_ =	shalt  }
0x6b: {  	_ =	shalt  }
0x6c: {  	_ =	shalt  }
0x6d: {  	_ =	shalt  }
0x6e: {  	_ =	shalt  }
0x6f: {  	_ =	shalt  }
0x70: {  	_ =	shalt  }
0x71: {  	_ =	shalt  }
0x72: {  	_ =	shalt  }
0x73: {  	_ =	shalt  }
0x74: {  	_ =	shalt  }
0x75: {  	_ =	shalt  }
0x76: {  	_ =	shalt  }
0x77: {  	_ =	shalt  }
0x78: {  	_ =	shalt  }
0x79: {  	_ =	shalt  }
0x7a: {  	_ =	shalt  }
0x7b: {  	_ =	shalt  }
0x7c: {  	_ =	shalt  }
0x7d: {  	_ =	shalt  }
0x7e: {  	_ =	shalt  }
0x7f: {  	_ =	shalt  }
0x80: {  	_ =	shalt  }
0x81: {  	_ =	shalt  }
0x82: {  	_ =	shalt  }
0x83: {  	_ =	shalt  }
0x84: {  	_ =	shalt  }
0x85: {  	_ =	shalt  }
0x86: {  	_ =	shalt  }
0x87: {  	_ =	shalt  }
.Lfunc_end0:
.L_simem_size_0:
called_computation_lowered:
.L_overlay_start_0:
0x88: {  	s2 =	sld [smem:$0x3FD9]  }
0x89: {  	s3 =	sld [smem:$0x3FFE];
	_ =	sdelay $0x1  }
0x8a: {  	s1 =	srdreg.scid  }
0x8b: {  	s0 =	sand.u32 $0x1, s1  }
0x8c: {  	s14 =	sshll.u32 s0, $0xA;
	s2 =	sadd.s32 s3, s2  }
0x8d: {  	s2 =	sadd.s32 s2, s14  }
0x8e: {  	[smem:$0x3FC3] =	sst s2  }
0x8f: {  	_ = 	snop  }
0x90: {  	s2 =	sld [smem:$0x3FD0];
	_ =	sdelay $0x2  }
0x91: {  	s15 =	simm.s32 $0xA;
	s4 =	simm.s32 $0x10  }
0x92: {  	[smem:s4], [sflag:s15] =	dma.local [hbm:s2], $0x1  }
0x93: {  	_ =	swait.eq [sflag:s15], $0x1  }
0x94: {  	[sflag:s15] =	ssyncset.done $0x0  }
0x95: {  	s16 =	sld [smem:$0x10];
	[sflag:s15] =	ssyncadd.s32 $0xFFFFFFFF  }
0x96: {  	s17 =	sld [smem:$0x11];
	(tm) =	ssettm $0x1  }
0x97: {  	s18 =	sld [smem:$0x3FFB];
	_ =	sdelay $0x3  }
0x98: {  	_ =	strace s18  }
0x99: {  	s4 =	sld [smem:$0x3FFC];
	_ =	sdelay $0x3  }
0x9a: {  	_ =	strace s4  }
0x9b: {  	s4 =	sld [smem:$0x3FFD];
	_ =	sdelay $0x3  }
0x9c: {  	_ =	strace s4  }
0x9d: {  	_ =	strace $0x8FFFFFFF  }
0x9e: {  	s19 =	sld [smem:$0x3FDB];
	_ =	sdelay $0x1  }
0x9f: {  	s5 =	simm.s32 $_scs_section_size  }
0xa0: {  	s6 =	simm.s32 $_size__tile_overlayer_lowered;
	s7 =	simm.s32 $_tile_overlayer_lowered  }
0xa1: {  	s22 =	simm.s32 $0x1BFF;
	s21 =	sshll.u32 s7, $0x1;
	s4 =	sadd.s32 s5, s19  }
0xa2: {  	s8 =	simm.s32 $0x0;
	s20 =	sshll.u32 s6, $0x1;
	s6 =	sadd.s32 s21, s4  }
0xa3: {  	[timem:s8], [sflag:s22] =	dma.local [hbm:s6], s20  }
0xa4: {  	_ =	swait.ge [sflag:s22], s20  }
0xa5: {  	s5 =	ssub.s32 $0x0, s20;
	[sflag:s22] =	ssyncset.done $0x0  }
0xa6: {  	[sflag:s22] =	ssyncadd.s32 s5;
	_ =	sdelay $0x1  }
0xa7: {  	s23 =	simm.s32 $0x1B8B  }
0xa8: {  	_ =	swait.ge [sflag:s23], $0x1  }
0xa9: {  	[sflag:s23] =	ssyncset.done $0x0  }
0xaa: {  	s25 =	simm.s32 $0x1B8E;
	s24 =	sld [smem:$0x3FFE];
	[sflag:s23] =	ssyncadd.s32 $0xFFFFFFFF  }
0xab: {  	s26 =	simm.s32 $execute0_lowered;
	[smem:$0x3FD2] =	sst s25  }
0xac: {  	s6 =	sshll.u32 s26, $0x1;
	_ =	strace $0x80000046;
	[dreg:$0x1] =	wrdreg $0xFFFFFFFF  }
0xad: {  	s28 =	simm.s32 $_size_execute0_lowered;
	s4 =	sadd.s32 s4, s6;
	[dreg:$0x0] =	wrdreg $0x0  }
0xae: {  	s6 =	sshll.u32 s28, $0x1;
	[dreg:$0x2] =	wrdreg s4  }
0xaf: {  	[dreg:$0x3] =	wrdreg s6  }
0xb0: {  	[dreg:$0x4] =	wrdreg $0xC0  }
0xb1: {  	_ =	task [dreg:s8], $0x5FFFF  }
0xb2: {  	[dreg:$0x1] =	wrdreg $0xFFFFFFFF  }
0xb3: {  	[dreg:$0x0] =	wrdreg $0x60  }
0xb4: {  	[dreg:$0x2] =	wrdreg s16  }
0xb5: {  	[dreg:$0x3] =	wrdreg s17  }
0xb6: {  	[dreg:$0x4] =	wrdreg s24  }
0xb7: {  	[dreg:$0x5] =	wrdreg $0x9  }
0xb8: {  	_ =	task.clear_ibuf [dreg:s8], $0x6FFFF;
	_ =	strace $0x90000046  }
0xb9: {  	s29 =	simm.s32 $0x9;
	_ =	strace $0x80000048  }
0xba: {  	_ =	swait.ge [sflag:s29], $0x1  }
0xbb: {  	[sflag:s29] =	ssyncadd.s32 $0xFFFFFFFF  }
0xbc: {  	_ =	strace $0x90000048  }
0xbd: {  	_ =	sfence  }
0xbe: {  	s30 =	sld [smem:$0x0];
	_ =	sdelay $0x2  }
0xbf: {  	s31 =	sshll.u32 s1, $0xD;
	s1 =	sshrl.u32 s1, $0x2  }
0xc0: {  	s3 =	sand.u32 $0x4000, s31;
	s1 =	sadd.s32 s1, s30  }
0xc1: {  	s0 =	sor.u32 s3, s0;
	s1 =	sshll.u32 s1, $0x11  }
0xc2: {  	s0 =	sor.u32 s1, s0  }
0xc3: {  	s0 =	sadd.s32 $0x8F2B, s0  }
0xc4: {  	[sflag:s0] =	ssyncadd.remote.s32 $0x1  }
0xc5: {  	_ =	sfence.sel $0xFFFF  }
0xc6: {  	[dreg:$0x0] =	wrdreg $0xFFFFFFFF;
	(pc) =	sbr.abs _section_cstart, $3  }
0xc7: {  	[dreg:$0x1] =	wrdreg $0xFFFFFFFF  }
0xc8: {  	_ =	task.clear_ibuf [dreg:s8], $0x2FFFF;
	_ =	strace $0x9FFFFFFF  }
0xc9: {  	(tm) =	ssettm $0x7FFFFFFF  }
tec
execute0_lowered:
.L_overlay_start_1:
0x0: {  	(tag) =	ssettag $0x1  }
0x1: {  	s2 =	rddreg [dreg:$0x0]  }
0x2: {  	s1 =	srdreg.scid;
	s3 =	rddreg [dreg:$0x1]  }
0x3: {  	s0 =	stileid.u32;
	s5 =	rddreg [dreg:$0x2]  }
0x4: {  	s9 =	simm.s32 $0x1;
	s10 =	simm.s32 $0x3;
	s1 =	sshll.u32 s1, $0x7  }
0x5: {  	s13 =	simm.s32 $0x0;
	s4 =	sshll.u32 s0, $0x8;
	s6 =	sand.u32 $0x80, s1  }
0x6: {  	s12 =	simm.s32 $0x0;
	s5 =	sadd.s32 $0x20000, s5;
	s4 =	sor.u32 s4, s6  }
0x7: {  	s1 =	rddreg [dreg:$0x3];
	_ =	strace $0x80000047;
	s8 =	ssub.s32 $0x2000, s4  }
.Ltmp0:
0x8: {  	s6 =	simm.s32 $0x1;
	s7 =	sand.u32 $0xF80, s8;
	(pc) =	sbr.rel .LBB2_1-.Ltmp0, $4  }
0x9: {  	[sflag:s6] =	ssyncpa.u1 $0x0;
	s11 =	smov.u32 s4;
	p0 =	sne.s32 s7, $0x0  }
0xa: {  	s8 =	sshrl.u32 s8, $0xC;
	s7 =	simm.s32 $0x2;
	s9 =	simm.s32 @!p0 $0x0  }
0xb: {  	[sflag:s7] =	ssyncpa.u1 $0x0;
	p0 =	por $0x0, $0x0;
	s8 =	sadd.s32 s9, s8  }
0xc: {  	vm0 =	vmmov $0xffff;
	[sflag:s10] =	ssyncpa.u1 $0x0;
	s10 =	simm.s32 $0x0;
	s9 =	sadd.s32 $0x1, s8  }
.LBB2_4:
0xd: {  	v5 =	vshrl.u32 v1, $0xD;
	v6 =	vshll.u32 v1, $0x7  }
0xe: {  	vm1 =	veq.s32 v1, $0x80000000;
	v58 =	vand.u32 $0x7, v5;
	v59 =	vand.u32 $0xFFF80, v6  }
0xf: {  	v1 =	vsel vm1, $0xFFFFFFFF, v58;
	v5 =	vsel vm1, $0xFFFFFF80, v59  }
0x10: {  	v3 =	vor.u32 v4, v3;
	v60 =	vand.u32 $0xFFFFFC00, v5;
	v61 =	vand.u32 $0xFFFFFC00, v1  }
0x11: {  	v2 =	vor.u32 v2, v3;
	v63 =	vand.u32 $0x380, v5;
	v62 =	vadd.s32 v61, v60  }
0x12: {  	v1 =	vand.u32 $0x7F, v1;
	v3 =	vor.u32 v63, v62  }
0x13: {  	v1 =	vor.u32 v1, v3  }
0x14: {  	[tilespmem:s15], [sflag:$0x1] =	stream.indirect_vreg.gather [hbm4b:s2+s10], $0x1, v0, vm0, $0x4038;
	[tilespmem:$0x200] =	vst v63  }
0x15: {  	(ifvalue) =	ssetifvalue $0x7FFFFFFF  }
0x16: {  	[tilespmem:s16], [sflag:$0x1] =	stream.indirect_vreg.gather [hbm4b:s2+s10], $0x1, v2, vm0, $0x4038;
	[tilespmem:$0x200] =	vst v63  }
0x17: {  	s29 =	sadd.s32 $0x10, s16;
	(ifvalue) =	ssetifvalue $0x7FFFFFFF  }
0x18: {  	[tilespmem:s29], [sflag:$0x1] =	stream.indirect_vreg.gather [hbm4b:s2+s10], $0x1, v1, vm0, $0x4038;
	[tilespmem:$0x200] =	vst v63  }
0x19: {  	_ =	swait.ge [sflag:s6], $0x80  }
0x1a: {  	s30 =	sshrl.u32 s13, $0x3;
	[sflag:s6] =	ssyncset.done $0x0  }
0x1b: {  	s31 =	sand.u32 $0x7, s13;
	s15 =	sadd.s32 s5, s30;
	[sflag:s6] =	ssyncadd.s32 $0xFFFFFF80  }
0x1c: {  	[hbm4b:s15+s31] =	stream.linear.scatter [tilespmem:s14], [sflag:$0x3], $0x80, $0x38;
	[tilespmem:$0x200] =	vst v63  }
.LBB2_5:
0x1d: {  	s15 =	sadd.s32 $0x1000, s11  }
0x1e: {  	p2 =	sgt.s32 s15, $0x1FFF  }
0x1f: {  	s15 =	smov.u32 @p2 s4;
	p2 =	sne.s32 s12, s9  }
.Ltmp1:
0x20: {  	p1 =	slt.u32 s12, $0x2;
	(pc) =	sbr.rel @!p2 .LBB2_6-.Ltmp1, $4  }
0x21: {  	s14 =	simm.s32 @!p1 $0x3  }
0x22: {  	s16 =	sadd.s32 $0x1, s12;
	_ =	swait.ge @!p1 [sflag:s14], $0x80  }
0x23: {  	s13 =	smov.u32 s11;
	p0 =	por !p0, !p0;
	[sflag:s14] =	ssyncset.done @!p1 $0x0  }
0x24: {  	s12 =	smov.u32 s16;
	s11 =	smov.u32 s15;
	[sflag:s14] =	ssyncadd.s32 @!p1 $0xFFFFFF80  }
.LBB2_1:
0x25: {  	p1 =	sge.u32 s12, s8  }
0x26: {  	s14 =	sxor.u32 @!p1 $0xFFFFFFFF, s12  }
0x27: {  	s31 =	sadd.s32 $0xFFFFFFFF, s12;
	s15 =	sshrl.u32 @!p1 s11, $0x3;
	s14 =	sshll.u32 @!p1 s14, $0x7  }
0x28: {  	s16 =	sand.u32 @!p1 $0x7, s11;
	s15 =	sadd.s32 @!p1 s3, s15;
	s14 =	sand.u32 @!p1 $0x80, s14  }
0x29: {  	[tilespmem:s14], [sflag:$0x2] =	stream.linear.gather @!p1 [hbm4b:s15+s16], $0x80, $0x38;
	[tilespmem:$0x200] =	vst v63  }
0x2a: {  	p1 =	sge.u32 s31, s8  }
.Ltmp2:
0x2b: {  	_ = 	snop;
	(pc) =	sbr.rel @p1 .LBB2_5-.Ltmp2, $1  }
0x2c: {  	_ =	sdelay $0x3  }
0x2d: {  	s14 =	simm.s32 $0x1  }
0x2e: {  	_ =	swait.ge [sflag:s7], $0x80;
	s14 =	simm.s32 @!p0 $0x0  }
0x2f: {  	[sflag:s7] =	ssyncset.done $0x0;
	s14 =	sshll.u32 s14, $0x7  }
0x30: {  	[sflag:s7] =	ssyncadd.s32 $0xFFFFFF80;
	(ifvalue) =	ssetifvalue $0x7FFFFFFF;
	v0 =	vld.msk [tilespmem:s14+$0x0 ss:$0x1], $0xffff;
	_ =	sdelay $0x4  }
0x31: {  	s15 =	sadd.s32 $0x10, s14;
	v2 =	vshrl.u32 v0, $0xD;
	v3 =	vshll.u32 v0, $0x7  }
0x32: {  	v1 =	vld.msk [tilespmem:s15+$0x0 ss:$0x1], $0xffff;
	vm1 =	veq.s32 v0, $0x80000000;
	v0 =	vand.u32 $0x7, v2;
	v2 =	vand.u32 $0xFFF80, v3  }
0x33: {  	v0 =	vsel vm1, $0xFFFFFFFF, v0;
	v2 =	vsel vm1, $0xFFFFFF80, v2  }
0x34: {  	v3 =	vand.u32 $0xFFFFFC00, v2;
	v4 =	vand.u32 $0xFFFFFC00, v0  }
0x35: {  	v2 =	vand.u32 $0x380, v2;
	v3 =	vadd.s32 v4, v3  }
0x36: {  	v0 =	vand.u32 $0x7F, v0;
	v2 =	vor.u32 v2, v3  }
0x37: {  	v5 =	vshll.u32 v1, $0x7;
	v4 =	vshrl.u32 v1, $0xD;
	v0 =	vor.u32 v0, v2  }
0x38: {  	s16 =	sshll.u32 s12, $0x7;
	vm1 =	veq.s32 v1, $0x80000000;
	v1 =	vand.u32 $0x7, v4;
	v4 =	vand.u32 $0xFFF80, v5  }
0x39: {  	s16 =	sand.u32 $0x80, s16;
	s18 =	sadd.s32 $0x10, s15;
	v3 =	vsel vm1, $0xFFFFFFFF, v1;
	v4 =	vsel vm1, $0xFFFFFF80, v4  }
0x3a: {  	s17 =	simm.s32 $0x20;
	s15 =	sor.u32 $0x100, s14;
	s14 =	sor.u32 $0x100, s16;
	v1 =	vld.msk [tilespmem:s18+$0x0 ss:$0x1], $0xffff;
	v5 =	vand.u32 $0xFFFFFC00, v4;
	v6 =	vand.u32 $0xFFFFFC00, v3  }
0x3b: {  	s16 =	sadd.s32 $0x10, s15;
	s18 =	sadd.s32 $0x10, s18;
	(ifvalue) =	ssetifvalue $0x7FFFFFFF;
	v2 =	vand.u32 $0x7F, v3;
	v4 =	vand.u32 $0x380, v4;
	v3 =	vadd.s32 v6, v5  }
.LBB2_3:
0x3c: {  	[tilespmem:s15], [sflag:$0x1] =	stream.indirect_vreg.gather [hbm4b:s2+s10], $0x1, v0, vm0, $0x4038;
	[tilespmem:$0x200] =	vst v63  }
0x3d: {  	s17 =	sadd.s32 $0x10, s17  }
0x3e: {  	v3 =	vor.u32 v4, v3;
	p1 =	slt.u32 s17, $0x70  }
.Ltmp3:
0x3f: {  	v4 =	vshrl.u32 v1, $0xD;
	v5 =	vshll.u32 v1, $0x7;
	s15 =	smov.u32 s16;
	v0 =	vor.u32 v2, v3;
	v2 =	vmovc v1;
	v1 =	vld.msk [tilespmem:s18+$0x0 ss:$0x1], $0xffff;
	(pc) =	sbr.rel @p1 .LBB2_3-.Ltmp3, $4  }
0x40: {  	v3 =	vand.u32 $0xFFF80, v5;
	vm1 =	veq.s32 v2, $0x80000000;
	v2 =	vand.u32 $0x7, v4  }
0x41: {  	v4 =	vsel vm1, $0xFFFFFFFF, v2;
	v5 =	vsel vm1, $0xFFFFFF80, v3  }
0x42: {  	v2 =	vand.u32 $0x7F, v4;
	v3 =	vand.u32 $0xFFFFFC00, v5;
	v4 =	vand.u32 $0xFFFFFC00, v4  }
0x43: {  	s16 =	sadd.s32 $0x10, s16;
	s18 =	sadd.s32 $0x10, s18;
	v3 =	vadd.s32 v4, v3;
	v4 =	vand.u32 $0x380, v5;
	(ifvalue) =	ssetifvalue $0x7FFFFFFF  }
.Ltmp4:
0x44: {  	_ = 	snop;
	(pc) =	sbr.rel .LBB2_4-.Ltmp4, $1  }
0x45: {  	_ =	sdelay $0x3  }
.LBB2_6:
0x46: {  	_ =	sfence.sel $0x180000  }
0x47: {  	s2 =	simm.s32 $0x2;
	[bflag:$0x0] =	sbarrier.arrive $0xFFFF  }
0x48: {  	s30 =	simm.s32 $0x3;
	[sflag:s2] =	ssyncpa.u1 $0x1  }
0x49: {  	s31 =	simm.s32 $0x1;
	[sflag:s30] =	ssyncpa.u1 $0x1  }
0x4a: {  	[sflag:s31] =	ssyncpa.u1 $0x1  }
0x4b: {  	p0 =	sne.s32 s0, $0x0;
	_ =	strace $0x90000047  }
0x4c: {  	s0 =	sadd.s32 @!p0 $0x100000, s1;
	[bflag:$0x2] =	sbarrier.arrive $0xFFFF  }
0x4d: {  	[sflag:s0] =	ssyncadd.tile.s32 @!p0 $0x1;
	_ =	shalt  }
.Lfunc_end2:
_tile_overlayer_lowered:
.L_overlay_start_2:
0x4e: {  	(tag) =	ssettag $0x2  }
0x4f: {  	s0 =	rddreg [dreg:$0x0];
	s2 =	stileid.u32  }
0x50: {  	s1 =	rddreg [dreg:$0x1];
	p0 =	sne.s32 s2, $0x0  }
0x51: {  	s3 =	rddreg [dreg:$0x2];
	[bflag:$0x3] =	sbarrier.arrive $0xFFFF;
	s2 =	simm.s32 @!p0 $0x1C01  }
0x52: {  	[timem:s3], [sflag:s2] =	dma.local @!p0 [hbm:s0], s1  }
0x53: {  	s0 =	simm.s32 @!p0 $0x1  }
0x54: {  	_ =	swait.ge @!p0 [sflag:s0], s1  }
0x55: {  	s1 =	ssub.s32 @!p0 $0x0, s1;
	[sflag:s0] =	ssyncset.done @!p0 $0x0  }
0x56: {  	[sflag:s0] =	ssyncadd.s32 @!p0 s1  }
0x57: {  	[bflag:$0x3] =	sbarrier.arrive $0xFFFF  }
0x58: {  	_ =	shalt  }

</sc_bundles>
